<compile_context>
chip_gen: v7x
topology: tpu7x:2x2x1
jax: 0.10.2.dev20260603
libtpu: 0.0.44.dev20260713+nightly
codegen_flags: <defaults>
</compile_context>

<pallas_src>
import functools

import jax
import jax.numpy as jnp
from jax import lax
from jax.experimental import pallas as pl
from jax.experimental.pallas import tpu as pltpu
from jax.experimental.pallas import tpu_sc as plsc

_G = 256
_NC = 2
_NS = 16
_CH = 64
_NBUF = 5



def _prep_body(n_nodes, x_ref, aemb_ref, attr_ref, src_ref, h0_ref, gidx_ref):
    ae = aemb_ref[...]
    delta = ae[:, 1, :] - ae[:, 0, :]
    base = jnp.sum(ae[:, 0, :], axis=0, keepdims=True)
    xf = x_ref[...].astype(jnp.float32)
    h0_ref[...] = (
        jnp.dot(xf, delta, preferred_element_type=jnp.float32) + base
    )
    a = attr_ref[...]
    code = a[0] + 2 * a[1] + 4 * a[2]
    gidx_ref[...] = code * n_nodes + src_ref[...]


def _expand_body(h_ref, bemb_ref, hp_ref):
    c = pl.program_id(0)
    be = bemb_ref[...]
    e = jnp.zeros((1, be.shape[2]), jnp.float32)
    for k in range(3):
        bit = (c >> k) & 1
        e = e + jnp.where(bit == 1, be[k, 1:2, :], be[k, 0:1, :])
    hp_ref[...] = jnp.maximum(h_ref[...] + e, 0.0)


def _mlp_body(n_nodes, aggp_ref, h_ref, wa_ref, ba_ref, g_ref, be_ref,
              wb_ref, bb_ref, out_ref):
    z = aggp_ref[0, :n_nodes, :] + aggp_ref[1, :n_nodes, :] + h_ref[...]
    t = jnp.dot(z, wa_ref[...], preferred_element_type=jnp.float32) + ba_ref[...]
    mu = jnp.mean(t, axis=0, keepdims=True)
    var = jnp.mean((t - mu) * (t - mu), axis=0, keepdims=True)
    t = g_ref[...] * (t - mu) * lax.rsqrt(var + 1e-5) + be_ref[...]
    t = jnp.maximum(t, 0.0)
    o = jnp.dot(t, wb_ref[...], preferred_element_type=jnp.float32) + bb_ref[...]
    out_ref[...] = jnp.maximum(o, 0.0)


def _pool_body(num_graphs, h_ref, batch_ref, out_ref):
    h = h_ref[...]
    b = batch_ref[...]
    gio = lax.broadcasted_iota(jnp.int32, (h.shape[0], num_graphs), 1)
    onehot = (b == gio).astype(jnp.float32)
    out_ref[...] = lax.dot_general(
        onehot, h, (((0,), (0,)), ((), ())),
        preferred_element_type=jnp.float32)



def _make_sc_agg(n_nodes, d, nch0, nch1):
    n_acc = ((n_nodes + 8 + 8 * _NS - 1) // (8 * _NS)) * (8 * _NS)
    rpt = n_acc // _NS
    mesh = plsc.VectorSubcoreMesh(core_axis_name="c", subcore_axis_name="s")

    @functools.partial(
        pl.kernel,
        out_type=jax.ShapeDtypeStruct((_NC, n_acc, d), jnp.float32),
        mesh=mesh,
        scratch_types=[
            [pltpu.VMEM((_CH,), jnp.int32) for _ in range(_NBUF)],
            [pltpu.VMEM((_CH,), jnp.int32) for _ in range(_NBUF)],
            [pltpu.VMEM((_CH, d), jnp.float32) for _ in range(_NBUF)],
            pltpu.VMEM_SHARED((n_acc, d), jnp.float32),
            [pltpu.SemaphoreType.DMA for _ in range(_NBUF)],
            [pltpu.SemaphoreType.DMA for _ in range(_NBUF)],
            [pltpu.SemaphoreType.DMA for _ in range(_NBUF)],
            [pltpu.SemaphoreType.DMA for _ in range(_NBUF)],
        ],
    )
    def sc_agg(hp_hbm, gidx_hbm, dst_hbm, zero_hbm, out_hbm,
               gix, dsx, bufs, acc_sh, gsem, ssem, igsem, idsem):
        cid = lax.axis_index("c")
        sid = lax.axis_index("s")
        nch = jnp.where(cid == 0, nch0, nch1)
        base = jnp.where(cid == 0, sid * nch0,
                         _NS * nch0 + sid * nch1) * _CH

        def pre_gidx(b, j):
            pltpu.async_copy(gidx_hbm.at[pl.ds(base + j * _CH, _CH)],
                             gix[b], igsem[b])

        def pre_dst(b, j):
            pltpu.async_copy(dst_hbm.at[pl.ds(base + j * _CH, _CH)],
                             dsx[b], idsem[b])

        def wait_pre_gidx(b, j):
            pltpu.make_async_copy(gidx_hbm.at[pl.ds(base + j * _CH, _CH)],
                                  gix[b], igsem[b]).wait()

        def wait_pre_dst(b, j):
            pltpu.make_async_copy(dst_hbm.at[pl.ds(base + j * _CH, _CH)],
                                  dsx[b], idsem[b]).wait()

        def gather(b):
            pltpu.async_copy(hp_hbm.at[gix[b]], bufs[b], gsem[b])

        def wait_gather(b):
            pltpu.make_async_copy(hp_hbm.at[gix[b]], bufs[b], gsem[b]).wait()

        def scatter(b):
            pltpu.async_copy(bufs[b], acc_sh.at[dsx[b]], ssem[b], add=True)

        def wait_scatter(b):
            pltpu.make_async_copy(bufs[b], acc_sh.at[dsx[b]], ssem[b]).wait()

        with jax.named_scope("sc_zinit"):
            for b in range(_NBUF):
                pre_gidx(b, b)
                pre_dst(b, b)
            arow = pl.multiple_of(sid * rpt, 8)
            pltpu.sync_copy(zero_hbm.at[pl.ds(arow, rpt)],
                            acc_sh.at[pl.ds(arow, rpt)])
            for b in range(_NBUF):
                wait_pre_gidx(b, b)
                gather(b)
            plsc.subcore_barrier()

        def body(i, carry):
            j = _NBUF * i
            for b in range(_NBUF):
                wait_gather(b)
                pre_gidx(b, j + _NBUF + b)
                wait_pre_dst(b, j + b)
                scatter(b)
            for b in range(_NBUF):
                wait_scatter(b)
                pre_dst(b, j + _NBUF + b)
                wait_pre_gidx(b, j + _NBUF + b)
                gather(b)
            return carry

        with jax.named_scope("sc_loop"):
            lax.fori_loop(0, nch // _NBUF - 1, body, jnp.int32(0), unroll=False)
            for b in range(_NBUF):
                wait_gather(b)
                wait_pre_dst(b, nch - _NBUF + b)
                scatter(b)
            for b in range(_NBUF):
                wait_scatter(b)
            plsc.subcore_barrier()
        with jax.named_scope("sc_out"):
            row0 = pl.multiple_of(sid * rpt, 8)
            pltpu.sync_copy(acc_sh.at[pl.ds(row0, rpt)],
                            out_hbm.at[cid, pl.ds(row0, rpt)])

    return sc_agg



def kernel(x, edge_index, edge_attr, batch, atom_emb, bond_emb1, bond_emb2,
           W1a, b1a, g1, be1, W1b, b1b, W2a, b2a, g2, be2, W2b, b2b):
    n, d = x.shape[0], atom_emb.shape[2]
    e = edge_index.shape[1]
    tot_min = (e + _NS * _CH - 1) // (_NS * _CH)
    nch0 = max(2 * _NBUF, int(round(tot_min * 0.97 / _NBUF)) * _NBUF)
    nch1 = max(2 * _NBUF, -(-(tot_min - nch0) // _NBUF) * _NBUF)
    e_pad = _NS * (nch0 + nch1) * _CH
    m = e_pad // _CH
    f32 = jnp.float32

    src_pad = jnp.concatenate(
        [edge_index[0], jnp.zeros((e_pad - e,), jnp.int32)]).reshape(m, _CH)
    attr_pad = jnp.pad(edge_attr.T, ((0, 0), (0, e_pad - e))).reshape(3, m, _CH)
    dst_pad = jnp.concatenate(
        [edge_index[1], jnp.full((e_pad - e,), n, jnp.int32)])
    n_acc = ((n + 8 + 8 * _NS - 1) // (8 * _NS)) * (8 * _NS)
    zero_acc = jnp.zeros((n_acc, d), f32)

    h0, gidx2d = pl.pallas_call(
        functools.partial(_prep_body, n),
        out_shape=[jax.ShapeDtypeStruct((n, d), f32),
                   jax.ShapeDtypeStruct((m, _CH), jnp.int32)],
    )(x, atom_emb, attr_pad, src_pad)
    gidx = gidx2d.reshape(e_pad)

    def expand(h, bemb):
        return pl.pallas_call(
            _expand_body,
            grid=(8,),
            in_specs=[pl.BlockSpec((n, d), lambda c: (0, 0)),
                      pl.BlockSpec((3, 2, d), lambda c: (0, 0, 0))],
            out_specs=pl.BlockSpec((n, d), lambda c: (c, 0)),
            out_shape=jax.ShapeDtypeStruct((8 * n, d), f32),
        )(h, bemb)

    sc_agg = _make_sc_agg(n, d, nch0, nch1)

    def mlp(aggp, h, wa, ba, g, be, wb, bb):
        return pl.pallas_call(
            functools.partial(_mlp_body, n),
            out_shape=jax.ShapeDtypeStruct((n, d), f32),
        )(aggp, h, wa, ba.reshape(1, -1), g.reshape(1, -1),
          be.reshape(1, -1), wb, bb.reshape(1, -1))

    hp1 = expand(h0, bond_emb1)
    aggp1 = sc_agg(hp1, gidx, dst_pad, zero_acc)
    h1 = mlp(aggp1, h0, W1a, b1a, g1, be1, W1b, b1b)
    hp2 = expand(h1, bond_emb2)
    aggp2 = sc_agg(hp2, gidx, dst_pad, zero_acc)
    h2 = mlp(aggp2, h1, W2a, b2a, g2, be2, W2b, b2b)
    pooled = pl.pallas_call(
        functools.partial(_pool_body, _G),
        out_shape=jax.ShapeDtypeStruct((_G, d), f32),
    )(h2, batch.reshape(n, 1))
    return pooled

# --- scband reference (transcript-rebuilt; emitter-appended) ---
"""Pipeline reference for scband-molecule-encoder-64553358458976 (READ-ONLY COPY).

The authoritative reference and input builder live on the scoring server;
editing this copy changes nothing except your own understanding.
"""

import jax, jax.numpy as jnp
import numpy as np

N = 10000
E = 320000
D = 128
G = 256


def setup_inputs(seed: int = 0) -> dict:
    key = jax.random.key(seed)
    ks = jax.random.split(key, 20)
    s = 0.05
    inp = {}
    inp['x'] = jax.random.randint(ks[0], (N, 9), 0, 2)
    inp['edge_index'] = jax.random.randint(ks[1], (2, E), 0, N)
    inp['edge_attr'] = jax.random.randint(ks[2], (E, 3), 0, 2)
    inp['batch'] = jnp.sort(jax.random.randint(ks[3], (N,), 0, G))
    # AtomEncoder: one embedding table per categorical atom feature (9 tables, vocab 2, dim D)
    inp['atom_emb'] = jax.random.normal(ks[4], (9, 2, D), dtype=jnp.float32) * s
    # BondEncoder per conv (conv1.bond_encoder, conv2.bond_encoder): 3 tables each
    inp['bond_emb1'] = jax.random.normal(ks[5], (3, 2, D), dtype=jnp.float32) * s
    inp['bond_emb2'] = jax.random.normal(ks[6], (3, 2, D), dtype=jnp.float32) * s
    # conv1.nn: Linear(D, 2D) -> BN(2D) -> ReLU -> Linear(2D, D) -> ReLU
    inp['W1a'] = jax.random.normal(ks[7], (D, 2 * D), dtype=jnp.float32) * s
    inp['b1a'] = jnp.zeros((2 * D,), dtype=jnp.float32)
    inp['g1'] = jnp.ones((2 * D,), dtype=jnp.float32)
    inp['be1'] = jnp.zeros((2 * D,), dtype=jnp.float32)
    inp['W1b'] = jax.random.normal(ks[8], (2 * D, D), dtype=jnp.float32) * s
    inp['b1b'] = jnp.zeros((D,), dtype=jnp.float32)
    # conv2.nn: Linear(D, D) -> BN(D) -> ReLU -> Linear(D, D) -> ReLU
    inp['W2a'] = jax.random.normal(ks[9], (D, D), dtype=jnp.float32) * s
    inp['b2a'] = jnp.zeros((D,), dtype=jnp.float32)
    inp['g2'] = jnp.ones((D,), dtype=jnp.float32)
    inp['be2'] = jnp.zeros((D,), dtype=jnp.float32)
    inp['W2b'] = jax.random.normal(ks[10], (D, D), dtype=jnp.float32) * s
    inp['b2b'] = jnp.zeros((D,), dtype=jnp.float32)
    return inp


def _batchnorm(h, gamma, beta):
    # BatchNorm1d in training mode: normalize with batch statistics
    mu = jnp.mean(h, axis=0)
    var = jnp.var(h, axis=0)
    return gamma * (h - mu) / jnp.sqrt(var + 1e-5) + beta


def _gin_conv(h, edge_index, edge_emb, Wa, ba, gamma, beta, Wb, bb):
    src = edge_index[0]
    dst = edge_index[1]
    # message: relu(x_j + edge_attr), aggr='add' at dst
    msg = jax.nn.relu(h[src] + edge_emb)
    agg = jax.ops.segment_sum(msg, dst, num_segments=h.shape[0])
    out = agg + h
    out = out @ Wa + ba
    out = _batchnorm(out, gamma, beta)
    out = jax.nn.relu(out)
    out = out @ Wb + bb
    out = jax.nn.relu(out)
    return out


def reference(x, edge_index, edge_attr, batch, atom_emb, bond_emb1, bond_emb2,
              W1a, b1a, g1, be1, W1b, b1b, W2a, b2a, g2, be2, W2b, b2b):
    # AtomEncoder: sum of per-feature embeddings
    feat_idx = jnp.arange(9)[None, :]
    h = jnp.sum(atom_emb[feat_idx, x], axis=1)  # [N, D]
    ef_idx = jnp.arange(3)[None, :]
    # conv1
    e1 = jnp.sum(bond_emb1[ef_idx, edge_attr], axis=1)  # [E, D]
    h = _gin_conv(h, edge_index, e1, W1a, b1a, g1, be1, W1b, b1b)
    h = jax.nn.relu(h)
    # conv2
    e2 = jnp.sum(bond_emb2[ef_idx, edge_attr], axis=1)
    h = _gin_conv(h, edge_index, e2, W2a, b2a, g2, be2, W2b, b2b)
    h = jax.nn.relu(h)
    # global_add_pool
    pooled = jax.ops.segment_sum(h, batch, num_segments=G)  # [G, D]
    return pooled

if __name__ == "__main__":
    import jax
    _d = setup_inputs()
    print(jax.jit(kernel)(*tuple(_d.values())))

</pallas_src>

<mosaic_0001>
#map = affine_map<(d0, d1) -> (0, 0)>
#map1 = affine_map<(d0, d1) -> (0)>
#map2 = affine_map<(d0, d1) -> (0, 0, 0)>
module attributes {stable_mosaic.version = 14 : i64} {
  func.func @sc_agg(%arg0: i32, %arg1: i32, %arg2: memref<80000x128xf32, #tpu.memory_space<hbm>>, %arg3: memref<322560xi32, #tpu.memory_space<hbm>>, %arg4: memref<322560xi32, #tpu.memory_space<hbm>>, %arg5: memref<10112x128xf32, #tpu.memory_space<hbm>>, %arg6: memref<2x10112x128xf32, #tpu.memory_space<hbm>>, %arg7: memref<64xi32, #tpu.memory_space<vmem>>, %arg8: memref<64xi32, #tpu.memory_space<vmem>>, %arg9: memref<64xi32, #tpu.memory_space<vmem>>, %arg10: memref<64xi32, #tpu.memory_space<vmem>>, %arg11: memref<64xi32, #tpu.memory_space<vmem>>, %arg12: memref<64xi32, #tpu.memory_space<vmem>>, %arg13: memref<64xi32, #tpu.memory_space<vmem>>, %arg14: memref<64xi32, #tpu.memory_space<vmem>>, %arg15: memref<64xi32, #tpu.memory_space<vmem>>, %arg16: memref<64xi32, #tpu.memory_space<vmem>>, %arg17: memref<64x128xf32, #tpu.memory_space<vmem>>, %arg18: memref<64x128xf32, #tpu.memory_space<vmem>>, %arg19: memref<64x128xf32, #tpu.memory_space<vmem>>, %arg20: memref<64x128xf32, #tpu.memory_space<vmem>>, %arg21: memref<64x128xf32, #tpu.memory_space<vmem>>, %arg22: memref<10112x128xf32, #tpu.memory_space<vmem_shared>>, %arg23: memref<!tpu.dma_semaphore, #tpu.memory_space<semaphore_mem>>, %arg24: memref<!tpu.dma_semaphore, #tpu.memory_space<semaphore_mem>>, %arg25: memref<!tpu.dma_semaphore, #tpu.memory_space<semaphore_mem>>, %arg26: memref<!tpu.dma_semaphore, #tpu.memory_space<semaphore_mem>>, %arg27: memref<!tpu.dma_semaphore, #tpu.memory_space<semaphore_mem>>, %arg28: memref<!tpu.dma_semaphore, #tpu.memory_space<semaphore_mem>>, %arg29: memref<!tpu.dma_semaphore, #tpu.memory_space<semaphore_mem>>, %arg30: memref<!tpu.dma_semaphore, #tpu.memory_space<semaphore_mem>>, %arg31: memref<!tpu.dma_semaphore, #tpu.memory_space<semaphore_mem>>, %arg32: memref<!tpu.dma_semaphore, #tpu.memory_space<semaphore_mem>>, %arg33: memref<!tpu.dma_semaphore, #tpu.memory_space<semaphore_mem>>, %arg34: memref<!tpu.dma_semaphore, #tpu.memory_space<semaphore_mem>>, %arg35: memref<!tpu.dma_semaphore, #tpu.memory_space<semaphore_mem>>, %arg36: memref<!tpu.dma_semaphore, #tpu.memory_space<semaphore_mem>>, %arg37: memref<!tpu.dma_semaphore, #tpu.memory_space<semaphore_mem>>, %arg38: memref<!tpu.dma_semaphore, #tpu.memory_space<semaphore_mem>>, %arg39: memref<!tpu.dma_semaphore, #tpu.memory_space<semaphore_mem>>, %arg40: memref<!tpu.dma_semaphore, #tpu.memory_space<semaphore_mem>>, %arg41: memref<!tpu.dma_semaphore, #tpu.memory_space<semaphore_mem>>, %arg42: memref<!tpu.dma_semaphore, #tpu.memory_space<semaphore_mem>>) attributes {dimension_semantics = [#tpu.dimension_semantics<core_parallel>, #tpu.dimension_semantics<subcore_parallel>], iteration_bounds = array<i64: 2, 16>, scalar_prefetch = 0 : i64, scratch_operands = 36 : i64, tpu.core_type = #tpu.core_type<sc_vector_subcore>, window_params = [{transform_indices = #map}, {transform_indices = #map1}, {transform_indices = #map1}, {transform_indices = #map}, {transform_indices = #map2}]} {
    %eq3A = arith.constant 0 : i32
    %eq3A_0 = arith.cmpi eq, %arg0, %eq3A : i32
    %jit3A = arith.constant 305 : i32
    %jit3A_1 = arith.constant 10 : i32
    %select_n3A = arith.select %eq3A_0, %jit3A, %jit3A_1 : i32
    %eq3A_2 = arith.constant 0 : i32
    %eq3A_3 = arith.cmpi eq, %arg0, %eq3A_2 : i32
    %mul3A = arith.constant 305 : i32
    %mul3A_4 = arith.muli %arg1, %mul3A : i32
    %mul3A_5 = arith.constant 10 : i32
    %mul3A_6 = arith.muli %arg1, %mul3A_5 : i32
    %add3A = arith.constant 4880 : i32
    %add3A_7 = arith.addi %add3A, %mul3A_6 : i32
    %select_n3A_8 = arith.select %eq3A_3, %mul3A_4, %add3A_7 : i32
    %mul3A_9 = arith.constant 64 : i32
    %mul3A_10 = arith.muli %select_n3A_8, %mul3A_9 : i32
    "tpu.trace_start"() <{level = 10 : i32, message = "sc_zinit"}> : () -> ()
    %add3A_11 = arith.constant 0 : i32
    %add3A_12 = arith.addi %mul3A_10, %add3A_11 : i32
    %dma_start3A = tpu.memref_slice %arg3[%add3A_12] : memref<322560xi32, #tpu.memory_space<hbm>> -> memref<64xi32, #tpu.memory_space<hbm>>
    %dma_start3A_13 = tpu.memref_slice %arg3[%add3A_12] : memref<322560xi32, #tpu.memory_space<hbm>> -> memref<64xi32, #tpu.memory_space<hbm>>
    tpu.enqueue_dma source(%dma_start3A_13 : memref<64xi32, #tpu.memory_space<hbm>>) target(%arg7 : memref<64xi32, #tpu.memory_space<vmem>>) target_semaphore(%arg33 : memref<!tpu.dma_semaphore, #tpu.memory_space<semaphore_mem>>)
    %add3A_14 = arith.constant 0 : i32
    %add3A_15 = arith.addi %mul3A_10, %add3A_14 : i32
    %dma_start3A_16 = tpu.memref_slice %arg4[%add3A_15] : memref<322560xi32, #tpu.memory_space<hbm>> -> memref<64xi32, #tpu.memory_space<hbm>>
    %dma_start3A_17 = tpu.memref_slice %arg4[%add3A_15] : memref<322560xi32, #tpu.memory_space<hbm>> -> memref<64xi32, #tpu.memory_space<hbm>>
    tpu.enqueue_dma source(%dma_start3A_17 : memref<64xi32, #tpu.memory_space<hbm>>) target(%arg12 : memref<64xi32, #tpu.memory_space<vmem>>) target_semaphore(%arg38 : memref<!tpu.dma_semaphore, #tpu.memory_space<semaphore_mem>>)
    %add3A_18 = arith.constant 64 : i32
    %add3A_19 = arith.addi %mul3A_10, %add3A_18 : i32
    %dma_start3A_20 = tpu.memref_slice %arg3[%add3A_19] : memref<322560xi32, #tpu.memory_space<hbm>> -> memref<64xi32, #tpu.memory_space<hbm>>
    %dma_start3A_21 = tpu.memref_slice %arg3[%add3A_19] : memref<322560xi32, #tpu.memory_space<hbm>> -> memref<64xi32, #tpu.memory_space<hbm>>
    tpu.enqueue_dma source(%dma_start3A_21 : memref<64xi32, #tpu.memory_space<hbm>>) target(%arg8 : memref<64xi32, #tpu.memory_space<vmem>>) target_semaphore(%arg34 : memref<!tpu.dma_semaphore, #tpu.memory_space<semaphore_mem>>)
    %add3A_22 = arith.constant 64 : i32
    %add3A_23 = arith.addi %mul3A_10, %add3A_22 : i32
    %dma_start3A_24 = tpu.memref_slice %arg4[%add3A_23] : memref<322560xi32, #tpu.memory_space<hbm>> -> memref<64xi32, #tpu.memory_space<hbm>>
    %dma_start3A_25 = tpu.memref_slice %arg4[%add3A_23] : memref<322560xi32, #tpu.memory_space<hbm>> -> memref<64xi32, #tpu.memory_space<hbm>>
    tpu.enqueue_dma source(%dma_start3A_25 : memref<64xi32, #tpu.memory_space<hbm>>) target(%arg13 : memref<64xi32, #tpu.memory_space<vmem>>) target_semaphore(%arg39 : memref<!tpu.dma_semaphore, #tpu.memory_space<semaphore_mem>>)
    %add3A_26 = arith.constant 128 : i32
    %add3A_27 = arith.addi %mul3A_10, %add3A_26 : i32
    %dma_start3A_28 = tpu.memref_slice %arg3[%add3A_27] : memref<322560xi32, #tpu.memory_space<hbm>> -> memref<64xi32, #tpu.memory_space<hbm>>
    %dma_start3A_29 = tpu.memref_slice %arg3[%add3A_27] : memref<322560xi32, #tpu.memory_space<hbm>> -> memref<64xi32, #tpu.memory_space<hbm>>
    tpu.enqueue_dma source(%dma_start3A_29 : memref<64xi32, #tpu.memory_space<hbm>>) target(%arg9 : memref<64xi32, #tpu.memory_space<vmem>>) target_semaphore(%arg35 : memref<!tpu.dma_semaphore, #tpu.memory_space<semaphore_mem>>)
    %add3A_30 = arith.constant 128 : i32
    %add3A_31 = arith.addi %mul3A_10, %add3A_30 : i32
    %dma_start3A_32 = tpu.memref_slice %arg4[%add3A_31] : memref<322560xi32, #tpu.memory_space<hbm>> -> memref<64xi32, #tpu.memory_space<hbm>>
    %dma_start3A_33 = tpu.memref_slice %arg4[%add3A_31] : memref<322560xi32, #tpu.memory_space<hbm>> -> memref<64xi32, #tpu.memory_space<hbm>>
    tpu.enqueue_dma source(%dma_start3A_33 : memref<64xi32, #tpu.memory_space<hbm>>) target(%arg14 : memref<64xi32, #tpu.memory_space<vmem>>) target_semaphore(%arg40 : memref<!tpu.dma_semaphore, #tpu.memory_space<semaphore_mem>>)
    %add3A_34 = arith.constant 192 : i32
    %add3A_35 = arith.addi %mul3A_10, %add3A_34 : i32
    %dma_start3A_36 = tpu.memref_slice %arg3[%add3A_35] : memref<322560xi32, #tpu.memory_space<hbm>> -> memref<64xi32, #tpu.memory_space<hbm>>
    %dma_start3A_37 = tpu.memref_slice %arg3[%add3A_35] : memref<322560xi32, #tpu.memory_space<hbm>> -> memref<64xi32, #tpu.memory_space<hbm>>
    tpu.enqueue_dma source(%dma_start3A_37 : memref<64xi32, #tpu.memory_space<hbm>>) target(%arg10 : memref<64xi32, #tpu.memory_space<vmem>>) target_semaphore(%arg36 : memref<!tpu.dma_semaphore, #tpu.memory_space<semaphore_mem>>)
    %add3A_38 = arith.constant 192 : i32
    %add3A_39 = arith.addi %mul3A_10, %add3A_38 : i32
    %dma_start3A_40 = tpu.memref_slice %arg4[%add3A_39] : memref<322560xi32, #tpu.memory_space<hbm>> -> memref<64xi32, #tpu.memory_space<hbm>>
    %dma_start3A_41 = tpu.memref_slice %arg4[%add3A_39] : memref<322560xi32, #tpu.memory_space<hbm>> -> memref<64xi32, #tpu.memory_space<hbm>>
    tpu.enqueue_dma source(%dma_start3A_41 : memref<64xi32, #tpu.memory_space<hbm>>) target(%arg15 : memref<64xi32, #tpu.memory_space<vmem>>) target_semaphore(%arg41 : memref<!tpu.dma_semaphore, #tpu.memory_space<semaphore_mem>>)
    %add3A_42 = arith.constant 256 : i32
    %add3A_43 = arith.addi %mul3A_10, %add3A_42 : i32
    %dma_start3A_44 = tpu.memref_slice %arg3[%add3A_43] : memref<322560xi32, #tpu.memory_space<hbm>> -> memref<64xi32, #tpu.memory_space<hbm>>
    %dma_start3A_45 = tpu.memref_slice %arg3[%add3A_43] : memref<322560xi32, #tpu.memory_space<hbm>> -> memref<64xi32, #tpu.memory_space<hbm>>
    tpu.enqueue_dma source(%dma_start3A_45 : memref<64xi32, #tpu.memory_space<hbm>>) target(%arg11 : memref<64xi32, #tpu.memory_space<vmem>>) target_semaphore(%arg37 : memref<!tpu.dma_semaphore, #tpu.memory_space<semaphore_mem>>)
    %add3A_46 = arith.constant 256 : i32
    %add3A_47 = arith.addi %mul3A_10, %add3A_46 : i32
    %dma_start3A_48 = tpu.memref_slice %arg4[%add3A_47] : memref<322560xi32, #tpu.memory_space<hbm>> -> memref<64xi32, #tpu.memory_space<hbm>>
    %dma_start3A_49 = tpu.memref_slice %arg4[%add3A_47] : memref<322560xi32, #tpu.memory_space<hbm>> -> memref<64xi32, #tpu.memory_space<hbm>>
    tpu.enqueue_dma source(%dma_start3A_49 : memref<64xi32, #tpu.memory_space<hbm>>) target(%arg16 : memref<64xi32, #tpu.memory_space<vmem>>) target_semaphore(%arg42 : memref<!tpu.dma_semaphore, #tpu.memory_space<semaphore_mem>>)
    %mul3A_50 = arith.constant 632 : i32
    %mul3A_51 = arith.muli %arg1, %mul3A_50 : i32
    %multiple_of3A = tpu.assume_multiple %mul3A_51, 8 : i32
    "tpu.region"() ({
      %run_scoped3A = tpu.sem_alloc : memref<!tpu.dma_semaphore, #tpu.memory_space<semaphore_mem>>
      %dma_start3A_209 = arith.constant 0 : i32
      %dma_start3A_210 = tpu.memref_slice %arg22[%multiple_of3A, %dma_start3A_209] : memref<10112x128xf32, #tpu.memory_space<vmem_shared>> -> memref<632x128xf32, #tpu.memory_space<vmem_shared>>
      %dma_start3A_211 = arith.constant 0 : i32
      %dma_start3A_212 = tpu.memref_slice %arg5[%multiple_of3A, %dma_start3A_211] : memref<10112x128xf32, #tpu.memory_space<hbm>> -> memref<632x128xf32, #tpu.memory_space<hbm>>
      tpu.enqueue_dma source(%dma_start3A_212 : memref<632x128xf32, #tpu.memory_space<hbm>>) target(%dma_start3A_210 : memref<632x128xf32, #tpu.memory_space<vmem_shared>>) target_semaphore(%run_scoped3A : memref<!tpu.dma_semaphore, #tpu.memory_space<semaphore_mem>>)
      %dma_wait3A_213 = arith.constant 0 : i32
      %dma_wait3A_214 = tpu.memref_slice %arg22[%multiple_of3A, %dma_wait3A_213] : memref<10112x128xf32, #tpu.memory_space<vmem_shared>> -> memref<632x128xf32, #tpu.memory_space<vmem_shared>>
      %dma_wait3A_215 = arith.constant 0 : i32
      %dma_wait3A_216 = tpu.memref_slice %arg5[%multiple_of3A, %dma_wait3A_215] : memref<10112x128xf32, #tpu.memory_space<hbm>> -> memref<632x128xf32, #tpu.memory_space<hbm>>
      tpu.wait_dma2 semaphore(%run_scoped3A : memref<!tpu.dma_semaphore, #tpu.memory_space<semaphore_mem>>) src(%dma_wait3A_216 : memref<632x128xf32, #tpu.memory_space<hbm>>) dst(%dma_wait3A_214 : memref<632x128xf32, #tpu.memory_space<vmem_shared>>)
      tpu.yield
    }) : () -> ()
    %add3A_52 = arith.constant 0 : i32
    %add3A_53 = arith.addi %mul3A_10, %add3A_52 : i32
    %dma_wait3A = tpu.memref_slice %arg3[%add3A_53] : memref<322560xi32, #tpu.memory_space<hbm>> -> memref<64xi32, #tpu.memory_space<hbm>>
    %dma_wait3A_54 = tpu.memref_slice %arg3[%add3A_53] : memref<322560xi32, #tpu.memory_space<hbm>> -> memref<64xi32, #tpu.memory_space<hbm>>
    tpu.wait_dma2 semaphore(%arg33 : memref<!tpu.dma_semaphore, #tpu.memory_space<semaphore_mem>>) src(%dma_wait3A_54 : memref<64xi32, #tpu.memory_space<hbm>>) dst(%arg7 : memref<64xi32, #tpu.memory_space<vmem>>)
    %dma_start3A_55 = arith.constant 0 : i32
    %dma_start3A_56 = arith.constant 0 : i32
    %dma_start3A_57 = tpu.memref_slice %arg2[%dma_start3A_55, %dma_start3A_56] : memref<80000x128xf32, #tpu.memory_space<hbm>> -> memref<80000x128xf32, #tpu.memory_space<hbm>>
    tpu.enqueue_indirect_dma source(%dma_start3A_57 : memref<80000x128xf32, #tpu.memory_space<hbm>>) target(%arg17 : memref<64x128xf32, #tpu.memory_space<vmem>>) offsets(%arg7 : memref<64xi32, #tpu.memory_space<vmem>>) semaphore(%arg23 : memref<!tpu.dma_semaphore, #tpu.memory_space<semaphore_mem>>)
    %add3A_58 = arith.constant 64 : i32
    %add3A_59 = arith.addi %mul3A_10, %add3A_58 : i32
    %dma_wait3A_60 = tpu.memref_slice %arg3[%add3A_59] : memref<322560xi32, #tpu.memory_space<hbm>> -> memref<64xi32, #tpu.memory_space<hbm>>
    %dma_wait3A_61 = tpu.memref_slice %arg3[%add3A_59] : memref<322560xi32, #tpu.memory_space<hbm>> -> memref<64xi32, #tpu.memory_space<hbm>>
    tpu.wait_dma2 semaphore(%arg34 : memref<!tpu.dma_semaphore, #tpu.memory_space<semaphore_mem>>) src(%dma_wait3A_61 : memref<64xi32, #tpu.memory_space<hbm>>) dst(%arg8 : memref<64xi32, #tpu.memory_space<vmem>>)
    %dma_start3A_62 = arith.constant 0 : i32
    %dma_start3A_63 = arith.constant 0 : i32
    %dma_start3A_64 = tpu.memref_slice %arg2[%dma_start3A_62, %dma_start3A_63] : memref<80000x128xf32, #tpu.memory_space<hbm>> -> memref<80000x128xf32, #tpu.memory_space<hbm>>
    tpu.enqueue_indirect_dma source(%dma_start3A_64 : memref<80000x128xf32, #tpu.memory_space<hbm>>) target(%arg18 : memref<64x128xf32, #tpu.memory_space<vmem>>) offsets(%arg8 : memref<64xi32, #tpu.memory_space<vmem>>) semaphore(%arg24 : memref<!tpu.dma_semaphore, #tpu.memory_space<semaphore_mem>>)
    %add3A_65 = arith.constant 128 : i32
    %add3A_66 = arith.addi %mul3A_10, %add3A_65 : i32
    %dma_wait3A_67 = tpu.memref_slice %arg3[%add3A_66] : memref<322560xi32, #tpu.memory_space<hbm>> -> memref<64xi32, #tpu.memory_space<hbm>>
    %dma_wait3A_68 = tpu.memref_slice %arg3[%add3A_66] : memref<322560xi32, #tpu.memory_space<hbm>> -> memref<64xi32, #tpu.memory_space<hbm>>
    tpu.wait_dma2 semaphore(%arg35 : memref<!tpu.dma_semaphore, #tpu.memory_space<semaphore_mem>>) src(%dma_wait3A_68 : memref<64xi32, #tpu.memory_space<hbm>>) dst(%arg9 : memref<64xi32, #tpu.memory_space<vmem>>)
    %dma_start3A_69 = arith.constant 0 : i32
    %dma_start3A_70 = arith.constant 0 : i32
    %dma_start3A_71 = tpu.memref_slice %arg2[%dma_start3A_69, %dma_start3A_70] : memref<80000x128xf32, #tpu.memory_space<hbm>> -> memref<80000x128xf32, #tpu.memory_space<hbm>>
    tpu.enqueue_indirect_dma source(%dma_start3A_71 : memref<80000x128xf32, #tpu.memory_space<hbm>>) target(%arg19 : memref<64x128xf32, #tpu.memory_space<vmem>>) offsets(%arg9 : memref<64xi32, #tpu.memory_space<vmem>>) semaphore(%arg25 : memref<!tpu.dma_semaphore, #tpu.memory_space<semaphore_mem>>)
    %add3A_72 = arith.constant 192 : i32
    %add3A_73 = arith.addi %mul3A_10, %add3A_72 : i32
    %dma_wait3A_74 = tpu.memref_slice %arg3[%add3A_73] : memref<322560xi32, #tpu.memory_space<hbm>> -> memref<64xi32, #tpu.memory_space<hbm>>
    %dma_wait3A_75 = tpu.memref_slice %arg3[%add3A_73] : memref<322560xi32, #tpu.memory_space<hbm>> -> memref<64xi32, #tpu.memory_space<hbm>>
    tpu.wait_dma2 semaphore(%arg36 : memref<!tpu.dma_semaphore, #tpu.memory_space<semaphore_mem>>) src(%dma_wait3A_75 : memref<64xi32, #tpu.memory_space<hbm>>) dst(%arg10 : memref<64xi32, #tpu.memory_space<vmem>>)
    %dma_start3A_76 = arith.constant 0 : i32
    %dma_start3A_77 = arith.constant 0 : i32
    %dma_start3A_78 = tpu.memref_slice %arg2[%dma_start3A_76, %dma_start3A_77] : memref<80000x128xf32, #tpu.memory_space<hbm>> -> memref<80000x128xf32, #tpu.memory_space<hbm>>
    tpu.enqueue_indirect_dma source(%dma_start3A_78 : memref<80000x128xf32, #tpu.memory_space<hbm>>) target(%arg20 : memref<64x128xf32, #tpu.memory_space<vmem>>) offsets(%arg10 : memref<64xi32, #tpu.memory_space<vmem>>) semaphore(%arg26 : memref<!tpu.dma_semaphore, #tpu.memory_space<semaphore_mem>>)
    %add3A_79 = arith.constant 256 : i32
    %add3A_80 = arith.addi %mul3A_10, %add3A_79 : i32
    %dma_wait3A_81 = tpu.memref_slice %arg3[%add3A_80] : memref<322560xi32, #tpu.memory_space<hbm>> -> memref<64xi32, #tpu.memory_space<hbm>>
    %dma_wait3A_82 = tpu.memref_slice %arg3[%add3A_80] : memref<322560xi32, #tpu.memory_space<hbm>> -> memref<64xi32, #tpu.memory_space<hbm>>
    tpu.wait_dma2 semaphore(%arg37 : memref<!tpu.dma_semaphore, #tpu.memory_space<semaphore_mem>>) src(%dma_wait3A_82 : memref<64xi32, #tpu.memory_space<hbm>>) dst(%arg11 : memref<64xi32, #tpu.memory_space<vmem>>)
    %dma_start3A_83 = arith.constant 0 : i32
    %dma_start3A_84 = arith.constant 0 : i32
    %dma_start3A_85 = tpu.memref_slice %arg2[%dma_start3A_83, %dma_start3A_84] : memref<80000x128xf32, #tpu.memory_space<hbm>> -> memref<80000x128xf32, #tpu.memory_space<hbm>>
    tpu.enqueue_indirect_dma source(%dma_start3A_85 : memref<80000x128xf32, #tpu.memory_space<hbm>>) target(%arg21 : memref<64x128xf32, #tpu.memory_space<vmem>>) offsets(%arg11 : memref<64xi32, #tpu.memory_space<vmem>>) semaphore(%arg27 : memref<!tpu.dma_semaphore, #tpu.memory_space<semaphore_mem>>)
    %barrier3A = arith.constant 0 : index
    tpu.barrier barrier_id(%barrier3A)
    %jit3A_86 = arith.constant 5 : i32
    "tpu.trace_stop"() : () -> ()
    "tpu.trace_start"() <{level = 10 : i32, message = "sc_loop"}> : () -> ()
    %div3A = arith.divsi %select_n3A, %jit3A_86 : i32
    %sign3A = arith.constant 0 : i32
    %sign3A_87 = arith.cmpi sgt, %select_n3A, %sign3A : i32
    %sign3A_88 = arith.extui %sign3A_87 : i1 to i32
    %sign3A_89 = arith.constant 0 : i32
    %sign3A_90 = arith.cmpi slt, %select_n3A, %sign3A_89 : i32
    %sign3A_91 = arith.extui %sign3A_90 : i1 to i32
    %sign3A_92 = arith.subi %sign3A_88, %sign3A_91 : i32
    %sign3A_93 = arith.constant 0 : i32
    %sign3A_94 = arith.cmpi sgt, %jit3A_86, %sign3A_93 : i32
    %sign3A_95 = arith.extui %sign3A_94 : i1 to i32
    %sign3A_96 = arith.constant 0 : i32
    %sign3A_97 = arith.cmpi slt, %jit3A_86, %sign3A_96 : i32
    %sign3A_98 = arith.extui %sign3A_97 : i1 to i32
    %sign3A_99 = arith.subi %sign3A_95, %sign3A_98 : i32
    %ne3A = arith.cmpi ne, %sign3A_92, %sign3A_99 : i32
    %rem3A = arith.remsi %select_n3A, %jit3A_86 : i32
    %ne3A_100 = arith.constant 0 : i32
    %ne3A_101 = arith.cmpi ne, %rem3A, %ne3A_100 : i32
    %and3A = arith.andi %ne3A, %ne3A_101 : i1
    %sub3A = arith.constant 1 : i32
    %sub3A_102 = arith.subi %div3A, %sub3A : i32
    %select_n3A_103 = arith.select %and3A, %sub3A_102, %div3A : i32
    %sub3A_104 = arith.constant 1 : i32
    %sub3A_105 = arith.subi %select_n3A_103, %sub3A_104 : i32
    %while3A = arith.constant 0 : i32
    %while3A_106 = arith.constant 0 : i32
    %while3A_107 = arith.subi %sub3A_105, %while3A_106 : i32
    %while3A_108 = arith.addi %while3A_106, %while3A_107 : i32
    %while3A_109 = arith.constant 1 : i32
    %while3A_110 = arith.divsi %while3A_107, %while3A_109 : i32
    %while3A_111 = arith.muli %while3A_110, %while3A_109 : i32
    %while3A_112 = arith.addi %while3A_106, %while3A_111 : i32
    %while3A_113 = arith.constant 1 : i32
    scf.for %while3A_209 = %while3A_106 to %while3A_112 step %while3A_113  : i32 {
      %mul3A_210 = arith.constant 5 : i32
      %mul3A_211 = arith.muli %mul3A_210, %while3A_209 : i32
      %dma_wait3A_212 = arith.constant 0 : i32
      %dma_wait3A_213 = arith.constant 0 : i32
      %dma_wait3A_214 = tpu.memref_slice %arg2[%dma_wait3A_212, %dma_wait3A_213] : memref<80000x128xf32, #tpu.memory_space<hbm>> -> memref<80000x128xf32, #tpu.memory_space<hbm>>
      tpu.wait_indirect_dma semaphore(%arg23 : memref<!tpu.dma_semaphore, #tpu.memory_space<semaphore_mem>>) src(%dma_wait3A_214 : memref<80000x128xf32, #tpu.memory_space<hbm>>) dst(%arg17 : memref<64x128xf32, #tpu.memory_space<vmem>>)
      %add3A_215 = arith.constant 5 : i32
      %add3A_216 = arith.addi %mul3A_211, %add3A_215 : i32
      %add3A_217 = arith.constant 0 : i32
      %add3A_218 = arith.addi %add3A_216, %add3A_217 : i32
      %mul3A_219 = arith.constant 64 : i32
      %mul3A_220 = arith.muli %add3A_218, %mul3A_219 : i32
      %add3A_221 = arith.addi %mul3A_10, %mul3A_220 : i32
      %dma_start3A_222 = tpu.memref_slice %arg3[%add3A_221] : memref<322560xi32, #tpu.memory_space<hbm>> -> memref<64xi32, #tpu.memory_space<hbm>>
      %dma_start3A_223 = tpu.memref_slice %arg3[%add3A_221] : memref<322560xi32, #tpu.memory_space<hbm>> -> memref<64xi32, #tpu.memory_space<hbm>>
      tpu.enqueue_dma source(%dma_start3A_223 : memref<64xi32, #tpu.memory_space<hbm>>) target(%arg7 : memref<64xi32, #tpu.memory_space<vmem>>) target_semaphore(%arg33 : memref<!tpu.dma_semaphore, #tpu.memory_space<semaphore_mem>>)
      %add3A_224 = arith.constant 0 : i32
      %add3A_225 = arith.addi %mul3A_211, %add3A_224 : i32
      %mul3A_226 = arith.constant 64 : i32
      %mul3A_227 = arith.muli %add3A_225, %mul3A_226 : i32
      %add3A_228 = arith.addi %mul3A_10, %mul3A_227 : i32
      %dma_wait3A_229 = tpu.memref_slice %arg4[%add3A_228] : memref<322560xi32, #tpu.memory_space<hbm>> -> memref<64xi32, #tpu.memory_space<hbm>>
      %dma_wait3A_230 = tpu.memref_slice %arg4[%add3A_228] : memref<322560xi32, #tpu.memory_space<hbm>> -> memref<64xi32, #tpu.memory_space<hbm>>
      tpu.wait_dma2 semaphore(%arg38 : memref<!tpu.dma_semaphore, #tpu.memory_space<semaphore_mem>>) src(%dma_wait3A_230 : memref<64xi32, #tpu.memory_space<hbm>>) dst(%arg12 : memref<64xi32, #tpu.memory_space<vmem>>)
      %dma_start3A_231 = arith.constant 0 : i32
      %dma_start3A_232 = arith.constant 0 : i32
      %dma_start3A_233 = tpu.memref_slice %arg22[%dma_start3A_231, %dma_start3A_232] : memref<10112x128xf32, #tpu.memory_space<vmem_shared>> -> memref<10112x128xf32, #tpu.memory_space<vmem_shared>>
      tpu.enqueue_indirect_dma source(%arg17 : memref<64x128xf32, #tpu.memory_space<vmem>>) target(%dma_start3A_233 : memref<10112x128xf32, #tpu.memory_space<vmem_shared>>) offsets(%arg12 : memref<64xi32, #tpu.memory_space<vmem>>) semaphore(%arg28 : memref<!tpu.dma_semaphore, #tpu.memory_space<semaphore_mem>>) {add = true}
      %dma_wait3A_234 = arith.constant 0 : i32
      %dma_wait3A_235 = arith.constant 0 : i32
      %dma_wait3A_236 = tpu.memref_slice %arg2[%dma_wait3A_234, %dma_wait3A_235] : memref<80000x128xf32, #tpu.memory_space<hbm>> -> memref<80000x128xf32, #tpu.memory_space<hbm>>
      tpu.wait_indirect_dma semaphore(%arg24 : memref<!tpu.dma_semaphore, #tpu.memory_space<semaphore_mem>>) src(%dma_wait3A_236 : memref<80000x128xf32, #tpu.memory_space<hbm>>) dst(%arg18 : memref<64x128xf32, #tpu.memory_space<vmem>>)
      %add3A_237 = arith.constant 5 : i32
      %add3A_238 = arith.addi %mul3A_211, %add3A_237 : i32
      %add3A_239 = arith.constant 1 : i32
      %add3A_240 = arith.addi %add3A_238, %add3A_239 : i32
      %mul3A_241 = arith.constant 64 : i32
      %mul3A_242 = arith.muli %add3A_240, %mul3A_241 : i32
      %add3A_243 = arith.addi %mul3A_10, %mul3A_242 : i32
      %dma_start3A_244 = tpu.memref_slice %arg3[%add3A_243] : memref<322560xi32, #tpu.memory_space<hbm>> -> memref<64xi32, #tpu.memory_space<hbm>>
      %dma_start3A_245 = tpu.memref_slice %arg3[%add3A_243] : memref<322560xi32, #tpu.memory_space<hbm>> -> memref<64xi32, #tpu.memory_space<hbm>>
      tpu.enqueue_dma source(%dma_start3A_245 : memref<64xi32, #tpu.memory_space<hbm>>) target(%arg8 : memref<64xi32, #tpu.memory_space<vmem>>) target_semaphore(%arg34 : memref<!tpu.dma_semaphore, #tpu.memory_space<semaphore_mem>>)
      %add3A_246 = arith.constant 1 : i32
      %add3A_247 = arith.addi %mul3A_211, %add3A_246 : i32
      %mul3A_248 = arith.constant 64 : i32
      %mul3A_249 = arith.muli %add3A_247, %mul3A_248 : i32
      %add3A_250 = arith.addi %mul3A_10, %mul3A_249 : i32
      %dma_wait3A_251 = tpu.memref_slice %arg4[%add3A_250] : memref<322560xi32, #tpu.memory_space<hbm>> -> memref<64xi32, #tpu.memory_space<hbm>>
      %dma_wait3A_252 = tpu.memref_slice %arg4[%add3A_250] : memref<322560xi32, #tpu.memory_space<hbm>> -> memref<64xi32, #tpu.memory_space<hbm>>
      tpu.wait_dma2 semaphore(%arg39 : memref<!tpu.dma_semaphore, #tpu.memory_space<semaphore_mem>>) src(%dma_wait3A_252 : memref<64xi32, #tpu.memory_space<hbm>>) dst(%arg13 : memref<64xi32, #tpu.memory_space<vmem>>)
      %dma_start3A_253 = arith.constant 0 : i32
      %dma_start3A_254 = arith.constant 0 : i32
      %dma_start3A_255 = tpu.memref_slice %arg22[%dma_start3A_253, %dma_start3A_254] : memref<10112x128xf32, #tpu.memory_space<vmem_shared>> -> memref<10112x128xf32, #tpu.memory_space<vmem_shared>>
      tpu.enqueue_indirect_dma source(%arg18 : memref<64x128xf32, #tpu.memory_space<vmem>>) target(%dma_start3A_255 : memref<10112x128xf32, #tpu.memory_space<vmem_shared>>) offsets(%arg13 : memref<64xi32, #tpu.memory_space<vmem>>) semaphore(%arg29 : memref<!tpu.dma_semaphore, #tpu.memory_space<semaphore_mem>>) {add = true}
      %dma_wait3A_256 = arith.constant 0 : i32
      %dma_wait3A_257 = arith.constant 0 : i32
      %dma_wait3A_258 = tpu.memref_slice %arg2[%dma_wait3A_256, %dma_wait3A_257] : memref<80000x128xf32, #tpu.memory_space<hbm>> -> memref<80000x128xf32, #tpu.memory_space<hbm>>
      tpu.wait_indirect_dma semaphore(%arg25 : memref<!tpu.dma_semaphore, #tpu.memory_space<semaphore_mem>>) src(%dma_wait3A_258 : memref<80000x128xf32, #tpu.memory_space<hbm>>) dst(%arg19 : memref<64x128xf32, #tpu.memory_space<vmem>>)
      %add3A_259 = arith.constant 5 : i32
      %add3A_260 = arith.addi %mul3A_211, %add3A_259 : i32
      %add3A_261 = arith.constant 2 : i32
      %add3A_262 = arith.addi %add3A_260, %add3A_261 : i32
      %mul3A_263 = arith.constant 64 : i32
      %mul3A_264 = arith.muli %add3A_262, %mul3A_263 : i32
      %add3A_265 = arith.addi %mul3A_10, %mul3A_264 : i32
      %dma_start3A_266 = tpu.memref_slice %arg3[%add3A_265] : memref<322560xi32, #tpu.memory_space<hbm>> -> memref<64xi32, #tpu.memory_space<hbm>>
      %dma_start3A_267 = tpu.memref_slice %arg3[%add3A_265] : memref<322560xi32, #tpu.memory_space<hbm>> -> memref<64xi32, #tpu.memory_space<hbm>>
      tpu.enqueue_dma source(%dma_start3A_267 : memref<64xi32, #tpu.memory_space<hbm>>) target(%arg9 : memref<64xi32, #tpu.memory_space<vmem>>) target_semaphore(%arg35 : memref<!tpu.dma_semaphore, #tpu.memory_space<semaphore_mem>>)
      %add3A_268 = arith.constant 2 : i32
      %add3A_269 = arith.addi %mul3A_211, %add3A_268 : i32
      %mul3A_270 = arith.constant 64 : i32
      %mul3A_271 = arith.muli %add3A_269, %mul3A_270 : i32
      %add3A_272 = arith.addi %mul3A_10, %mul3A_271 : i32
      %dma_wait3A_273 = tpu.memref_slice %arg4[%add3A_272] : memref<322560xi32, #tpu.memory_space<hbm>> -> memref<64xi32, #tpu.memory_space<hbm>>
      %dma_wait3A_274 = tpu.memref_slice %arg4[%add3A_272] : memref<322560xi32, #tpu.memory_space<hbm>> -> memref<64xi32, #tpu.memory_space<hbm>>
      tpu.wait_dma2 semaphore(%arg40 : memref<!tpu.dma_semaphore, #tpu.memory_space<semaphore_mem>>) src(%dma_wait3A_274 : memref<64xi32, #tpu.memory_space<hbm>>) dst(%arg14 : memref<64xi32, #tpu.memory_space<vmem>>)
      %dma_start3A_275 = arith.constant 0 : i32
      %dma_start3A_276 = arith.constant 0 : i32
      %dma_start3A_277 = tpu.memref_slice %arg22[%dma_start3A_275, %dma_start3A_276] : memref<10112x128xf32, #tpu.memory_space<vmem_shared>> -> memref<10112x128xf32, #tpu.memory_space<vmem_shared>>
      tpu.enqueue_indirect_dma source(%arg19 : memref<64x128xf32, #tpu.memory_space<vmem>>) target(%dma_start3A_277 : memref<10112x128xf32, #tpu.memory_space<vmem_shared>>) offsets(%arg14 : memref<64xi32, #tpu.memory_space<vmem>>) semaphore(%arg30 : memref<!tpu.dma_semaphore, #tpu.memory_space<semaphore_mem>>) {add = true}
      %dma_wait3A_278 = arith.constant 0 : i32
      %dma_wait3A_279 = arith.constant 0 : i32
      %dma_wait3A_280 = tpu.memref_slice %arg2[%dma_wait3A_278, %dma_wait3A_279] : memref<80000x128xf32, #tpu.memory_space<hbm>> -> memref<80000x128xf32, #tpu.memory_space<hbm>>
      tpu.wait_indirect_dma semaphore(%arg26 : memref<!tpu.dma_semaphore, #tpu.memory_space<semaphore_mem>>) src(%dma_wait3A_280 : memref<80000x128xf32, #tpu.memory_space<hbm>>) dst(%arg20 : memref<64x128xf32, #tpu.memory_space<vmem>>)
      %add3A_281 = arith.constant 5 : i32
      %add3A_282 = arith.addi %mul3A_211, %add3A_281 : i32
      %add3A_283 = arith.constant 3 : i32
      %add3A_284 = arith.addi %add3A_282, %add3A_283 : i32
      %mul3A_285 = arith.constant 64 : i32
      %mul3A_286 = arith.muli %add3A_284, %mul3A_285 : i32
      %add3A_287 = arith.addi %mul3A_10, %mul3A_286 : i32
      %dma_start3A_288 = tpu.memref_slice %arg3[%add3A_287] : memref<322560xi32, #tpu.memory_space<hbm>> -> memref<64xi32, #tpu.memory_space<hbm>>
      %dma_start3A_289 = tpu.memref_slice %arg3[%add3A_287] : memref<322560xi32, #tpu.memory_space<hbm>> -> memref<64xi32, #tpu.memory_space<hbm>>
      tpu.enqueue_dma source(%dma_start3A_289 : memref<64xi32, #tpu.memory_space<hbm>>) target(%arg10 : memref<64xi32, #tpu.memory_space<vmem>>) target_semaphore(%arg36 : memref<!tpu.dma_semaphore, #tpu.memory_space<semaphore_mem>>)
      %add3A_290 = arith.constant 3 : i32
      %add3A_291 = arith.addi %mul3A_211, %add3A_290 : i32
      %mul3A_292 = arith.constant 64 : i32
      %mul3A_293 = arith.muli %add3A_291, %mul3A_292 : i32
      %add3A_294 = arith.addi %mul3A_10, %mul3A_293 : i32
      %dma_wait3A_295 = tpu.memref_slice %arg4[%add3A_294] : memref<322560xi32, #tpu.memory_space<hbm>> -> memref<64xi32, #tpu.memory_space<hbm>>
      %dma_wait3A_296 = tpu.memref_slice %arg4[%add3A_294] : memref<322560xi32, #tpu.memory_space<hbm>> -> memref<64xi32, #tpu.memory_space<hbm>>
      tpu.wait_dma2 semaphore(%arg41 : memref<!tpu.dma_semaphore, #tpu.memory_space<semaphore_mem>>) src(%dma_wait3A_296 : memref<64xi32, #tpu.memory_space<hbm>>) dst(%arg15 : memref<64xi32, #tpu.memory_space<vmem>>)
      %dma_start3A_297 = arith.constant 0 : i32
      %dma_start3A_298 = arith.constant 0 : i32
      %dma_start3A_299 = tpu.memref_slice %arg22[%dma_start3A_297, %dma_start3A_298] : memref<10112x128xf32, #tpu.memory_space<vmem_shared>> -> memref<10112x128xf32, #tpu.memory_space<vmem_shared>>
      tpu.enqueue_indirect_dma source(%arg20 : memref<64x128xf32, #tpu.memory_space<vmem>>) target(%dma_start3A_299 : memref<10112x128xf32, #tpu.memory_space<vmem_shared>>) offsets(%arg15 : memref<64xi32, #tpu.memory_space<vmem>>) semaphore(%arg31 : memref<!tpu.dma_semaphore, #tpu.memory_space<semaphore_mem>>) {add = true}
      %dma_wait3A_300 = arith.constant 0 : i32
      %dma_wait3A_301 = arith.constant 0 : i32
      %dma_wait3A_302 = tpu.memref_slice %arg2[%dma_wait3A_300, %dma_wait3A_301] : memref<80000x128xf32, #tpu.memory_space<hbm>> -> memref<80000x128xf32, #tpu.memory_space<hbm>>
      tpu.wait_indirect_dma semaphore(%arg27 : memref<!tpu.dma_semaphore, #tpu.memory_space<semaphore_mem>>) src(%dma_wait3A_302 : memref<80000x128xf32, #tpu.memory_space<hbm>>) dst(%arg21 : memref<64x128xf32, #tpu.memory_space<vmem>>)
      %add3A_303 = arith.constant 5 : i32
      %add3A_304 = arith.addi %mul3A_211, %add3A_303 : i32
      %add3A_305 = arith.constant 4 : i32
      %add3A_306 = arith.addi %add3A_304, %add3A_305 : i32
      %mul3A_307 = arith.constant 64 : i32
      %mul3A_308 = arith.muli %add3A_306, %mul3A_307 : i32
      %add3A_309 = arith.addi %mul3A_10, %mul3A_308 : i32
      %dma_start3A_310 = tpu.memref_slice %arg3[%add3A_309] : memref<322560xi32, #tpu.memory_space<hbm>> -> memref<64xi32, #tpu.memory_space<hbm>>
      %dma_start3A_311 = tpu.memref_slice %arg3[%add3A_309] : memref<322560xi32, #tpu.memory_space<hbm>> -> memref<64xi32, #tpu.memory_space<hbm>>
      tpu.enqueue_dma source(%dma_start3A_311 : memref<64xi32, #tpu.memory_space<hbm>>) target(%arg11 : memref<64xi32, #tpu.memory_space<vmem>>) target_semaphore(%arg37 : memref<!tpu.dma_semaphore, #tpu.memory_space<semaphore_mem>>)
      %add3A_312 = arith.constant 4 : i32
      %add3A_313 = arith.addi %mul3A_211, %add3A_312 : i32
      %mul3A_314 = arith.constant 64 : i32
      %mul3A_315 = arith.muli %add3A_313, %mul3A_314 : i32
      %add3A_316 = arith.addi %mul3A_10, %mul3A_315 : i32
      %dma_wait3A_317 = tpu.memref_slice %arg4[%add3A_316] : memref<322560xi32, #tpu.memory_space<hbm>> -> memref<64xi32, #tpu.memory_space<hbm>>
      %dma_wait3A_318 = tpu.memref_slice %arg4[%add3A_316] : memref<322560xi32, #tpu.memory_space<hbm>> -> memref<64xi32, #tpu.memory_space<hbm>>
      tpu.wait_dma2 semaphore(%arg42 : memref<!tpu.dma_semaphore, #tpu.memory_space<semaphore_mem>>) src(%dma_wait3A_318 : memref<64xi32, #tpu.memory_space<hbm>>) dst(%arg16 : memref<64xi32, #tpu.memory_space<vmem>>)
      %dma_start3A_319 = arith.constant 0 : i32
      %dma_start3A_320 = arith.constant 0 : i32
      %dma_start3A_321 = tpu.memref_slice %arg22[%dma_start3A_319, %dma_start3A_320] : memref<10112x128xf32, #tpu.memory_space<vmem_shared>> -> memref<10112x128xf32, #tpu.memory_space<vmem_shared>>
      tpu.enqueue_indirect_dma source(%arg21 : memref<64x128xf32, #tpu.memory_space<vmem>>) target(%dma_start3A_321 : memref<10112x128xf32, #tpu.memory_space<vmem_shared>>) offsets(%arg16 : memref<64xi32, #tpu.memory_space<vmem>>) semaphore(%arg32 : memref<!tpu.dma_semaphore, #tpu.memory_space<semaphore_mem>>) {add = true}
      %dma_wait3A_322 = arith.constant 0 : i32
      %dma_wait3A_323 = arith.constant 0 : i32
      %dma_wait3A_324 = tpu.memref_slice %arg22[%dma_wait3A_322, %dma_wait3A_323] : memref<10112x128xf32, #tpu.memory_space<vmem_shared>> -> memref<10112x128xf32, #tpu.memory_space<vmem_shared>>
      tpu.wait_indirect_dma semaphore(%arg28 : memref<!tpu.dma_semaphore, #tpu.memory_space<semaphore_mem>>) src(%arg17 : memref<64x128xf32, #tpu.memory_space<vmem>>) dst(%dma_wait3A_324 : memref<10112x128xf32, #tpu.memory_space<vmem_shared>>)
      %add3A_325 = arith.constant 5 : i32
      %add3A_326 = arith.addi %mul3A_211, %add3A_325 : i32
      %add3A_327 = arith.constant 0 : i32
      %add3A_328 = arith.addi %add3A_326, %add3A_327 : i32
      %mul3A_329 = arith.constant 64 : i32
      %mul3A_330 = arith.muli %add3A_328, %mul3A_329 : i32
      %add3A_331 = arith.addi %mul3A_10, %mul3A_330 : i32
      %dma_start3A_332 = tpu.memref_slice %arg4[%add3A_331] : memref<322560xi32, #tpu.memory_space<hbm>> -> memref<64xi32, #tpu.memory_space<hbm>>
      %dma_start3A_333 = tpu.memref_slice %arg4[%add3A_331] : memref<322560xi32, #tpu.memory_space<hbm>> -> memref<64xi32, #tpu.memory_space<hbm>>
      tpu.enqueue_dma source(%dma_start3A_333 : memref<64xi32, #tpu.memory_space<hbm>>) target(%arg12 : memref<64xi32, #tpu.memory_space<vmem>>) target_semaphore(%arg38 : memref<!tpu.dma_semaphore, #tpu.memory_space<semaphore_mem>>)
      %add3A_334 = arith.constant 5 : i32
      %add3A_335 = arith.addi %mul3A_211, %add3A_334 : i32
      %add3A_336 = arith.constant 0 : i32
      %add3A_337 = arith.addi %add3A_335, %add3A_336 : i32
      %mul3A_338 = arith.constant 64 : i32
      %mul3A_339 = arith.muli %add3A_337, %mul3A_338 : i32
      %add3A_340 = arith.addi %mul3A_10, %mul3A_339 : i32
      %dma_wait3A_341 = tpu.memref_slice %arg3[%add3A_340] : memref<322560xi32, #tpu.memory_space<hbm>> -> memref<64xi32, #tpu.memory_space<hbm>>
      %dma_wait3A_342 = tpu.memref_slice %arg3[%add3A_340] : memref<322560xi32, #tpu.memory_space<hbm>> -> memref<64xi32, #tpu.memory_space<hbm>>
      tpu.wait_dma2 semaphore(%arg33 : memref<!tpu.dma_semaphore, #tpu.memory_space<semaphore_mem>>) src(%dma_wait3A_342 : memref<64xi32, #tpu.memory_space<hbm>>) dst(%arg7 : memref<64xi32, #tpu.memory_space<vmem>>)
      %dma_start3A_343 = arith.constant 0 : i32
      %dma_start3A_344 = arith.constant 0 : i32
      %dma_start3A_345 = tpu.memref_slice %arg2[%dma_start3A_343, %dma_start3A_344] : memref<80000x128xf32, #tpu.memory_space<hbm>> -> memref<80000x128xf32, #tpu.memory_space<hbm>>
      tpu.enqueue_indirect_dma source(%dma_start3A_345 : memref<80000x128xf32, #tpu.memory_space<hbm>>) target(%arg17 : memref<64x128xf32, #tpu.memory_space<vmem>>) offsets(%arg7 : memref<64xi32, #tpu.memory_space<vmem>>) semaphore(%arg23 : memref<!tpu.dma_semaphore, #tpu.memory_space<semaphore_mem>>)
      %dma_wait3A_346 = arith.constant 0 : i32
      %dma_wait3A_347 = arith.constant 0 : i32
      %dma_wait3A_348 = tpu.memref_slice %arg22[%dma_wait3A_346, %dma_wait3A_347] : memref<10112x128xf32, #tpu.memory_space<vmem_shared>> -> memref<10112x128xf32, #tpu.memory_space<vmem_shared>>
      tpu.wait_indirect_dma semaphore(%arg29 : memref<!tpu.dma_semaphore, #tpu.memory_space<semaphore_mem>>) src(%arg18 : memref<64x128xf32, #tpu.memory_space<vmem>>) dst(%dma_wait3A_348 : memref<10112x128xf32, #tpu.memory_space<vmem_shared>>)
      %add3A_349 = arith.constant 5 : i32
      %add3A_350 = arith.addi %mul3A_211, %add3A_349 : i32
      %add3A_351 = arith.constant 1 : i32
      %add3A_352 = arith.addi %add3A_350, %add3A_351 : i32
      %mul3A_353 = arith.constant 64 : i32
      %mul3A_354 = arith.muli %add3A_352, %mul3A_353 : i32
      %add3A_355 = arith.addi %mul3A_10, %mul3A_354 : i32
      %dma_start3A_356 = tpu.memref_slice %arg4[%add3A_355] : memref<322560xi32, #tpu.memory_space<hbm>> -> memref<64xi32, #tpu.memory_space<hbm>>
      %dma_start3A_357 = tpu.memref_slice %arg4[%add3A_355] : memref<322560xi32, #tpu.memory_space<hbm>> -> memref<64xi32, #tpu.memory_space<hbm>>
      tpu.enqueue_dma source(%dma_start3A_357 : memref<64xi32, #tpu.memory_space<hbm>>) target(%arg13 : memref<64xi32, #tpu.memory_space<vmem>>) target_semaphore(%arg39 : memref<!tpu.dma_semaphore, #tpu.memory_space<semaphore_mem>>)
      %add3A_358 = arith.constant 5 : i32
      %add3A_359 = arith.addi %mul3A_211, %add3A_358 : i32
      %add3A_360 = arith.constant 1 : i32
      %add3A_361 = arith.addi %add3A_359, %add3A_360 : i32
      %mul3A_362 = arith.constant 64 : i32
      %mul3A_363 = arith.muli %add3A_361, %mul3A_362 : i32
      %add3A_364 = arith.addi %mul3A_10, %mul3A_363 : i32
      %dma_wait3A_365 = tpu.memref_slice %arg3[%add3A_364] : memref<322560xi32, #tpu.memory_space<hbm>> -> memref<64xi32, #tpu.memory_space<hbm>>
      %dma_wait3A_366 = tpu.memref_slice %arg3[%add3A_364] : memref<322560xi32, #tpu.memory_space<hbm>> -> memref<64xi32, #tpu.memory_space<hbm>>
      tpu.wait_dma2 semaphore(%arg34 : memref<!tpu.dma_semaphore, #tpu.memory_space<semaphore_mem>>) src(%dma_wait3A_366 : memref<64xi32, #tpu.memory_space<hbm>>) dst(%arg8 : memref<64xi32, #tpu.memory_space<vmem>>)
      %dma_start3A_367 = arith.constant 0 : i32
      %dma_start3A_368 = arith.constant 0 : i32
      %dma_start3A_369 = tpu.memref_slice %arg2[%dma_start3A_367, %dma_start3A_368] : memref<80000x128xf32, #tpu.memory_space<hbm>> -> memref<80000x128xf32, #tpu.memory_space<hbm>>
      tpu.enqueue_indirect_dma source(%dma_start3A_369 : memref<80000x128xf32, #tpu.memory_space<hbm>>) target(%arg18 : memref<64x128xf32, #tpu.memory_space<vmem>>) offsets(%arg8 : memref<64xi32, #tpu.memory_space<vmem>>) semaphore(%arg24 : memref<!tpu.dma_semaphore, #tpu.memory_space<semaphore_mem>>)
      %dma_wait3A_370 = arith.constant 0 : i32
      %dma_wait3A_371 = arith.constant 0 : i32
      %dma_wait3A_372 = tpu.memref_slice %arg22[%dma_wait3A_370, %dma_wait3A_371] : memref<10112x128xf32, #tpu.memory_space<vmem_shared>> -> memref<10112x128xf32, #tpu.memory_space<vmem_shared>>
      tpu.wait_indirect_dma semaphore(%arg30 : memref<!tpu.dma_semaphore, #tpu.memory_space<semaphore_mem>>) src(%arg19 : memref<64x128xf32, #tpu.memory_space<vmem>>) dst(%dma_wait3A_372 : memref<10112x128xf32, #tpu.memory_space<vmem_shared>>)
      %add3A_373 = arith.constant 5 : i32
      %add3A_374 = arith.addi %mul3A_211, %add3A_373 : i32
      %add3A_375 = arith.constant 2 : i32
      %add3A_376 = arith.addi %add3A_374, %add3A_375 : i32
      %mul3A_377 = arith.constant 64 : i32
      %mul3A_378 = arith.muli %add3A_376, %mul3A_377 : i32
      %add3A_379 = arith.addi %mul3A_10, %mul3A_378 : i32
      %dma_start3A_380 = tpu.memref_slice %arg4[%add3A_379] : memref<322560xi32, #tpu.memory_space<hbm>> -> memref<64xi32, #tpu.memory_space<hbm>>
      %dma_start3A_381 = tpu.memref_slice %arg4[%add3A_379] : memref<322560xi32, #tpu.memory_space<hbm>> -> memref<64xi32, #tpu.memory_space<hbm>>
      tpu.enqueue_dma source(%dma_start3A_381 : memref<64xi32, #tpu.memory_space<hbm>>) target(%arg14 : memref<64xi32, #tpu.memory_space<vmem>>) target_semaphore(%arg40 : memref<!tpu.dma_semaphore, #tpu.memory_space<semaphore_mem>>)
      %add3A_382 = arith.constant 5 : i32
      %add3A_383 = arith.addi %mul3A_211, %add3A_382 : i32
      %add3A_384 = arith.constant 2 : i32
      %add3A_385 = arith.addi %add3A_383, %add3A_384 : i32
      %mul3A_386 = arith.constant 64 : i32
      %mul3A_387 = arith.muli %add3A_385, %mul3A_386 : i32
      %add3A_388 = arith.addi %mul3A_10, %mul3A_387 : i32
      %dma_wait3A_389 = tpu.memref_slice %arg3[%add3A_388] : memref<322560xi32, #tpu.memory_space<hbm>> -> memref<64xi32, #tpu.memory_space<hbm>>
      %dma_wait3A_390 = tpu.memref_slice %arg3[%add3A_388] : memref<322560xi32, #tpu.memory_space<hbm>> -> memref<64xi32, #tpu.memory_space<hbm>>
      tpu.wait_dma2 semaphore(%arg35 : memref<!tpu.dma_semaphore, #tpu.memory_space<semaphore_mem>>) src(%dma_wait3A_390 : memref<64xi32, #tpu.memory_space<hbm>>) dst(%arg9 : memref<64xi32, #tpu.memory_space<vmem>>)
      %dma_start3A_391 = arith.constant 0 : i32
      %dma_start3A_392 = arith.constant 0 : i32
      %dma_start3A_393 = tpu.memref_slice %arg2[%dma_start3A_391, %dma_start3A_392] : memref<80000x128xf32, #tpu.memory_space<hbm>> -> memref<80000x128xf32, #tpu.memory_space<hbm>>
      tpu.enqueue_indirect_dma source(%dma_start3A_393 : memref<80000x128xf32, #tpu.memory_space<hbm>>) target(%arg19 : memref<64x128xf32, #tpu.memory_space<vmem>>) offsets(%arg9 : memref<64xi32, #tpu.memory_space<vmem>>) semaphore(%arg25 : memref<!tpu.dma_semaphore, #tpu.memory_space<semaphore_mem>>)
      %dma_wait3A_394 = arith.constant 0 : i32
      %dma_wait3A_395 = arith.constant 0 : i32
      %dma_wait3A_396 = tpu.memref_slice %arg22[%dma_wait3A_394, %dma_wait3A_395] : memref<10112x128xf32, #tpu.memory_space<vmem_shared>> -> memref<10112x128xf32, #tpu.memory_space<vmem_shared>>
      tpu.wait_indirect_dma semaphore(%arg31 : memref<!tpu.dma_semaphore, #tpu.memory_space<semaphore_mem>>) src(%arg20 : memref<64x128xf32, #tpu.memory_space<vmem>>) dst(%dma_wait3A_396 : memref<10112x128xf32, #tpu.memory_space<vmem_shared>>)
      %add3A_397 = arith.constant 5 : i32
      %add3A_398 = arith.addi %mul3A_211, %add3A_397 : i32
      %add3A_399 = arith.constant 3 : i32
      %add3A_400 = arith.addi %add3A_398, %add3A_399 : i32
      %mul3A_401 = arith.constant 64 : i32
      %mul3A_402 = arith.muli %add3A_400, %mul3A_401 : i32
      %add3A_403 = arith.addi %mul3A_10, %mul3A_402 : i32
      %dma_start3A_404 = tpu.memref_slice %arg4[%add3A_403] : memref<322560xi32, #tpu.memory_space<hbm>> -> memref<64xi32, #tpu.memory_space<hbm>>
      %dma_start3A_405 = tpu.memref_slice %arg4[%add3A_403] : memref<322560xi32, #tpu.memory_space<hbm>> -> memref<64xi32, #tpu.memory_space<hbm>>
      tpu.enqueue_dma source(%dma_start3A_405 : memref<64xi32, #tpu.memory_space<hbm>>) target(%arg15 : memref<64xi32, #tpu.memory_space<vmem>>) target_semaphore(%arg41 : memref<!tpu.dma_semaphore, #tpu.memory_space<semaphore_mem>>)
      %add3A_406 = arith.constant 5 : i32
      %add3A_407 = arith.addi %mul3A_211, %add3A_406 : i32
      %add3A_408 = arith.constant 3 : i32
      %add3A_409 = arith.addi %add3A_407, %add3A_408 : i32
      %mul3A_410 = arith.constant 64 : i32
      %mul3A_411 = arith.muli %add3A_409, %mul3A_410 : i32
      %add3A_412 = arith.addi %mul3A_10, %mul3A_411 : i32
      %dma_wait3A_413 = tpu.memref_slice %arg3[%add3A_412] : memref<322560xi32, #tpu.memory_space<hbm>> -> memref<64xi32, #tpu.memory_space<hbm>>
      %dma_wait3A_414 = tpu.memref_slice %arg3[%add3A_412] : memref<322560xi32, #tpu.memory_space<hbm>> -> memref<64xi32, #tpu.memory_space<hbm>>
      tpu.wait_dma2 semaphore(%arg36 : memref<!tpu.dma_semaphore, #tpu.memory_space<semaphore_mem>>) src(%dma_wait3A_414 : memref<64xi32, #tpu.memory_space<hbm>>) dst(%arg10 : memref<64xi32, #tpu.memory_space<vmem>>)
      %dma_start3A_415 = arith.constant 0 : i32
      %dma_start3A_416 = arith.constant 0 : i32
      %dma_start3A_417 = tpu.memref_slice %arg2[%dma_start3A_415, %dma_start3A_416] : memref<80000x128xf32, #tpu.memory_space<hbm>> -> memref<80000x128xf32, #tpu.memory_space<hbm>>
      tpu.enqueue_indirect_dma source(%dma_start3A_417 : memref<80000x128xf32, #tpu.memory_space<hbm>>) target(%arg20 : memref<64x128xf32, #tpu.memory_space<vmem>>) offsets(%arg10 : memref<64xi32, #tpu.memory_space<vmem>>) semaphore(%arg26 : memref<!tpu.dma_semaphore, #tpu.memory_space<semaphore_mem>>)
      %dma_wait3A_418 = arith.constant 0 : i32
      %dma_wait3A_419 = arith.constant 0 : i32
      %dma_wait3A_420 = tpu.memref_slice %arg22[%dma_wait3A_418, %dma_wait3A_419] : memref<10112x128xf32, #tpu.memory_space<vmem_shared>> -> memref<10112x128xf32, #tpu.memory_space<vmem_shared>>
      tpu.wait_indirect_dma semaphore(%arg32 : memref<!tpu.dma_semaphore, #tpu.memory_space<semaphore_mem>>) src(%arg21 : memref<64x128xf32, #tpu.memory_space<vmem>>) dst(%dma_wait3A_420 : memref<10112x128xf32, #tpu.memory_space<vmem_shared>>)
      %add3A_421 = arith.constant 5 : i32
      %add3A_422 = arith.addi %mul3A_211, %add3A_421 : i32
      %add3A_423 = arith.constant 4 : i32
      %add3A_424 = arith.addi %add3A_422, %add3A_423 : i32
      %mul3A_425 = arith.constant 64 : i32
      %mul3A_426 = arith.muli %add3A_424, %mul3A_425 : i32
      %add3A_427 = arith.addi %mul3A_10, %mul3A_426 : i32
      %dma_start3A_428 = tpu.memref_slice %arg4[%add3A_427] : memref<322560xi32, #tpu.memory_space<hbm>> -> memref<64xi32, #tpu.memory_space<hbm>>
      %dma_start3A_429 = tpu.memref_slice %arg4[%add3A_427] : memref<322560xi32, #tpu.memory_space<hbm>> -> memref<64xi32, #tpu.memory_space<hbm>>
      tpu.enqueue_dma source(%dma_start3A_429 : memref<64xi32, #tpu.memory_space<hbm>>) target(%arg16 : memref<64xi32, #tpu.memory_space<vmem>>) target_semaphore(%arg42 : memref<!tpu.dma_semaphore, #tpu.memory_space<semaphore_mem>>)
      %add3A_430 = arith.constant 5 : i32
      %add3A_431 = arith.addi %mul3A_211, %add3A_430 : i32
      %add3A_432 = arith.constant 4 : i32
      %add3A_433 = arith.addi %add3A_431, %add3A_432 : i32
      %mul3A_434 = arith.constant 64 : i32
      %mul3A_435 = arith.muli %add3A_433, %mul3A_434 : i32
      %add3A_436 = arith.addi %mul3A_10, %mul3A_435 : i32
      %dma_wait3A_437 = tpu.memref_slice %arg3[%add3A_436] : memref<322560xi32, #tpu.memory_space<hbm>> -> memref<64xi32, #tpu.memory_space<hbm>>
      %dma_wait3A_438 = tpu.memref_slice %arg3[%add3A_436] : memref<322560xi32, #tpu.memory_space<hbm>> -> memref<64xi32, #tpu.memory_space<hbm>>
      tpu.wait_dma2 semaphore(%arg37 : memref<!tpu.dma_semaphore, #tpu.memory_space<semaphore_mem>>) src(%dma_wait3A_438 : memref<64xi32, #tpu.memory_space<hbm>>) dst(%arg11 : memref<64xi32, #tpu.memory_space<vmem>>)
      %dma_start3A_439 = arith.constant 0 : i32
      %dma_start3A_440 = arith.constant 0 : i32
      %dma_start3A_441 = tpu.memref_slice %arg2[%dma_start3A_439, %dma_start3A_440] : memref<80000x128xf32, #tpu.memory_space<hbm>> -> memref<80000x128xf32, #tpu.memory_space<hbm>>
      tpu.enqueue_indirect_dma source(%dma_start3A_441 : memref<80000x128xf32, #tpu.memory_space<hbm>>) target(%arg21 : memref<64x128xf32, #tpu.memory_space<vmem>>) offsets(%arg11 : memref<64xi32, #tpu.memory_space<vmem>>) semaphore(%arg27 : memref<!tpu.dma_semaphore, #tpu.memory_space<semaphore_mem>>)
    }
    %while3A_114 = arith.constant 1 : i32
    scf.for %while3A_209 = %while3A_112 to %while3A_108 step %while3A_114  : i32 {
      %mul3A_210 = arith.constant 5 : i32
      %mul3A_211 = arith.muli %mul3A_210, %while3A_209 : i32
      %dma_wait3A_212 = arith.constant 0 : i32
      %dma_wait3A_213 = arith.constant 0 : i32
      %dma_wait3A_214 = tpu.memref_slice %arg2[%dma_wait3A_212, %dma_wait3A_213] : memref<80000x128xf32, #tpu.memory_space<hbm>> -> memref<80000x128xf32, #tpu.memory_space<hbm>>
      tpu.wait_indirect_dma semaphore(%arg23 : memref<!tpu.dma_semaphore, #tpu.memory_space<semaphore_mem>>) src(%dma_wait3A_214 : memref<80000x128xf32, #tpu.memory_space<hbm>>) dst(%arg17 : memref<64x128xf32, #tpu.memory_space<vmem>>)
      %add3A_215 = arith.constant 5 : i32
      %add3A_216 = arith.addi %mul3A_211, %add3A_215 : i32
      %add3A_217 = arith.constant 0 : i32
      %add3A_218 = arith.addi %add3A_216, %add3A_217 : i32
      %mul3A_219 = arith.constant 64 : i32
      %mul3A_220 = arith.muli %add3A_218, %mul3A_219 : i32
      %add3A_221 = arith.addi %mul3A_10, %mul3A_220 : i32
      %dma_start3A_222 = tpu.memref_slice %arg3[%add3A_221] : memref<322560xi32, #tpu.memory_space<hbm>> -> memref<64xi32, #tpu.memory_space<hbm>>
      %dma_start3A_223 = tpu.memref_slice %arg3[%add3A_221] : memref<322560xi32, #tpu.memory_space<hbm>> -> memref<64xi32, #tpu.memory_space<hbm>>
      tpu.enqueue_dma source(%dma_start3A_223 : memref<64xi32, #tpu.memory_space<hbm>>) target(%arg7 : memref<64xi32, #tpu.memory_space<vmem>>) target_semaphore(%arg33 : memref<!tpu.dma_semaphore, #tpu.memory_space<semaphore_mem>>)
      %add3A_224 = arith.constant 0 : i32
      %add3A_225 = arith.addi %mul3A_211, %add3A_224 : i32
      %mul3A_226 = arith.constant 64 : i32
      %mul3A_227 = arith.muli %add3A_225, %mul3A_226 : i32
      %add3A_228 = arith.addi %mul3A_10, %mul3A_227 : i32
      %dma_wait3A_229 = tpu.memref_slice %arg4[%add3A_228] : memref<322560xi32, #tpu.memory_space<hbm>> -> memref<64xi32, #tpu.memory_space<hbm>>
      %dma_wait3A_230 = tpu.memref_slice %arg4[%add3A_228] : memref<322560xi32, #tpu.memory_space<hbm>> -> memref<64xi32, #tpu.memory_space<hbm>>
      tpu.wait_dma2 semaphore(%arg38 : memref<!tpu.dma_semaphore, #tpu.memory_space<semaphore_mem>>) src(%dma_wait3A_230 : memref<64xi32, #tpu.memory_space<hbm>>) dst(%arg12 : memref<64xi32, #tpu.memory_space<vmem>>)
      %dma_start3A_231 = arith.constant 0 : i32
      %dma_start3A_232 = arith.constant 0 : i32
      %dma_start3A_233 = tpu.memref_slice %arg22[%dma_start3A_231, %dma_start3A_232] : memref<10112x128xf32, #tpu.memory_space<vmem_shared>> -> memref<10112x128xf32, #tpu.memory_space<vmem_shared>>
      tpu.enqueue_indirect_dma source(%arg17 : memref<64x128xf32, #tpu.memory_space<vmem>>) target(%dma_start3A_233 : memref<10112x128xf32, #tpu.memory_space<vmem_shared>>) offsets(%arg12 : memref<64xi32, #tpu.memory_space<vmem>>) semaphore(%arg28 : memref<!tpu.dma_semaphore, #tpu.memory_space<semaphore_mem>>) {add = true}
      %dma_wait3A_234 = arith.constant 0 : i32
      %dma_wait3A_235 = arith.constant 0 : i32
      %dma_wait3A_236 = tpu.memref_slice %arg2[%dma_wait3A_234, %dma_wait3A_235] : memref<80000x128xf32, #tpu.memory_space<hbm>> -> memref<80000x128xf32, #tpu.memory_space<hbm>>
      tpu.wait_indirect_dma semaphore(%arg24 : memref<!tpu.dma_semaphore, #tpu.memory_space<semaphore_mem>>) src(%dma_wait3A_236 : memref<80000x128xf32, #tpu.memory_space<hbm>>) dst(%arg18 : memref<64x128xf32, #tpu.memory_space<vmem>>)
      %add3A_237 = arith.constant 5 : i32
      %add3A_238 = arith.addi %mul3A_211, %add3A_237 : i32
      %add3A_239 = arith.constant 1 : i32
      %add3A_240 = arith.addi %add3A_238, %add3A_239 : i32
      %mul3A_241 = arith.constant 64 : i32
      %mul3A_242 = arith.muli %add3A_240, %mul3A_241 : i32
      %add3A_243 = arith.addi %mul3A_10, %mul3A_242 : i32
      %dma_start3A_244 = tpu.memref_slice %arg3[%add3A_243] : memref<322560xi32, #tpu.memory_space<hbm>> -> memref<64xi32, #tpu.memory_space<hbm>>
      %dma_start3A_245 = tpu.memref_slice %arg3[%add3A_243] : memref<322560xi32, #tpu.memory_space<hbm>> -> memref<64xi32, #tpu.memory_space<hbm>>
      tpu.enqueue_dma source(%dma_start3A_245 : memref<64xi32, #tpu.memory_space<hbm>>) target(%arg8 : memref<64xi32, #tpu.memory_space<vmem>>) target_semaphore(%arg34 : memref<!tpu.dma_semaphore, #tpu.memory_space<semaphore_mem>>)
      %add3A_246 = arith.constant 1 : i32
      %add3A_247 = arith.addi %mul3A_211, %add3A_246 : i32
      %mul3A_248 = arith.constant 64 : i32
      %mul3A_249 = arith.muli %add3A_247, %mul3A_248 : i32
      %add3A_250 = arith.addi %mul3A_10, %mul3A_249 : i32
      %dma_wait3A_251 = tpu.memref_slice %arg4[%add3A_250] : memref<322560xi32, #tpu.memory_space<hbm>> -> memref<64xi32, #tpu.memory_space<hbm>>
      %dma_wait3A_252 = tpu.memref_slice %arg4[%add3A_250] : memref<322560xi32, #tpu.memory_space<hbm>> -> memref<64xi32, #tpu.memory_space<hbm>>
      tpu.wait_dma2 semaphore(%arg39 : memref<!tpu.dma_semaphore, #tpu.memory_space<semaphore_mem>>) src(%dma_wait3A_252 : memref<64xi32, #tpu.memory_space<hbm>>) dst(%arg13 : memref<64xi32, #tpu.memory_space<vmem>>)
      %dma_start3A_253 = arith.constant 0 : i32
      %dma_start3A_254 = arith.constant 0 : i32
      %dma_start3A_255 = tpu.memref_slice %arg22[%dma_start3A_253, %dma_start3A_254] : memref<10112x128xf32, #tpu.memory_space<vmem_shared>> -> memref<10112x128xf32, #tpu.memory_space<vmem_shared>>
      tpu.enqueue_indirect_dma source(%arg18 : memref<64x128xf32, #tpu.memory_space<vmem>>) target(%dma_start3A_255 : memref<10112x128xf32, #tpu.memory_space<vmem_shared>>) offsets(%arg13 : memref<64xi32, #tpu.memory_space<vmem>>) semaphore(%arg29 : memref<!tpu.dma_semaphore, #tpu.memory_space<semaphore_mem>>) {add = true}
      %dma_wait3A_256 = arith.constant 0 : i32
      %dma_wait3A_257 = arith.constant 0 : i32
      %dma_wait3A_258 = tpu.memref_slice %arg2[%dma_wait3A_256, %dma_wait3A_257] : memref<80000x128xf32, #tpu.memory_space<hbm>> -> memref<80000x128xf32, #tpu.memory_space<hbm>>
      tpu.wait_indirect_dma semaphore(%arg25 : memref<!tpu.dma_semaphore, #tpu.memory_space<semaphore_mem>>) src(%dma_wait3A_258 : memref<80000x128xf32, #tpu.memory_space<hbm>>) dst(%arg19 : memref<64x128xf32, #tpu.memory_space<vmem>>)
      %add3A_259 = arith.constant 5 : i32
      %add3A_260 = arith.addi %mul3A_211, %add3A_259 : i32
      %add3A_261 = arith.constant 2 : i32
      %add3A_262 = arith.addi %add3A_260, %add3A_261 : i32
      %mul3A_263 = arith.constant 64 : i32
      %mul3A_264 = arith.muli %add3A_262, %mul3A_263 : i32
      %add3A_265 = arith.addi %mul3A_10, %mul3A_264 : i32
      %dma_start3A_266 = tpu.memref_slice %arg3[%add3A_265] : memref<322560xi32, #tpu.memory_space<hbm>> -> memref<64xi32, #tpu.memory_space<hbm>>
      %dma_start3A_267 = tpu.memref_slice %arg3[%add3A_265] : memref<322560xi32, #tpu.memory_space<hbm>> -> memref<64xi32, #tpu.memory_space<hbm>>
      tpu.enqueue_dma source(%dma_start3A_267 : memref<64xi32, #tpu.memory_space<hbm>>) target(%arg9 : memref<64xi32, #tpu.memory_space<vmem>>) target_semaphore(%arg35 : memref<!tpu.dma_semaphore, #tpu.memory_space<semaphore_mem>>)
      %add3A_268 = arith.constant 2 : i32
      %add3A_269 = arith.addi %mul3A_211, %add3A_268 : i32
      %mul3A_270 = arith.constant 64 : i32
      %mul3A_271 = arith.muli %add3A_269, %mul3A_270 : i32
      %add3A_272 = arith.addi %mul3A_10, %mul3A_271 : i32
      %dma_wait3A_273 = tpu.memref_slice %arg4[%add3A_272] : memref<322560xi32, #tpu.memory_space<hbm>> -> memref<64xi32, #tpu.memory_space<hbm>>
      %dma_wait3A_274 = tpu.memref_slice %arg4[%add3A_272] : memref<322560xi32, #tpu.memory_space<hbm>> -> memref<64xi32, #tpu.memory_space<hbm>>
      tpu.wait_dma2 semaphore(%arg40 : memref<!tpu.dma_semaphore, #tpu.memory_space<semaphore_mem>>) src(%dma_wait3A_274 : memref<64xi32, #tpu.memory_space<hbm>>) dst(%arg14 : memref<64xi32, #tpu.memory_space<vmem>>)
      %dma_start3A_275 = arith.constant 0 : i32
      %dma_start3A_276 = arith.constant 0 : i32
      %dma_start3A_277 = tpu.memref_slice %arg22[%dma_start3A_275, %dma_start3A_276] : memref<10112x128xf32, #tpu.memory_space<vmem_shared>> -> memref<10112x128xf32, #tpu.memory_space<vmem_shared>>
      tpu.enqueue_indirect_dma source(%arg19 : memref<64x128xf32, #tpu.memory_space<vmem>>) target(%dma_start3A_277 : memref<10112x128xf32, #tpu.memory_space<vmem_shared>>) offsets(%arg14 : memref<64xi32, #tpu.memory_space<vmem>>) semaphore(%arg30 : memref<!tpu.dma_semaphore, #tpu.memory_space<semaphore_mem>>) {add = true}
      %dma_wait3A_278 = arith.constant 0 : i32
      %dma_wait3A_279 = arith.constant 0 : i32
      %dma_wait3A_280 = tpu.memref_slice %arg2[%dma_wait3A_278, %dma_wait3A_279] : memref<80000x128xf32, #tpu.memory_space<hbm>> -> memref<80000x128xf32, #tpu.memory_space<hbm>>
      tpu.wait_indirect_dma semaphore(%arg26 : memref<!tpu.dma_semaphore, #tpu.memory_space<semaphore_mem>>) src(%dma_wait3A_280 : memref<80000x128xf32, #tpu.memory_space<hbm>>) dst(%arg20 : memref<64x128xf32, #tpu.memory_space<vmem>>)
      %add3A_281 = arith.constant 5 : i32
      %add3A_282 = arith.addi %mul3A_211, %add3A_281 : i32
      %add3A_283 = arith.constant 3 : i32
      %add3A_284 = arith.addi %add3A_282, %add3A_283 : i32
      %mul3A_285 = arith.constant 64 : i32
      %mul3A_286 = arith.muli %add3A_284, %mul3A_285 : i32
      %add3A_287 = arith.addi %mul3A_10, %mul3A_286 : i32
      %dma_start3A_288 = tpu.memref_slice %arg3[%add3A_287] : memref<322560xi32, #tpu.memory_space<hbm>> -> memref<64xi32, #tpu.memory_space<hbm>>
      %dma_start3A_289 = tpu.memref_slice %arg3[%add3A_287] : memref<322560xi32, #tpu.memory_space<hbm>> -> memref<64xi32, #tpu.memory_space<hbm>>
      tpu.enqueue_dma source(%dma_start3A_289 : memref<64xi32, #tpu.memory_space<hbm>>) target(%arg10 : memref<64xi32, #tpu.memory_space<vmem>>) target_semaphore(%arg36 : memref<!tpu.dma_semaphore, #tpu.memory_space<semaphore_mem>>)
      %add3A_290 = arith.constant 3 : i32
      %add3A_291 = arith.addi %mul3A_211, %add3A_290 : i32
      %mul3A_292 = arith.constant 64 : i32
      %mul3A_293 = arith.muli %add3A_291, %mul3A_292 : i32
      %add3A_294 = arith.addi %mul3A_10, %mul3A_293 : i32
      %dma_wait3A_295 = tpu.memref_slice %arg4[%add3A_294] : memref<322560xi32, #tpu.memory_space<hbm>> -> memref<64xi32, #tpu.memory_space<hbm>>
      %dma_wait3A_296 = tpu.memref_slice %arg4[%add3A_294] : memref<322560xi32, #tpu.memory_space<hbm>> -> memref<64xi32, #tpu.memory_space<hbm>>
      tpu.wait_dma2 semaphore(%arg41 : memref<!tpu.dma_semaphore, #tpu.memory_space<semaphore_mem>>) src(%dma_wait3A_296 : memref<64xi32, #tpu.memory_space<hbm>>) dst(%arg15 : memref<64xi32, #tpu.memory_space<vmem>>)
      %dma_start3A_297 = arith.constant 0 : i32
      %dma_start3A_298 = arith.constant 0 : i32
      %dma_start3A_299 = tpu.memref_slice %arg22[%dma_start3A_297, %dma_start3A_298] : memref<10112x128xf32, #tpu.memory_space<vmem_shared>> -> memref<10112x128xf32, #tpu.memory_space<vmem_shared>>
      tpu.enqueue_indirect_dma source(%arg20 : memref<64x128xf32, #tpu.memory_space<vmem>>) target(%dma_start3A_299 : memref<10112x128xf32, #tpu.memory_space<vmem_shared>>) offsets(%arg15 : memref<64xi32, #tpu.memory_space<vmem>>) semaphore(%arg31 : memref<!tpu.dma_semaphore, #tpu.memory_space<semaphore_mem>>) {add = true}
      %dma_wait3A_300 = arith.constant 0 : i32
      %dma_wait3A_301 = arith.constant 0 : i32
      %dma_wait3A_302 = tpu.memref_slice %arg2[%dma_wait3A_300, %dma_wait3A_301] : memref<80000x128xf32, #tpu.memory_space<hbm>> -> memref<80000x128xf32, #tpu.memory_space<hbm>>
      tpu.wait_indirect_dma semaphore(%arg27 : memref<!tpu.dma_semaphore, #tpu.memory_space<semaphore_mem>>) src(%dma_wait3A_302 : memref<80000x128xf32, #tpu.memory_space<hbm>>) dst(%arg21 : memref<64x128xf32, #tpu.memory_space<vmem>>)
      %add3A_303 = arith.constant 5 : i32
      %add3A_304 = arith.addi %mul3A_211, %add3A_303 : i32
      %add3A_305 = arith.constant 4 : i32
      %add3A_306 = arith.addi %add3A_304, %add3A_305 : i32
      %mul3A_307 = arith.constant 64 : i32
      %mul3A_308 = arith.muli %add3A_306, %mul3A_307 : i32
      %add3A_309 = arith.addi %mul3A_10, %mul3A_308 : i32
      %dma_start3A_310 = tpu.memref_slice %arg3[%add3A_309] : memref<322560xi32, #tpu.memory_space<hbm>> -> memref<64xi32, #tpu.memory_space<hbm>>
      %dma_start3A_311 = tpu.memref_slice %arg3[%add3A_309] : memref<322560xi32, #tpu.memory_space<hbm>> -> memref<64xi32, #tpu.memory_space<hbm>>
      tpu.enqueue_dma source(%dma_start3A_311 : memref<64xi32, #tpu.memory_space<hbm>>) target(%arg11 : memref<64xi32, #tpu.memory_space<vmem>>) target_semaphore(%arg37 : memref<!tpu.dma_semaphore, #tpu.memory_space<semaphore_mem>>)
      %add3A_312 = arith.constant 4 : i32
      %add3A_313 = arith.addi %mul3A_211, %add3A_312 : i32
      %mul3A_314 = arith.constant 64 : i32
      %mul3A_315 = arith.muli %add3A_313, %mul3A_314 : i32
      %add3A_316 = arith.addi %mul3A_10, %mul3A_315 : i32
      %dma_wait3A_317 = tpu.memref_slice %arg4[%add3A_316] : memref<322560xi32, #tpu.memory_space<hbm>> -> memref<64xi32, #tpu.memory_space<hbm>>
      %dma_wait3A_318 = tpu.memref_slice %arg4[%add3A_316] : memref<322560xi32, #tpu.memory_space<hbm>> -> memref<64xi32, #tpu.memory_space<hbm>>
      tpu.wait_dma2 semaphore(%arg42 : memref<!tpu.dma_semaphore, #tpu.memory_space<semaphore_mem>>) src(%dma_wait3A_318 : memref<64xi32, #tpu.memory_space<hbm>>) dst(%arg16 : memref<64xi32, #tpu.memory_space<vmem>>)
      %dma_start3A_319 = arith.constant 0 : i32
      %dma_start3A_320 = arith.constant 0 : i32
      %dma_start3A_321 = tpu.memref_slice %arg22[%dma_start3A_319, %dma_start3A_320] : memref<10112x128xf32, #tpu.memory_space<vmem_shared>> -> memref<10112x128xf32, #tpu.memory_space<vmem_shared>>
      tpu.enqueue_indirect_dma source(%arg21 : memref<64x128xf32, #tpu.memory_space<vmem>>) target(%dma_start3A_321 : memref<10112x128xf32, #tpu.memory_space<vmem_shared>>) offsets(%arg16 : memref<64xi32, #tpu.memory_space<vmem>>) semaphore(%arg32 : memref<!tpu.dma_semaphore, #tpu.memory_space<semaphore_mem>>) {add = true}
      %dma_wait3A_322 = arith.constant 0 : i32
      %dma_wait3A_323 = arith.constant 0 : i32
      %dma_wait3A_324 = tpu.memref_slice %arg22[%dma_wait3A_322, %dma_wait3A_323] : memref<10112x128xf32, #tpu.memory_space<vmem_shared>> -> memref<10112x128xf32, #tpu.memory_space<vmem_shared>>
      tpu.wait_indirect_dma semaphore(%arg28 : memref<!tpu.dma_semaphore, #tpu.memory_space<semaphore_mem>>) src(%arg17 : memref<64x128xf32, #tpu.memory_space<vmem>>) dst(%dma_wait3A_324 : memref<10112x128xf32, #tpu.memory_space<vmem_shared>>)
      %add3A_325 = arith.constant 5 : i32
      %add3A_326 = arith.addi %mul3A_211, %add3A_325 : i32
      %add3A_327 = arith.constant 0 : i32
      %add3A_328 = arith.addi %add3A_326, %add3A_327 : i32
      %mul3A_329 = arith.constant 64 : i32
      %mul3A_330 = arith.muli %add3A_328, %mul3A_329 : i32
      %add3A_331 = arith.addi %mul3A_10, %mul3A_330 : i32
      %dma_start3A_332 = tpu.memref_slice %arg4[%add3A_331] : memref<322560xi32, #tpu.memory_space<hbm>> -> memref<64xi32, #tpu.memory_space<hbm>>
      %dma_start3A_333 = tpu.memref_slice %arg4[%add3A_331] : memref<322560xi32, #tpu.memory_space<hbm>> -> memref<64xi32, #tpu.memory_space<hbm>>
      tpu.enqueue_dma source(%dma_start3A_333 : memref<64xi32, #tpu.memory_space<hbm>>) target(%arg12 : memref<64xi32, #tpu.memory_space<vmem>>) target_semaphore(%arg38 : memref<!tpu.dma_semaphore, #tpu.memory_space<semaphore_mem>>)
      %add3A_334 = arith.constant 5 : i32
      %add3A_335 = arith.addi %mul3A_211, %add3A_334 : i32
      %add3A_336 = arith.constant 0 : i32
      %add3A_337 = arith.addi %add3A_335, %add3A_336 : i32
      %mul3A_338 = arith.constant 64 : i32
      %mul3A_339 = arith.muli %add3A_337, %mul3A_338 : i32
      %add3A_340 = arith.addi %mul3A_10, %mul3A_339 : i32
      %dma_wait3A_341 = tpu.memref_slice %arg3[%add3A_340] : memref<322560xi32, #tpu.memory_space<hbm>> -> memref<64xi32, #tpu.memory_space<hbm>>
      %dma_wait3A_342 = tpu.memref_slice %arg3[%add3A_340] : memref<322560xi32, #tpu.memory_space<hbm>> -> memref<64xi32, #tpu.memory_space<hbm>>
      tpu.wait_dma2 semaphore(%arg33 : memref<!tpu.dma_semaphore, #tpu.memory_space<semaphore_mem>>) src(%dma_wait3A_342 : memref<64xi32, #tpu.memory_space<hbm>>) dst(%arg7 : memref<64xi32, #tpu.memory_space<vmem>>)
      %dma_start3A_343 = arith.constant 0 : i32
      %dma_start3A_344 = arith.constant 0 : i32
      %dma_start3A_345 = tpu.memref_slice %arg2[%dma_start3A_343, %dma_start3A_344] : memref<80000x128xf32, #tpu.memory_space<hbm>> -> memref<80000x128xf32, #tpu.memory_space<hbm>>
      tpu.enqueue_indirect_dma source(%dma_start3A_345 : memref<80000x128xf32, #tpu.memory_space<hbm>>) target(%arg17 : memref<64x128xf32, #tpu.memory_space<vmem>>) offsets(%arg7 : memref<64xi32, #tpu.memory_space<vmem>>) semaphore(%arg23 : memref<!tpu.dma_semaphore, #tpu.memory_space<semaphore_mem>>)
      %dma_wait3A_346 = arith.constant 0 : i32
      %dma_wait3A_347 = arith.constant 0 : i32
      %dma_wait3A_348 = tpu.memref_slice %arg22[%dma_wait3A_346, %dma_wait3A_347] : memref<10112x128xf32, #tpu.memory_space<vmem_shared>> -> memref<10112x128xf32, #tpu.memory_space<vmem_shared>>
      tpu.wait_indirect_dma semaphore(%arg29 : memref<!tpu.dma_semaphore, #tpu.memory_space<semaphore_mem>>) src(%arg18 : memref<64x128xf32, #tpu.memory_space<vmem>>) dst(%dma_wait3A_348 : memref<10112x128xf32, #tpu.memory_space<vmem_shared>>)
      %add3A_349 = arith.constant 5 : i32
      %add3A_350 = arith.addi %mul3A_211, %add3A_349 : i32
      %add3A_351 = arith.constant 1 : i32
      %add3A_352 = arith.addi %add3A_350, %add3A_351 : i32
      %mul3A_353 = arith.constant 64 : i32
      %mul3A_354 = arith.muli %add3A_352, %mul3A_353 : i32
      %add3A_355 = arith.addi %mul3A_10, %mul3A_354 : i32
      %dma_start3A_356 = tpu.memref_slice %arg4[%add3A_355] : memref<322560xi32, #tpu.memory_space<hbm>> -> memref<64xi32, #tpu.memory_space<hbm>>
      %dma_start3A_357 = tpu.memref_slice %arg4[%add3A_355] : memref<322560xi32, #tpu.memory_space<hbm>> -> memref<64xi32, #tpu.memory_space<hbm>>
      tpu.enqueue_dma source(%dma_start3A_357 : memref<64xi32, #tpu.memory_space<hbm>>) target(%arg13 : memref<64xi32, #tpu.memory_space<vmem>>) target_semaphore(%arg39 : memref<!tpu.dma_semaphore, #tpu.memory_space<semaphore_mem>>)
      %add3A_358 = arith.constant 5 : i32
      %add3A_359 = arith.addi %mul3A_211, %add3A_358 : i32
      %add3A_360 = arith.constant 1 : i32
      %add3A_361 = arith.addi %add3A_359, %add3A_360 : i32
      %mul3A_362 = arith.constant 64 : i32
      %mul3A_363 = arith.muli %add3A_361, %mul3A_362 : i32
      %add3A_364 = arith.addi %mul3A_10, %mul3A_363 : i32
      %dma_wait3A_365 = tpu.memref_slice %arg3[%add3A_364] : memref<322560xi32, #tpu.memory_space<hbm>> -> memref<64xi32, #tpu.memory_space<hbm>>
      %dma_wait3A_366 = tpu.memref_slice %arg3[%add3A_364] : memref<322560xi32, #tpu.memory_space<hbm>> -> memref<64xi32, #tpu.memory_space<hbm>>
      tpu.wait_dma2 semaphore(%arg34 : memref<!tpu.dma_semaphore, #tpu.memory_space<semaphore_mem>>) src(%dma_wait3A_366 : memref<64xi32, #tpu.memory_space<hbm>>) dst(%arg8 : memref<64xi32, #tpu.memory_space<vmem>>)
      %dma_start3A_367 = arith.constant 0 : i32
      %dma_start3A_368 = arith.constant 0 : i32
      %dma_start3A_369 = tpu.memref_slice %arg2[%dma_start3A_367, %dma_start3A_368] : memref<80000x128xf32, #tpu.memory_space<hbm>> -> memref<80000x128xf32, #tpu.memory_space<hbm>>
      tpu.enqueue_indirect_dma source(%dma_start3A_369 : memref<80000x128xf32, #tpu.memory_space<hbm>>) target(%arg18 : memref<64x128xf32, #tpu.memory_space<vmem>>) offsets(%arg8 : memref<64xi32, #tpu.memory_space<vmem>>) semaphore(%arg24 : memref<!tpu.dma_semaphore, #tpu.memory_space<semaphore_mem>>)
      %dma_wait3A_370 = arith.constant 0 : i32
      %dma_wait3A_371 = arith.constant 0 : i32
      %dma_wait3A_372 = tpu.memref_slice %arg22[%dma_wait3A_370, %dma_wait3A_371] : memref<10112x128xf32, #tpu.memory_space<vmem_shared>> -> memref<10112x128xf32, #tpu.memory_space<vmem_shared>>
      tpu.wait_indirect_dma semaphore(%arg30 : memref<!tpu.dma_semaphore, #tpu.memory_space<semaphore_mem>>) src(%arg19 : memref<64x128xf32, #tpu.memory_space<vmem>>) dst(%dma_wait3A_372 : memref<10112x128xf32, #tpu.memory_space<vmem_shared>>)
      %add3A_373 = arith.constant 5 : i32
      %add3A_374 = arith.addi %mul3A_211, %add3A_373 : i32
      %add3A_375 = arith.constant 2 : i32
      %add3A_376 = arith.addi %add3A_374, %add3A_375 : i32
      %mul3A_377 = arith.constant 64 : i32
      %mul3A_378 = arith.muli %add3A_376, %mul3A_377 : i32
      %add3A_379 = arith.addi %mul3A_10, %mul3A_378 : i32
      %dma_start3A_380 = tpu.memref_slice %arg4[%add3A_379] : memref<322560xi32, #tpu.memory_space<hbm>> -> memref<64xi32, #tpu.memory_space<hbm>>
      %dma_start3A_381 = tpu.memref_slice %arg4[%add3A_379] : memref<322560xi32, #tpu.memory_space<hbm>> -> memref<64xi32, #tpu.memory_space<hbm>>
      tpu.enqueue_dma source(%dma_start3A_381 : memref<64xi32, #tpu.memory_space<hbm>>) target(%arg14 : memref<64xi32, #tpu.memory_space<vmem>>) target_semaphore(%arg40 : memref<!tpu.dma_semaphore, #tpu.memory_space<semaphore_mem>>)
      %add3A_382 = arith.constant 5 : i32
      %add3A_383 = arith.addi %mul3A_211, %add3A_382 : i32
      %add3A_384 = arith.constant 2 : i32
      %add3A_385 = arith.addi %add3A_383, %add3A_384 : i32
      %mul3A_386 = arith.constant 64 : i32
      %mul3A_387 = arith.muli %add3A_385, %mul3A_386 : i32
      %add3A_388 = arith.addi %mul3A_10, %mul3A_387 : i32
      %dma_wait3A_389 = tpu.memref_slice %arg3[%add3A_388] : memref<322560xi32, #tpu.memory_space<hbm>> -> memref<64xi32, #tpu.memory_space<hbm>>
      %dma_wait3A_390 = tpu.memref_slice %arg3[%add3A_388] : memref<322560xi32, #tpu.memory_space<hbm>> -> memref<64xi32, #tpu.memory_space<hbm>>
      tpu.wait_dma2 semaphore(%arg35 : memref<!tpu.dma_semaphore, #tpu.memory_space<semaphore_mem>>) src(%dma_wait3A_390 : memref<64xi32, #tpu.memory_space<hbm>>) dst(%arg9 : memref<64xi32, #tpu.memory_space<vmem>>)
      %dma_start3A_391 = arith.constant 0 : i32
      %dma_start3A_392 = arith.constant 0 : i32
      %dma_start3A_393 = tpu.memref_slice %arg2[%dma_start3A_391, %dma_start3A_392] : memref<80000x128xf32, #tpu.memory_space<hbm>> -> memref<80000x128xf32, #tpu.memory_space<hbm>>
      tpu.enqueue_indirect_dma source(%dma_start3A_393 : memref<80000x128xf32, #tpu.memory_space<hbm>>) target(%arg19 : memref<64x128xf32, #tpu.memory_space<vmem>>) offsets(%arg9 : memref<64xi32, #tpu.memory_space<vmem>>) semaphore(%arg25 : memref<!tpu.dma_semaphore, #tpu.memory_space<semaphore_mem>>)
      %dma_wait3A_394 = arith.constant 0 : i32
      %dma_wait3A_395 = arith.constant 0 : i32
      %dma_wait3A_396 = tpu.memref_slice %arg22[%dma_wait3A_394, %dma_wait3A_395] : memref<10112x128xf32, #tpu.memory_space<vmem_shared>> -> memref<10112x128xf32, #tpu.memory_space<vmem_shared>>
      tpu.wait_indirect_dma semaphore(%arg31 : memref<!tpu.dma_semaphore, #tpu.memory_space<semaphore_mem>>) src(%arg20 : memref<64x128xf32, #tpu.memory_space<vmem>>) dst(%dma_wait3A_396 : memref<10112x128xf32, #tpu.memory_space<vmem_shared>>)
      %add3A_397 = arith.constant 5 : i32
      %add3A_398 = arith.addi %mul3A_211, %add3A_397 : i32
      %add3A_399 = arith.constant 3 : i32
      %add3A_400 = arith.addi %add3A_398, %add3A_399 : i32
      %mul3A_401 = arith.constant 64 : i32
      %mul3A_402 = arith.muli %add3A_400, %mul3A_401 : i32
      %add3A_403 = arith.addi %mul3A_10, %mul3A_402 : i32
      %dma_start3A_404 = tpu.memref_slice %arg4[%add3A_403] : memref<322560xi32, #tpu.memory_space<hbm>> -> memref<64xi32, #tpu.memory_space<hbm>>
      %dma_start3A_405 = tpu.memref_slice %arg4[%add3A_403] : memref<322560xi32, #tpu.memory_space<hbm>> -> memref<64xi32, #tpu.memory_space<hbm>>
      tpu.enqueue_dma source(%dma_start3A_405 : memref<64xi32, #tpu.memory_space<hbm>>) target(%arg15 : memref<64xi32, #tpu.memory_space<vmem>>) target_semaphore(%arg41 : memref<!tpu.dma_semaphore, #tpu.memory_space<semaphore_mem>>)
      %add3A_406 = arith.constant 5 : i32
      %add3A_407 = arith.addi %mul3A_211, %add3A_406 : i32
      %add3A_408 = arith.constant 3 : i32
      %add3A_409 = arith.addi %add3A_407, %add3A_408 : i32
      %mul3A_410 = arith.constant 64 : i32
      %mul3A_411 = arith.muli %add3A_409, %mul3A_410 : i32
      %add3A_412 = arith.addi %mul3A_10, %mul3A_411 : i32
      %dma_wait3A_413 = tpu.memref_slice %arg3[%add3A_412] : memref<322560xi32, #tpu.memory_space<hbm>> -> memref<64xi32, #tpu.memory_space<hbm>>
      %dma_wait3A_414 = tpu.memref_slice %arg3[%add3A_412] : memref<322560xi32, #tpu.memory_space<hbm>> -> memref<64xi32, #tpu.memory_space<hbm>>
      tpu.wait_dma2 semaphore(%arg36 : memref<!tpu.dma_semaphore, #tpu.memory_space<semaphore_mem>>) src(%dma_wait3A_414 : memref<64xi32, #tpu.memory_space<hbm>>) dst(%arg10 : memref<64xi32, #tpu.memory_space<vmem>>)
      %dma_start3A_415 = arith.constant 0 : i32
      %dma_start3A_416 = arith.constant 0 : i32
      %dma_start3A_417 = tpu.memref_slice %arg2[%dma_start3A_415, %dma_start3A_416] : memref<80000x128xf32, #tpu.memory_space<hbm>> -> memref<80000x128xf32, #tpu.memory_space<hbm>>
      tpu.enqueue_indirect_dma source(%dma_start3A_417 : memref<80000x128xf32, #tpu.memory_space<hbm>>) target(%arg20 : memref<64x128xf32, #tpu.memory_space<vmem>>) offsets(%arg10 : memref<64xi32, #tpu.memory_space<vmem>>) semaphore(%arg26 : memref<!tpu.dma_semaphore, #tpu.memory_space<semaphore_mem>>)
      %dma_wait3A_418 = arith.constant 0 : i32
      %dma_wait3A_419 = arith.constant 0 : i32
      %dma_wait3A_420 = tpu.memref_slice %arg22[%dma_wait3A_418, %dma_wait3A_419] : memref<10112x128xf32, #tpu.memory_space<vmem_shared>> -> memref<10112x128xf32, #tpu.memory_space<vmem_shared>>
      tpu.wait_indirect_dma semaphore(%arg32 : memref<!tpu.dma_semaphore, #tpu.memory_space<semaphore_mem>>) src(%arg21 : memref<64x128xf32, #tpu.memory_space<vmem>>) dst(%dma_wait3A_420 : memref<10112x128xf32, #tpu.memory_space<vmem_shared>>)
      %add3A_421 = arith.constant 5 : i32
      %add3A_422 = arith.addi %mul3A_211, %add3A_421 : i32
      %add3A_423 = arith.constant 4 : i32
      %add3A_424 = arith.addi %add3A_422, %add3A_423 : i32
      %mul3A_425 = arith.constant 64 : i32
      %mul3A_426 = arith.muli %add3A_424, %mul3A_425 : i32
      %add3A_427 = arith.addi %mul3A_10, %mul3A_426 : i32
      %dma_start3A_428 = tpu.memref_slice %arg4[%add3A_427] : memref<322560xi32, #tpu.memory_space<hbm>> -> memref<64xi32, #tpu.memory_space<hbm>>
      %dma_start3A_429 = tpu.memref_slice %arg4[%add3A_427] : memref<322560xi32, #tpu.memory_space<hbm>> -> memref<64xi32, #tpu.memory_space<hbm>>
      tpu.enqueue_dma source(%dma_start3A_429 : memref<64xi32, #tpu.memory_space<hbm>>) target(%arg16 : memref<64xi32, #tpu.memory_space<vmem>>) target_semaphore(%arg42 : memref<!tpu.dma_semaphore, #tpu.memory_space<semaphore_mem>>)
      %add3A_430 = arith.constant 5 : i32
      %add3A_431 = arith.addi %mul3A_211, %add3A_430 : i32
      %add3A_432 = arith.constant 4 : i32
      %add3A_433 = arith.addi %add3A_431, %add3A_432 : i32
      %mul3A_434 = arith.constant 64 : i32
      %mul3A_435 = arith.muli %add3A_433, %mul3A_434 : i32
      %add3A_436 = arith.addi %mul3A_10, %mul3A_435 : i32
      %dma_wait3A_437 = tpu.memref_slice %arg3[%add3A_436] : memref<322560xi32, #tpu.memory_space<hbm>> -> memref<64xi32, #tpu.memory_space<hbm>>
      %dma_wait3A_438 = tpu.memref_slice %arg3[%add3A_436] : memref<322560xi32, #tpu.memory_space<hbm>> -> memref<64xi32, #tpu.memory_space<hbm>>
      tpu.wait_dma2 semaphore(%arg37 : memref<!tpu.dma_semaphore, #tpu.memory_space<semaphore_mem>>) src(%dma_wait3A_438 : memref<64xi32, #tpu.memory_space<hbm>>) dst(%arg11 : memref<64xi32, #tpu.memory_space<vmem>>)
      %dma_start3A_439 = arith.constant 0 : i32
      %dma_start3A_440 = arith.constant 0 : i32
      %dma_start3A_441 = tpu.memref_slice %arg2[%dma_start3A_439, %dma_start3A_440] : memref<80000x128xf32, #tpu.memory_space<hbm>> -> memref<80000x128xf32, #tpu.memory_space<hbm>>
      tpu.enqueue_indirect_dma source(%dma_start3A_441 : memref<80000x128xf32, #tpu.memory_space<hbm>>) target(%arg21 : memref<64x128xf32, #tpu.memory_space<vmem>>) offsets(%arg11 : memref<64xi32, #tpu.memory_space<vmem>>) semaphore(%arg27 : memref<!tpu.dma_semaphore, #tpu.memory_space<semaphore_mem>>)
    }
    %dma_wait3A_115 = arith.constant 0 : i32
    %dma_wait3A_116 = arith.constant 0 : i32
    %dma_wait3A_117 = tpu.memref_slice %arg2[%dma_wait3A_115, %dma_wait3A_116] : memref<80000x128xf32, #tpu.memory_space<hbm>> -> memref<80000x128xf32, #tpu.memory_space<hbm>>
    tpu.wait_indirect_dma semaphore(%arg23 : memref<!tpu.dma_semaphore, #tpu.memory_space<semaphore_mem>>) src(%dma_wait3A_117 : memref<80000x128xf32, #tpu.memory_space<hbm>>) dst(%arg17 : memref<64x128xf32, #tpu.memory_space<vmem>>)
    %sub3A_118 = arith.constant 5 : i32
    %sub3A_119 = arith.subi %select_n3A, %sub3A_118 : i32
    %add3A_120 = arith.constant 0 : i32
    %add3A_121 = arith.addi %sub3A_119, %add3A_120 : i32
    %mul3A_122 = arith.constant 64 : i32
    %mul3A_123 = arith.muli %add3A_121, %mul3A_122 : i32
    %add3A_124 = arith.addi %mul3A_10, %mul3A_123 : i32
    %dma_wait3A_125 = tpu.memref_slice %arg4[%add3A_124] : memref<322560xi32, #tpu.memory_space<hbm>> -> memref<64xi32, #tpu.memory_space<hbm>>
    %dma_wait3A_126 = tpu.memref_slice %arg4[%add3A_124] : memref<322560xi32, #tpu.memory_space<hbm>> -> memref<64xi32, #tpu.memory_space<hbm>>
    tpu.wait_dma2 semaphore(%arg38 : memref<!tpu.dma_semaphore, #tpu.memory_space<semaphore_mem>>) src(%dma_wait3A_126 : memref<64xi32, #tpu.memory_space<hbm>>) dst(%arg12 : memref<64xi32, #tpu.memory_space<vmem>>)
    %dma_start3A_127 = arith.constant 0 : i32
    %dma_start3A_128 = arith.constant 0 : i32
    %dma_start3A_129 = tpu.memref_slice %arg22[%dma_start3A_127, %dma_start3A_128] : memref<10112x128xf32, #tpu.memory_space<vmem_shared>> -> memref<10112x128xf32, #tpu.memory_space<vmem_shared>>
    tpu.enqueue_indirect_dma source(%arg17 : memref<64x128xf32, #tpu.memory_space<vmem>>) target(%dma_start3A_129 : memref<10112x128xf32, #tpu.memory_space<vmem_shared>>) offsets(%arg12 : memref<64xi32, #tpu.memory_space<vmem>>) semaphore(%arg28 : memref<!tpu.dma_semaphore, #tpu.memory_space<semaphore_mem>>) {add = true}
    %dma_wait3A_130 = arith.constant 0 : i32
    %dma_wait3A_131 = arith.constant 0 : i32
    %dma_wait3A_132 = tpu.memref_slice %arg2[%dma_wait3A_130, %dma_wait3A_131] : memref<80000x128xf32, #tpu.memory_space<hbm>> -> memref<80000x128xf32, #tpu.memory_space<hbm>>
    tpu.wait_indirect_dma semaphore(%arg24 : memref<!tpu.dma_semaphore, #tpu.memory_space<semaphore_mem>>) src(%dma_wait3A_132 : memref<80000x128xf32, #tpu.memory_space<hbm>>) dst(%arg18 : memref<64x128xf32, #tpu.memory_space<vmem>>)
    %sub3A_133 = arith.constant 5 : i32
    %sub3A_134 = arith.subi %select_n3A, %sub3A_133 : i32
    %add3A_135 = arith.constant 1 : i32
    %add3A_136 = arith.addi %sub3A_134, %add3A_135 : i32
    %mul3A_137 = arith.constant 64 : i32
    %mul3A_138 = arith.muli %add3A_136, %mul3A_137 : i32
    %add3A_139 = arith.addi %mul3A_10, %mul3A_138 : i32
    %dma_wait3A_140 = tpu.memref_slice %arg4[%add3A_139] : memref<322560xi32, #tpu.memory_space<hbm>> -> memref<64xi32, #tpu.memory_space<hbm>>
    %dma_wait3A_141 = tpu.memref_slice %arg4[%add3A_139] : memref<322560xi32, #tpu.memory_space<hbm>> -> memref<64xi32, #tpu.memory_space<hbm>>
    tpu.wait_dma2 semaphore(%arg39 : memref<!tpu.dma_semaphore, #tpu.memory_space<semaphore_mem>>) src(%dma_wait3A_141 : memref<64xi32, #tpu.memory_space<hbm>>) dst(%arg13 : memref<64xi32, #tpu.memory_space<vmem>>)
    %dma_start3A_142 = arith.constant 0 : i32
    %dma_start3A_143 = arith.constant 0 : i32
    %dma_start3A_144 = tpu.memref_slice %arg22[%dma_start3A_142, %dma_start3A_143] : memref<10112x128xf32, #tpu.memory_space<vmem_shared>> -> memref<10112x128xf32, #tpu.memory_space<vmem_shared>>
    tpu.enqueue_indirect_dma source(%arg18 : memref<64x128xf32, #tpu.memory_space<vmem>>) target(%dma_start3A_144 : memref<10112x128xf32, #tpu.memory_space<vmem_shared>>) offsets(%arg13 : memref<64xi32, #tpu.memory_space<vmem>>) semaphore(%arg29 : memref<!tpu.dma_semaphore, #tpu.memory_space<semaphore_mem>>) {add = true}
    %dma_wait3A_145 = arith.constant 0 : i32
    %dma_wait3A_146 = arith.constant 0 : i32
    %dma_wait3A_147 = tpu.memref_slice %arg2[%dma_wait3A_145, %dma_wait3A_146] : memref<80000x128xf32, #tpu.memory_space<hbm>> -> memref<80000x128xf32, #tpu.memory_space<hbm>>
    tpu.wait_indirect_dma semaphore(%arg25 : memref<!tpu.dma_semaphore, #tpu.memory_space<semaphore_mem>>) src(%dma_wait3A_147 : memref<80000x128xf32, #tpu.memory_space<hbm>>) dst(%arg19 : memref<64x128xf32, #tpu.memory_space<vmem>>)
    %sub3A_148 = arith.constant 5 : i32
    %sub3A_149 = arith.subi %select_n3A, %sub3A_148 : i32
    %add3A_150 = arith.constant 2 : i32
    %add3A_151 = arith.addi %sub3A_149, %add3A_150 : i32
    %mul3A_152 = arith.constant 64 : i32
    %mul3A_153 = arith.muli %add3A_151, %mul3A_152 : i32
    %add3A_154 = arith.addi %mul3A_10, %mul3A_153 : i32
    %dma_wait3A_155 = tpu.memref_slice %arg4[%add3A_154] : memref<322560xi32, #tpu.memory_space<hbm>> -> memref<64xi32, #tpu.memory_space<hbm>>
    %dma_wait3A_156 = tpu.memref_slice %arg4[%add3A_154] : memref<322560xi32, #tpu.memory_space<hbm>> -> memref<64xi32, #tpu.memory_space<hbm>>
    tpu.wait_dma2 semaphore(%arg40 : memref<!tpu.dma_semaphore, #tpu.memory_space<semaphore_mem>>) src(%dma_wait3A_156 : memref<64xi32, #tpu.memory_space<hbm>>) dst(%arg14 : memref<64xi32, #tpu.memory_space<vmem>>)
    %dma_start3A_157 = arith.constant 0 : i32
    %dma_start3A_158 = arith.constant 0 : i32
    %dma_start3A_159 = tpu.memref_slice %arg22[%dma_start3A_157, %dma_start3A_158] : memref<10112x128xf32, #tpu.memory_space<vmem_shared>> -> memref<10112x128xf32, #tpu.memory_space<vmem_shared>>
    tpu.enqueue_indirect_dma source(%arg19 : memref<64x128xf32, #tpu.memory_space<vmem>>) target(%dma_start3A_159 : memref<10112x128xf32, #tpu.memory_space<vmem_shared>>) offsets(%arg14 : memref<64xi32, #tpu.memory_space<vmem>>) semaphore(%arg30 : memref<!tpu.dma_semaphore, #tpu.memory_space<semaphore_mem>>) {add = true}
    %dma_wait3A_160 = arith.constant 0 : i32
    %dma_wait3A_161 = arith.constant 0 : i32
    %dma_wait3A_162 = tpu.memref_slice %arg2[%dma_wait3A_160, %dma_wait3A_161] : memref<80000x128xf32, #tpu.memory_space<hbm>> -> memref<80000x128xf32, #tpu.memory_space<hbm>>
    tpu.wait_indirect_dma semaphore(%arg26 : memref<!tpu.dma_semaphore, #tpu.memory_space<semaphore_mem>>) src(%dma_wait3A_162 : memref<80000x128xf32, #tpu.memory_space<hbm>>) dst(%arg20 : memref<64x128xf32, #tpu.memory_space<vmem>>)
    %sub3A_163 = arith.constant 5 : i32
    %sub3A_164 = arith.subi %select_n3A, %sub3A_163 : i32
    %add3A_165 = arith.constant 3 : i32
    %add3A_166 = arith.addi %sub3A_164, %add3A_165 : i32
    %mul3A_167 = arith.constant 64 : i32
    %mul3A_168 = arith.muli %add3A_166, %mul3A_167 : i32
    %add3A_169 = arith.addi %mul3A_10, %mul3A_168 : i32
    %dma_wait3A_170 = tpu.memref_slice %arg4[%add3A_169] : memref<322560xi32, #tpu.memory_space<hbm>> -> memref<64xi32, #tpu.memory_space<hbm>>
    %dma_wait3A_171 = tpu.memref_slice %arg4[%add3A_169] : memref<322560xi32, #tpu.memory_space<hbm>> -> memref<64xi32, #tpu.memory_space<hbm>>
    tpu.wait_dma2 semaphore(%arg41 : memref<!tpu.dma_semaphore, #tpu.memory_space<semaphore_mem>>) src(%dma_wait3A_171 : memref<64xi32, #tpu.memory_space<hbm>>) dst(%arg15 : memref<64xi32, #tpu.memory_space<vmem>>)
    %dma_start3A_172 = arith.constant 0 : i32
    %dma_start3A_173 = arith.constant 0 : i32
    %dma_start3A_174 = tpu.memref_slice %arg22[%dma_start3A_172, %dma_start3A_173] : memref<10112x128xf32, #tpu.memory_space<vmem_shared>> -> memref<10112x128xf32, #tpu.memory_space<vmem_shared>>
    tpu.enqueue_indirect_dma source(%arg20 : memref<64x128xf32, #tpu.memory_space<vmem>>) target(%dma_start3A_174 : memref<10112x128xf32, #tpu.memory_space<vmem_shared>>) offsets(%arg15 : memref<64xi32, #tpu.memory_space<vmem>>) semaphore(%arg31 : memref<!tpu.dma_semaphore, #tpu.memory_space<semaphore_mem>>) {add = true}
    %dma_wait3A_175 = arith.constant 0 : i32
    %dma_wait3A_176 = arith.constant 0 : i32
    %dma_wait3A_177 = tpu.memref_slice %arg2[%dma_wait3A_175, %dma_wait3A_176] : memref<80000x128xf32, #tpu.memory_space<hbm>> -> memref<80000x128xf32, #tpu.memory_space<hbm>>
    tpu.wait_indirect_dma semaphore(%arg27 : memref<!tpu.dma_semaphore, #tpu.memory_space<semaphore_mem>>) src(%dma_wait3A_177 : memref<80000x128xf32, #tpu.memory_space<hbm>>) dst(%arg21 : memref<64x128xf32, #tpu.memory_space<vmem>>)
    %sub3A_178 = arith.constant 5 : i32
    %sub3A_179 = arith.subi %select_n3A, %sub3A_178 : i32
    %add3A_180 = arith.constant 4 : i32
    %add3A_181 = arith.addi %sub3A_179, %add3A_180 : i32
    %mul3A_182 = arith.constant 64 : i32
    %mul3A_183 = arith.muli %add3A_181, %mul3A_182 : i32
    %add3A_184 = arith.addi %mul3A_10, %mul3A_183 : i32
    %dma_wait3A_185 = tpu.memref_slice %arg4[%add3A_184] : memref<322560xi32, #tpu.memory_space<hbm>> -> memref<64xi32, #tpu.memory_space<hbm>>
    %dma_wait3A_186 = tpu.memref_slice %arg4[%add3A_184] : memref<322560xi32, #tpu.memory_space<hbm>> -> memref<64xi32, #tpu.memory_space<hbm>>
    tpu.wait_dma2 semaphore(%arg42 : memref<!tpu.dma_semaphore, #tpu.memory_space<semaphore_mem>>) src(%dma_wait3A_186 : memref<64xi32, #tpu.memory_space<hbm>>) dst(%arg16 : memref<64xi32, #tpu.memory_space<vmem>>)
    %dma_start3A_187 = arith.constant 0 : i32
    %dma_start3A_188 = arith.constant 0 : i32
    %dma_start3A_189 = tpu.memref_slice %arg22[%dma_start3A_187, %dma_start3A_188] : memref<10112x128xf32, #tpu.memory_space<vmem_shared>> -> memref<10112x128xf32, #tpu.memory_space<vmem_shared>>
    tpu.enqueue_indirect_dma source(%arg21 : memref<64x128xf32, #tpu.memory_space<vmem>>) target(%dma_start3A_189 : memref<10112x128xf32, #tpu.memory_space<vmem_shared>>) offsets(%arg16 : memref<64xi32, #tpu.memory_space<vmem>>) semaphore(%arg32 : memref<!tpu.dma_semaphore, #tpu.memory_space<semaphore_mem>>) {add = true}
    %dma_wait3A_190 = arith.constant 0 : i32
    %dma_wait3A_191 = arith.constant 0 : i32
    %dma_wait3A_192 = tpu.memref_slice %arg22[%dma_wait3A_190, %dma_wait3A_191] : memref<10112x128xf32, #tpu.memory_space<vmem_shared>> -> memref<10112x128xf32, #tpu.memory_space<vmem_shared>>
    tpu.wait_indirect_dma semaphore(%arg28 : memref<!tpu.dma_semaphore, #tpu.memory_space<semaphore_mem>>) src(%arg17 : memref<64x128xf32, #tpu.memory_space<vmem>>) dst(%dma_wait3A_192 : memref<10112x128xf32, #tpu.memory_space<vmem_shared>>)
    %dma_wait3A_193 = arith.constant 0 : i32
    %dma_wait3A_194 = arith.constant 0 : i32
    %dma_wait3A_195 = tpu.memref_slice %arg22[%dma_wait3A_193, %dma_wait3A_194] : memref<10112x128xf32, #tpu.memory_space<vmem_shared>> -> memref<10112x128xf32, #tpu.memory_space<vmem_shared>>
    tpu.wait_indirect_dma semaphore(%arg29 : memref<!tpu.dma_semaphore, #tpu.memory_space<semaphore_mem>>) src(%arg18 : memref<64x128xf32, #tpu.memory_space<vmem>>) dst(%dma_wait3A_195 : memref<10112x128xf32, #tpu.memory_space<vmem_shared>>)
    %dma_wait3A_196 = arith.constant 0 : i32
    %dma_wait3A_197 = arith.constant 0 : i32
    %dma_wait3A_198 = tpu.memref_slice %arg22[%dma_wait3A_196, %dma_wait3A_197] : memref<10112x128xf32, #tpu.memory_space<vmem_shared>> -> memref<10112x128xf32, #tpu.memory_space<vmem_shared>>
    tpu.wait_indirect_dma semaphore(%arg30 : memref<!tpu.dma_semaphore, #tpu.memory_space<semaphore_mem>>) src(%arg19 : memref<64x128xf32, #tpu.memory_space<vmem>>) dst(%dma_wait3A_198 : memref<10112x128xf32, #tpu.memory_space<vmem_shared>>)
    %dma_wait3A_199 = arith.constant 0 : i32
    %dma_wait3A_200 = arith.constant 0 : i32
    %dma_wait3A_201 = tpu.memref_slice %arg22[%dma_wait3A_199, %dma_wait3A_200] : memref<10112x128xf32, #tpu.memory_space<vmem_shared>> -> memref<10112x128xf32, #tpu.memory_space<vmem_shared>>
    tpu.wait_indirect_dma semaphore(%arg31 : memref<!tpu.dma_semaphore, #tpu.memory_space<semaphore_mem>>) src(%arg20 : memref<64x128xf32, #tpu.memory_space<vmem>>) dst(%dma_wait3A_201 : memref<10112x128xf32, #tpu.memory_space<vmem_shared>>)
    %dma_wait3A_202 = arith.constant 0 : i32
    %dma_wait3A_203 = arith.constant 0 : i32
    %dma_wait3A_204 = tpu.memref_slice %arg22[%dma_wait3A_202, %dma_wait3A_203] : memref<10112x128xf32, #tpu.memory_space<vmem_shared>> -> memref<10112x128xf32, #tpu.memory_space<vmem_shared>>
    tpu.wait_indirect_dma semaphore(%arg32 : memref<!tpu.dma_semaphore, #tpu.memory_space<semaphore_mem>>) src(%arg21 : memref<64x128xf32, #tpu.memory_space<vmem>>) dst(%dma_wait3A_204 : memref<10112x128xf32, #tpu.memory_space<vmem_shared>>)
    %barrier3A_205 = arith.constant 0 : index
    tpu.barrier barrier_id(%barrier3A_205)
    "tpu.trace_stop"() : () -> ()
    "tpu.trace_start"() <{level = 10 : i32, message = "sc_out"}> : () -> ()
    %mul3A_206 = arith.constant 632 : i32
    %mul3A_207 = arith.muli %arg1, %mul3A_206 : i32
    %multiple_of3A_208 = tpu.assume_multiple %mul3A_207, 8 : i32
    "tpu.region"() ({
      %run_scoped3A = tpu.sem_alloc : memref<!tpu.dma_semaphore, #tpu.memory_space<semaphore_mem>>
      %dma_start3A_209 = arith.constant 0 : i32
      %dma_start3A_210 = tpu.memref_slice %arg6[%arg0, %multiple_of3A_208, %dma_start3A_209] : memref<2x10112x128xf32, #tpu.memory_space<hbm>> -> memref<1x632x128xf32, #tpu.memory_space<hbm>>
      %dma_start3A_211 = tpu.memref_squeeze %dma_start3A_210 : memref<1x632x128xf32, #tpu.memory_space<hbm>> -> memref<632x128xf32, #tpu.memory_space<hbm>>
      %dma_start3A_212 = arith.constant 0 : i32
      %dma_start3A_213 = tpu.memref_slice %arg22[%multiple_of3A_208, %dma_start3A_212] : memref<10112x128xf32, #tpu.memory_space<vmem_shared>> -> memref<632x128xf32, #tpu.memory_space<vmem_shared>>
      tpu.enqueue_dma source(%dma_start3A_213 : memref<632x128xf32, #tpu.memory_space<vmem_shared>>) target(%dma_start3A_211 : memref<632x128xf32, #tpu.memory_space<hbm>>) target_semaphore(%run_scoped3A : memref<!tpu.dma_semaphore, #tpu.memory_space<semaphore_mem>>)
      %dma_wait3A_214 = arith.constant 0 : i32
      %dma_wait3A_215 = tpu.memref_slice %arg6[%arg0, %multiple_of3A_208, %dma_wait3A_214] : memref<2x10112x128xf32, #tpu.memory_space<hbm>> -> memref<1x632x128xf32, #tpu.memory_space<hbm>>
      %dma_wait3A_216 = tpu.memref_squeeze %dma_wait3A_215 : memref<1x632x128xf32, #tpu.memory_space<hbm>> -> memref<632x128xf32, #tpu.memory_space<hbm>>
      %dma_wait3A_217 = arith.constant 0 : i32
      %dma_wait3A_218 = tpu.memref_slice %arg22[%multiple_of3A_208, %dma_wait3A_217] : memref<10112x128xf32, #tpu.memory_space<vmem_shared>> -> memref<632x128xf32, #tpu.memory_space<vmem_shared>>
      tpu.wait_dma2 semaphore(%run_scoped3A : memref<!tpu.dma_semaphore, #tpu.memory_space<semaphore_mem>>) src(%dma_wait3A_218 : memref<632x128xf32, #tpu.memory_space<vmem_shared>>) dst(%dma_wait3A_216 : memref<632x128xf32, #tpu.memory_space<hbm>>)
      tpu.yield
    }) : () -> ()
    "tpu.trace_stop"() : () -> ()
    return
  }
}

#map = affine_map<(d0, d1) -> (0, 0)>
#map1 = affine_map<(d0, d1) -> (0)>
#map2 = affine_map<(d0, d1) -> (0, 0, 0)>
module attributes {stable_mosaic.version = 14 : i64} {
  func.func @sc_agg(%arg0: i32, %arg1: i32, %arg2: memref<80000x128xf32, #tpu.memory_space<hbm>>, %arg3: memref<322560xi32, #tpu.memory_space<hbm>>, %arg4: memref<322560xi32, #tpu.memory_space<hbm>>, %arg5: memref<10112x128xf32, #tpu.memory_space<hbm>>, %arg6: memref<2x10112x128xf32, #tpu.memory_space<hbm>>, %arg7: memref<64xi32, #tpu.memory_space<vmem>>, %arg8: memref<64xi32, #tpu.memory_space<vmem>>, %arg9: memref<64xi32, #tpu.memory_space<vmem>>, %arg10: memref<64xi32, #tpu.memory_space<vmem>>, %arg11: memref<64xi32, #tpu.memory_space<vmem>>, %arg12: memref<64xi32, #tpu.memory_space<vmem>>, %arg13: memref<64xi32, #tpu.memory_space<vmem>>, %arg14: memref<64xi32, #tpu.memory_space<vmem>>, %arg15: memref<64xi32, #tpu.memory_space<vmem>>, %arg16: memref<64xi32, #tpu.memory_space<vmem>>, %arg17: memref<64x128xf32, #tpu.memory_space<vmem>>, %arg18: memref<64x128xf32, #tpu.memory_space<vmem>>, %arg19: memref<64x128xf32, #tpu.memory_space<vmem>>, %arg20: memref<64x128xf32, #tpu.memory_space<vmem>>, %arg21: memref<64x128xf32, #tpu.memory_space<vmem>>, %arg22: memref<10112x128xf32, #tpu.memory_space<vmem_shared>>, %arg23: memref<!tpu.dma_semaphore, #tpu.memory_space<semaphore_mem>>, %arg24: memref<!tpu.dma_semaphore, #tpu.memory_space<semaphore_mem>>, %arg25: memref<!tpu.dma_semaphore, #tpu.memory_space<semaphore_mem>>, %arg26: memref<!tpu.dma_semaphore, #tpu.memory_space<semaphore_mem>>, %arg27: memref<!tpu.dma_semaphore, #tpu.memory_space<semaphore_mem>>, %arg28: memref<!tpu.dma_semaphore, #tpu.memory_space<semaphore_mem>>, %arg29: memref<!tpu.dma_semaphore, #tpu.memory_space<semaphore_mem>>, %arg30: memref<!tpu.dma_semaphore, #tpu.memory_space<semaphore_mem>>, %arg31: memref<!tpu.dma_semaphore, #tpu.memory_space<semaphore_mem>>, %arg32: memref<!tpu.dma_semaphore, #tpu.memory_space<semaphore_mem>>, %arg33: memref<!tpu.dma_semaphore, #tpu.memory_space<semaphore_mem>>, %arg34: memref<!tpu.dma_semaphore, #tpu.memory_space<semaphore_mem>>, %arg35: memref<!tpu.dma_semaphore, #tpu.memory_space<semaphore_mem>>, %arg36: memref<!tpu.dma_semaphore, #tpu.memory_space<semaphore_mem>>, %arg37: memref<!tpu.dma_semaphore, #tpu.memory_space<semaphore_mem>>, %arg38: memref<!tpu.dma_semaphore, #tpu.memory_space<semaphore_mem>>, %arg39: memref<!tpu.dma_semaphore, #tpu.memory_space<semaphore_mem>>, %arg40: memref<!tpu.dma_semaphore, #tpu.memory_space<semaphore_mem>>, %arg41: memref<!tpu.dma_semaphore, #tpu.memory_space<semaphore_mem>>, %arg42: memref<!tpu.dma_semaphore, #tpu.memory_space<semaphore_mem>>) attributes {dimension_semantics = [#tpu.dimension_semantics<core_parallel>, #tpu.dimension_semantics<subcore_parallel>], iteration_bounds = array<i64: 2, 16>, scalar_prefetch = 0 : i64, scratch_operands = 36 : i64, tpu.core_type = #tpu.core_type<sc_vector_subcore>, window_params = [{transform_indices = #map}, {transform_indices = #map1}, {transform_indices = #map1}, {transform_indices = #map}, {transform_indices = #map2}]} {
    %eq3A = arith.constant 0 : i32
    %eq3A_0 = arith.cmpi eq, %arg0, %eq3A : i32
    %jit3A = arith.constant 305 : i32
    %jit3A_1 = arith.constant 10 : i32
    %select_n3A = arith.select %eq3A_0, %jit3A, %jit3A_1 : i32
    %eq3A_2 = arith.constant 0 : i32
    %eq3A_3 = arith.cmpi eq, %arg0, %eq3A_2 : i32
    %mul3A = arith.constant 305 : i32
    %mul3A_4 = arith.muli %arg1, %mul3A : i32
    %mul3A_5 = arith.constant 10 : i32
    %mul3A_6 = arith.muli %arg1, %mul3A_5 : i32
    %add3A = arith.constant 4880 : i32
    %add3A_7 = arith.addi %add3A, %mul3A_6 : i32
    %select_n3A_8 = arith.select %eq3A_3, %mul3A_4, %add3A_7 : i32
    %mul3A_9 = arith.constant 64 : i32
    %mul3A_10 = arith.muli %select_n3A_8, %mul3A_9 : i32
    "tpu.trace_start"() <{level = 10 : i32, message = "sc_zinit"}> : () -> ()
    %add3A_11 = arith.constant 0 : i32
    %add3A_12 = arith.addi %mul3A_10, %add3A_11 : i32
    %dma_start3A = tpu.memref_slice %arg3[%add3A_12] : memref<322560xi32, #tpu.memory_space<hbm>> -> memref<64xi32, #tpu.memory_space<hbm>>
    %dma_start3A_13 = tpu.memref_slice %arg3[%add3A_12] : memref<322560xi32, #tpu.memory_space<hbm>> -> memref<64xi32, #tpu.memory_space<hbm>>
    tpu.enqueue_dma source(%dma_start3A_13 : memref<64xi32, #tpu.memory_space<hbm>>) target(%arg7 : memref<64xi32, #tpu.memory_space<vmem>>) target_semaphore(%arg33 : memref<!tpu.dma_semaphore, #tpu.memory_space<semaphore_mem>>)
    %add3A_14 = arith.constant 0 : i32
    %add3A_15 = arith.addi %mul3A_10, %add3A_14 : i32
    %dma_start3A_16 = tpu.memref_slice %arg4[%add3A_15] : memref<322560xi32, #tpu.memory_space<hbm>> -> memref<64xi32, #tpu.memory_space<hbm>>
    %dma_start3A_17 = tpu.memref_slice %arg4[%add3A_15] : memref<322560xi32, #tpu.memory_space<hbm>> -> memref<64xi32, #tpu.memory_space<hbm>>
    tpu.enqueue_dma source(%dma_start3A_17 : memref<64xi32, #tpu.memory_space<hbm>>) target(%arg12 : memref<64xi32, #tpu.memory_space<vmem>>) target_semaphore(%arg38 : memref<!tpu.dma_semaphore, #tpu.memory_space<semaphore_mem>>)
    %add3A_18 = arith.constant 64 : i32
    %add3A_19 = arith.addi %mul3A_10, %add3A_18 : i32
    %dma_start3A_20 = tpu.memref_slice %arg3[%add3A_19] : memref<322560xi32, #tpu.memory_space<hbm>> -> memref<64xi32, #tpu.memory_space<hbm>>
    %dma_start3A_21 = tpu.memref_slice %arg3[%add3A_19] : memref<322560xi32, #tpu.memory_space<hbm>> -> memref<64xi32, #tpu.memory_space<hbm>>
    tpu.enqueue_dma source(%dma_start3A_21 : memref<64xi32, #tpu.memory_space<hbm>>) target(%arg8 : memref<64xi32, #tpu.memory_space<vmem>>) target_semaphore(%arg34 : memref<!tpu.dma_semaphore, #tpu.memory_space<semaphore_mem>>)
    %add3A_22 = arith.constant 64 : i32
    %add3A_23 = arith.addi %mul3A_10, %add3A_22 : i32
    %dma_start3A_24 = tpu.memref_slice %arg4[%add3A_23] : memref<322560xi32, #tpu.memory_space<hbm>> -> memref<64xi32, #tpu.memory_space<hbm>>
    %dma_start3A_25 = tpu.memref_slice %arg4[%add3A_23] : memref<322560xi32, #tpu.memory_space<hbm>> -> memref<64xi32, #tpu.memory_space<hbm>>
    tpu.enqueue_dma source(%dma_start3A_25 : memref<64xi32, #tpu.memory_space<hbm>>) target(%arg13 : memref<64xi32, #tpu.memory_space<vmem>>) target_semaphore(%arg39 : memref<!tpu.dma_semaphore, #tpu.memory_space<semaphore_mem>>)
    %add3A_26 = arith.constant 128 : i32
    %add3A_27 = arith.addi %mul3A_10, %add3A_26 : i32
    %dma_start3A_28 = tpu.memref_slice %arg3[%add3A_27] : memref<322560xi32, #tpu.memory_space<hbm>> -> memref<64xi32, #tpu.memory_space<hbm>>
    %dma_start3A_29 = tpu.memref_slice %arg3[%add3A_27] : memref<322560xi32, #tpu.memory_space<hbm>> -> memref<64xi32, #tpu.memory_space<hbm>>
    tpu.enqueue_dma source(%dma_start3A_29 : memref<64xi32, #tpu.memory_space<hbm>>) target(%arg9 : memref<64xi32, #tpu.memory_space<vmem>>) target_semaphore(%arg35 : memref<!tpu.dma_semaphore, #tpu.memory_space<semaphore_mem>>)
    %add3A_30 = arith.constant 128 : i32
    %add3A_31 = arith.addi %mul3A_10, %add3A_30 : i32
    %dma_start3A_32 = tpu.memref_slice %arg4[%add3A_31] : memref<322560xi32, #tpu.memory_space<hbm>> -> memref<64xi32, #tpu.memory_space<hbm>>
    %dma_start3A_33 = tpu.memref_slice %arg4[%add3A_31] : memref<322560xi32, #tpu.memory_space<hbm>> -> memref<64xi32, #tpu.memory_space<hbm>>
    tpu.enqueue_dma source(%dma_start3A_33 : memref<64xi32, #tpu.memory_space<hbm>>) target(%arg14 : memref<64xi32, #tpu.memory_space<vmem>>) target_semaphore(%arg40 : memref<!tpu.dma_semaphore, #tpu.memory_space<semaphore_mem>>)
    %add3A_34 = arith.constant 192 : i32
    %add3A_35 = arith.addi %mul3A_10, %add3A_34 : i32
    %dma_start3A_36 = tpu.memref_slice %arg3[%add3A_35] : memref<322560xi32, #tpu.memory_space<hbm>> -> memref<64xi32, #tpu.memory_space<hbm>>
    %dma_start3A_37 = tpu.memref_slice %arg3[%add3A_35] : memref<322560xi32, #tpu.memory_space<hbm>> -> memref<64xi32, #tpu.memory_space<hbm>>
    tpu.enqueue_dma source(%dma_start3A_37 : memref<64xi32, #tpu.memory_space<hbm>>) target(%arg10 : memref<64xi32, #tpu.memory_space<vmem>>) target_semaphore(%arg36 : memref<!tpu.dma_semaphore, #tpu.memory_space<semaphore_mem>>)
    %add3A_38 = arith.constant 192 : i32
    %add3A_39 = arith.addi %mul3A_10, %add3A_38 : i32
    %dma_start3A_40 = tpu.memref_slice %arg4[%add3A_39] : memref<322560xi32, #tpu.memory_space<hbm>> -> memref<64xi32, #tpu.memory_space<hbm>>
    %dma_start3A_41 = tpu.memref_slice %arg4[%add3A_39] : memref<322560xi32, #tpu.memory_space<hbm>> -> memref<64xi32, #tpu.memory_space<hbm>>
    tpu.enqueue_dma source(%dma_start3A_41 : memref<64xi32, #tpu.memory_space<hbm>>) target(%arg15 : memref<64xi32, #tpu.memory_space<vmem>>) target_semaphore(%arg41 : memref<!tpu.dma_semaphore, #tpu.memory_space<semaphore_mem>>)
    %add3A_42 = arith.constant 256 : i32
    %add3A_43 = arith.addi %mul3A_10, %add3A_42 : i32
    %dma_start3A_44 = tpu.memref_slice %arg3[%add3A_43] : memref<322560xi32, #tpu.memory_space<hbm>> -> memref<64xi32, #tpu.memory_space<hbm>>
    %dma_start3A_45 = tpu.memref_slice %arg3[%add3A_43] : memref<322560xi32, #tpu.memory_space<hbm>> -> memref<64xi32, #tpu.memory_space<hbm>>
    tpu.enqueue_dma source(%dma_start3A_45 : memref<64xi32, #tpu.memory_space<hbm>>) target(%arg11 : memref<64xi32, #tpu.memory_space<vmem>>) target_semaphore(%arg37 : memref<!tpu.dma_semaphore, #tpu.memory_space<semaphore_mem>>)
    %add3A_46 = arith.constant 256 : i32
    %add3A_47 = arith.addi %mul3A_10, %add3A_46 : i32
    %dma_start3A_48 = tpu.memref_slice %arg4[%add3A_47] : memref<322560xi32, #tpu.memory_space<hbm>> -> memref<64xi32, #tpu.memory_space<hbm>>
    %dma_start3A_49 = tpu.memref_slice %arg4[%add3A_47] : memref<322560xi32, #tpu.memory_space<hbm>> -> memref<64xi32, #tpu.memory_space<hbm>>
    tpu.enqueue_dma source(%dma_start3A_49 : memref<64xi32, #tpu.memory_space<hbm>>) target(%arg16 : memref<64xi32, #tpu.memory_space<vmem>>) target_semaphore(%arg42 : memref<!tpu.dma_semaphore, #tpu.memory_space<semaphore_mem>>)
    %mul3A_50 = arith.constant 632 : i32
    %mul3A_51 = arith.muli %arg1, %mul3A_50 : i32
    %multiple_of3A = tpu.assume_multiple %mul3A_51, 8 : i32
    "tpu.region"() ({
      %run_scoped3A = tpu.sem_alloc : memref<!tpu.dma_semaphore, #tpu.memory_space<semaphore_mem>>
      %dma_start3A_209 = arith.constant 0 : i32
      %dma_start3A_210 = tpu.memref_slice %arg22[%multiple_of3A, %dma_start3A_209] : memref<10112x128xf32, #tpu.memory_space<vmem_shared>> -> memref<632x128xf32, #tpu.memory_space<vmem_shared>>
      %dma_start3A_211 = arith.constant 0 : i32
      %dma_start3A_212 = tpu.memref_slice %arg5[%multiple_of3A, %dma_start3A_211] : memref<10112x128xf32, #tpu.memory_space<hbm>> -> memref<632x128xf32, #tpu.memory_space<hbm>>
      tpu.enqueue_dma source(%dma_start3A_212 : memref<632x128xf32, #tpu.memory_space<hbm>>) target(%dma_start3A_210 : memref<632x128xf32, #tpu.memory_space<vmem_shared>>) target_semaphore(%run_scoped3A : memref<!tpu.dma_semaphore, #tpu.memory_space<semaphore_mem>>)
      %dma_wait3A_213 = arith.constant 0 : i32
      %dma_wait3A_214 = tpu.memref_slice %arg22[%multiple_of3A, %dma_wait3A_213] : memref<10112x128xf32, #tpu.memory_space<vmem_shared>> -> memref<632x128xf32, #tpu.memory_space<vmem_shared>>
      %dma_wait3A_215 = arith.constant 0 : i32
      %dma_wait3A_216 = tpu.memref_slice %arg5[%multiple_of3A, %dma_wait3A_215] : memref<10112x128xf32, #tpu.memory_space<hbm>> -> memref<632x128xf32, #tpu.memory_space<hbm>>
      tpu.wait_dma2 semaphore(%run_scoped3A : memref<!tpu.dma_semaphore, #tpu.memory_space<semaphore_mem>>) src(%dma_wait3A_216 : memref<632x128xf32, #tpu.memory_space<hbm>>) dst(%dma_wait3A_214 : memref<632x128xf32, #tpu.memory_space<vmem_shared>>)
      tpu.yield
    }) : () -> ()
    %add3A_52 = arith.constant 0 : i32
    %add3A_53 = arith.addi %mul3A_10, %add3A_52 : i32
    %dma_wait3A = tpu.memref_slice %arg3[%add3A_53] : memref<322560xi32, #tpu.memory_space<hbm>> -> memref<64xi32, #tpu.memory_space<hbm>>
    %dma_wait3A_54 = tpu.memref_slice %arg3[%add3A_53] : memref<322560xi32, #tpu.memory_space<hbm>> -> memref<64xi32, #tpu.memory_space<hbm>>
    tpu.wait_dma2 semaphore(%arg33 : memref<!tpu.dma_semaphore, #tpu.memory_space<semaphore_mem>>) src(%dma_wait3A_54 : memref<64xi32, #tpu.memory_space<hbm>>) dst(%arg7 : memref<64xi32, #tpu.memory_space<vmem>>)
    %dma_start3A_55 = arith.constant 0 : i32
    %dma_start3A_56 = arith.constant 0 : i32
    %dma_start3A_57 = tpu.memref_slice %arg2[%dma_start3A_55, %dma_start3A_56] : memref<80000x128xf32, #tpu.memory_space<hbm>> -> memref<80000x128xf32, #tpu.memory_space<hbm>>
    tpu.enqueue_indirect_dma source(%dma_start3A_57 : memref<80000x128xf32, #tpu.memory_space<hbm>>) target(%arg17 : memref<64x128xf32, #tpu.memory_space<vmem>>) offsets(%arg7 : memref<64xi32, #tpu.memory_space<vmem>>) semaphore(%arg23 : memref<!tpu.dma_semaphore, #tpu.memory_space<semaphore_mem>>)
    %add3A_58 = arith.constant 64 : i32
    %add3A_59 = arith.addi %mul3A_10, %add3A_58 : i32
    %dma_wait3A_60 = tpu.memref_slice %arg3[%add3A_59] : memref<322560xi32, #tpu.memory_space<hbm>> -> memref<64xi32, #tpu.memory_space<hbm>>
    %dma_wait3A_61 = tpu.memref_slice %arg3[%add3A_59] : memref<322560xi32, #tpu.memory_space<hbm>> -> memref<64xi32, #tpu.memory_space<hbm>>
    tpu.wait_dma2 semaphore(%arg34 : memref<!tpu.dma_semaphore, #tpu.memory_space<semaphore_mem>>) src(%dma_wait3A_61 : memref<64xi32, #tpu.memory_space<hbm>>) dst(%arg8 : memref<64xi32, #tpu.memory_space<vmem>>)
    %dma_start3A_62 = arith.constant 0 : i32
    %dma_start3A_63 = arith.constant 0 : i32
    %dma_start3A_64 = tpu.memref_slice %arg2[%dma_start3A_62, %dma_start3A_63] : memref<80000x128xf32, #tpu.memory_space<hbm>> -> memref<80000x128xf32, #tpu.memory_space<hbm>>
    tpu.enqueue_indirect_dma source(%dma_start3A_64 : memref<80000x128xf32, #tpu.memory_space<hbm>>) target(%arg18 : memref<64x128xf32, #tpu.memory_space<vmem>>) offsets(%arg8 : memref<64xi32, #tpu.memory_space<vmem>>) semaphore(%arg24 : memref<!tpu.dma_semaphore, #tpu.memory_space<semaphore_mem>>)
    %add3A_65 = arith.constant 128 : i32
    %add3A_66 = arith.addi %mul3A_10, %add3A_65 : i32
    %dma_wait3A_67 = tpu.memref_slice %arg3[%add3A_66] : memref<322560xi32, #tpu.memory_space<hbm>> -> memref<64xi32, #tpu.memory_space<hbm>>
    %dma_wait3A_68 = tpu.memref_slice %arg3[%add3A_66] : memref<322560xi32, #tpu.memory_space<hbm>> -> memref<64xi32, #tpu.memory_space<hbm>>
    tpu.wait_dma2 semaphore(%arg35 : memref<!tpu.dma_semaphore, #tpu.memory_space<semaphore_mem>>) src(%dma_wait3A_68 : memref<64xi32, #tpu.memory_space<hbm>>) dst(%arg9 : memref<64xi32, #tpu.memory_space<vmem>>)
    %dma_start3A_69 = arith.constant 0 : i32
    %dma_start3A_70 = arith.constant 0 : i32
    %dma_start3A_71 = tpu.memref_slice %arg2[%dma_start3A_69, %dma_start3A_70] : memref<80000x128xf32, #tpu.memory_space<hbm>> -> memref<80000x128xf32, #tpu.memory_space<hbm>>
    tpu.enqueue_indirect_dma source(%dma_start3A_71 : memref<80000x128xf32, #tpu.memory_space<hbm>>) target(%arg19 : memref<64x128xf32, #tpu.memory_space<vmem>>) offsets(%arg9 : memref<64xi32, #tpu.memory_space<vmem>>) semaphore(%arg25 : memref<!tpu.dma_semaphore, #tpu.memory_space<semaphore_mem>>)
    %add3A_72 = arith.constant 192 : i32
    %add3A_73 = arith.addi %mul3A_10, %add3A_72 : i32
    %dma_wait3A_74 = tpu.memref_slice %arg3[%add3A_73] : memref<322560xi32, #tpu.memory_space<hbm>> -> memref<64xi32, #tpu.memory_space<hbm>>
    %dma_wait3A_75 = tpu.memref_slice %arg3[%add3A_73] : memref<322560xi32, #tpu.memory_space<hbm>> -> memref<64xi32, #tpu.memory_space<hbm>>
    tpu.wait_dma2 semaphore(%arg36 : memref<!tpu.dma_semaphore, #tpu.memory_space<semaphore_mem>>) src(%dma_wait3A_75 : memref<64xi32, #tpu.memory_space<hbm>>) dst(%arg10 : memref<64xi32, #tpu.memory_space<vmem>>)
    %dma_start3A_76 = arith.constant 0 : i32
    %dma_start3A_77 = arith.constant 0 : i32
    %dma_start3A_78 = tpu.memref_slice %arg2[%dma_start3A_76, %dma_start3A_77] : memref<80000x128xf32, #tpu.memory_space<hbm>> -> memref<80000x128xf32, #tpu.memory_space<hbm>>
    tpu.enqueue_indirect_dma source(%dma_start3A_78 : memref<80000x128xf32, #tpu.memory_space<hbm>>) target(%arg20 : memref<64x128xf32, #tpu.memory_space<vmem>>) offsets(%arg10 : memref<64xi32, #tpu.memory_space<vmem>>) semaphore(%arg26 : memref<!tpu.dma_semaphore, #tpu.memory_space<semaphore_mem>>)
    %add3A_79 = arith.constant 256 : i32
    %add3A_80 = arith.addi %mul3A_10, %add3A_79 : i32
    %dma_wait3A_81 = tpu.memref_slice %arg3[%add3A_80] : memref<322560xi32, #tpu.memory_space<hbm>> -> memref<64xi32, #tpu.memory_space<hbm>>
    %dma_wait3A_82 = tpu.memref_slice %arg3[%add3A_80] : memref<322560xi32, #tpu.memory_space<hbm>> -> memref<64xi32, #tpu.memory_space<hbm>>
    tpu.wait_dma2 semaphore(%arg37 : memref<!tpu.dma_semaphore, #tpu.memory_space<semaphore_mem>>) src(%dma_wait3A_82 : memref<64xi32, #tpu.memory_space<hbm>>) dst(%arg11 : memref<64xi32, #tpu.memory_space<vmem>>)
    %dma_start3A_83 = arith.constant 0 : i32
    %dma_start3A_84 = arith.constant 0 : i32
    %dma_start3A_85 = tpu.memref_slice %arg2[%dma_start3A_83, %dma_start3A_84] : memref<80000x128xf32, #tpu.memory_space<hbm>> -> memref<80000x128xf32, #tpu.memory_space<hbm>>
    tpu.enqueue_indirect_dma source(%dma_start3A_85 : memref<80000x128xf32, #tpu.memory_space<hbm>>) target(%arg21 : memref<64x128xf32, #tpu.memory_space<vmem>>) offsets(%arg11 : memref<64xi32, #tpu.memory_space<vmem>>) semaphore(%arg27 : memref<!tpu.dma_semaphore, #tpu.memory_space<semaphore_mem>>)
    %barrier3A = arith.constant 0 : index
    tpu.barrier barrier_id(%barrier3A)
    %jit3A_86 = arith.constant 5 : i32
    "tpu.trace_stop"() : () -> ()
    "tpu.trace_start"() <{level = 10 : i32, message = "sc_loop"}> : () -> ()
    %div3A = arith.divsi %select_n3A, %jit3A_86 : i32
    %sign3A = arith.constant 0 : i32
    %sign3A_87 = arith.cmpi sgt, %select_n3A, %sign3A : i32
    %sign3A_88 = arith.extui %sign3A_87 : i1 to i32
    %sign3A_89 = arith.constant 0 : i32
    %sign3A_90 = arith.cmpi slt, %select_n3A, %sign3A_89 : i32
    %sign3A_91 = arith.extui %sign3A_90 : i1 to i32
    %sign3A_92 = arith.subi %sign3A_88, %sign3A_91 : i32
    %sign3A_93 = arith.constant 0 : i32
    %sign3A_94 = arith.cmpi sgt, %jit3A_86, %sign3A_93 : i32
    %sign3A_95 = arith.extui %sign3A_94 : i1 to i32
    %sign3A_96 = arith.constant 0 : i32
    %sign3A_97 = arith.cmpi slt, %jit3A_86, %sign3A_96 : i32
    %sign3A_98 = arith.extui %sign3A_97 : i1 to i32
    %sign3A_99 = arith.subi %sign3A_95, %sign3A_98 : i32
    %ne3A = arith.cmpi ne, %sign3A_92, %sign3A_99 : i32
    %rem3A = arith.remsi %select_n3A, %jit3A_86 : i32
    %ne3A_100 = arith.constant 0 : i32
    %ne3A_101 = arith.cmpi ne, %rem3A, %ne3A_100 : i32
    %and3A = arith.andi %ne3A, %ne3A_101 : i1
    %sub3A = arith.constant 1 : i32
    %sub3A_102 = arith.subi %div3A, %sub3A : i32
    %select_n3A_103 = arith.select %and3A, %sub3A_102, %div3A : i32
    %sub3A_104 = arith.constant 1 : i32
    %sub3A_105 = arith.subi %select_n3A_103, %sub3A_104 : i32
    %while3A = arith.constant 0 : i32
    %while3A_106 = arith.constant 0 : i32
    %while3A_107 = arith.subi %sub3A_105, %while3A_106 : i32
    %while3A_108 = arith.addi %while3A_106, %while3A_107 : i32
    %while3A_109 = arith.constant 1 : i32
    %while3A_110 = arith.divsi %while3A_107, %while3A_109 : i32
    %while3A_111 = arith.muli %while3A_110, %while3A_109 : i32
    %while3A_112 = arith.addi %while3A_106, %while3A_111 : i32
    %while3A_113 = arith.constant 1 : i32
    scf.for %while3A_209 = %while3A_106 to %while3A_112 step %while3A_113  : i32 {
      %mul3A_210 = arith.constant 5 : i32
      %mul3A_211 = arith.muli %mul3A_210, %while3A_209 : i32
      %dma_wait3A_212 = arith.constant 0 : i32
      %dma_wait3A_213 = arith.constant 0 : i32
      %dma_wait3A_214 = tpu.memref_slice %arg2[%dma_wait3A_212, %dma_wait3A_213] : memref<80000x128xf32, #tpu.memory_space<hbm>> -> memref<80000x128xf32, #tpu.memory_space<hbm>>
      tpu.wait_indirect_dma semaphore(%arg23 : memref<!tpu.dma_semaphore, #tpu.memory_space<semaphore_mem>>) src(%dma_wait3A_214 : memref<80000x128xf32, #tpu.memory_space<hbm>>) dst(%arg17 : memref<64x128xf32, #tpu.memory_space<vmem>>)
      %add3A_215 = arith.constant 5 : i32
      %add3A_216 = arith.addi %mul3A_211, %add3A_215 : i32
      %add3A_217 = arith.constant 0 : i32
      %add3A_218 = arith.addi %add3A_216, %add3A_217 : i32
      %mul3A_219 = arith.constant 64 : i32
      %mul3A_220 = arith.muli %add3A_218, %mul3A_219 : i32
      %add3A_221 = arith.addi %mul3A_10, %mul3A_220 : i32
      %dma_start3A_222 = tpu.memref_slice %arg3[%add3A_221] : memref<322560xi32, #tpu.memory_space<hbm>> -> memref<64xi32, #tpu.memory_space<hbm>>
      %dma_start3A_223 = tpu.memref_slice %arg3[%add3A_221] : memref<322560xi32, #tpu.memory_space<hbm>> -> memref<64xi32, #tpu.memory_space<hbm>>
      tpu.enqueue_dma source(%dma_start3A_223 : memref<64xi32, #tpu.memory_space<hbm>>) target(%arg7 : memref<64xi32, #tpu.memory_space<vmem>>) target_semaphore(%arg33 : memref<!tpu.dma_semaphore, #tpu.memory_space<semaphore_mem>>)
      %add3A_224 = arith.constant 0 : i32
      %add3A_225 = arith.addi %mul3A_211, %add3A_224 : i32
      %mul3A_226 = arith.constant 64 : i32
      %mul3A_227 = arith.muli %add3A_225, %mul3A_226 : i32
      %add3A_228 = arith.addi %mul3A_10, %mul3A_227 : i32
      %dma_wait3A_229 = tpu.memref_slice %arg4[%add3A_228] : memref<322560xi32, #tpu.memory_space<hbm>> -> memref<64xi32, #tpu.memory_space<hbm>>
      %dma_wait3A_230 = tpu.memref_slice %arg4[%add3A_228] : memref<322560xi32, #tpu.memory_space<hbm>> -> memref<64xi32, #tpu.memory_space<hbm>>
      tpu.wait_dma2 semaphore(%arg38 : memref<!tpu.dma_semaphore, #tpu.memory_space<semaphore_mem>>) src(%dma_wait3A_230 : memref<64xi32, #tpu.memory_space<hbm>>) dst(%arg12 : memref<64xi32, #tpu.memory_space<vmem>>)
      %dma_start3A_231 = arith.constant 0 : i32
      %dma_start3A_232 = arith.constant 0 : i32
      %dma_start3A_233 = tpu.memref_slice %arg22[%dma_start3A_231, %dma_start3A_232] : memref<10112x128xf32, #tpu.memory_space<vmem_shared>> -> memref<10112x128xf32, #tpu.memory_space<vmem_shared>>
      tpu.enqueue_indirect_dma source(%arg17 : memref<64x128xf32, #tpu.memory_space<vmem>>) target(%dma_start3A_233 : memref<10112x128xf32, #tpu.memory_space<vmem_shared>>) offsets(%arg12 : memref<64xi32, #tpu.memory_space<vmem>>) semaphore(%arg28 : memref<!tpu.dma_semaphore, #tpu.memory_space<semaphore_mem>>) {add = true}
      %dma_wait3A_234 = arith.constant 0 : i32
      %dma_wait3A_235 = arith.constant 0 : i32
      %dma_wait3A_236 = tpu.memref_slice %arg2[%dma_wait3A_234, %dma_wait3A_235] : memref<80000x128xf32, #tpu.memory_space<hbm>> -> memref<80000x128xf32, #tpu.memory_space<hbm>>
      tpu.wait_indirect_dma semaphore(%arg24 : memref<!tpu.dma_semaphore, #tpu.memory_space<semaphore_mem>>) src(%dma_wait3A_236 : memref<80000x128xf32, #tpu.memory_space<hbm>>) dst(%arg18 : memref<64x128xf32, #tpu.memory_space<vmem>>)
      %add3A_237 = arith.constant 5 : i32
      %add3A_238 = arith.addi %mul3A_211, %add3A_237 : i32
      %add3A_239 = arith.constant 1 : i32
      %add3A_240 = arith.addi %add3A_238, %add3A_239 : i32
      %mul3A_241 = arith.constant 64 : i32
      %mul3A_242 = arith.muli %add3A_240, %mul3A_241 : i32
      %add3A_243 = arith.addi %mul3A_10, %mul3A_242 : i32
      %dma_start3A_244 = tpu.memref_slice %arg3[%add3A_243] : memref<322560xi32, #tpu.memory_space<hbm>> -> memref<64xi32, #tpu.memory_space<hbm>>
      %dma_start3A_245 = tpu.memref_slice %arg3[%add3A_243] : memref<322560xi32, #tpu.memory_space<hbm>> -> memref<64xi32, #tpu.memory_space<hbm>>
      tpu.enqueue_dma source(%dma_start3A_245 : memref<64xi32, #tpu.memory_space<hbm>>) target(%arg8 : memref<64xi32, #tpu.memory_space<vmem>>) target_semaphore(%arg34 : memref<!tpu.dma_semaphore, #tpu.memory_space<semaphore_mem>>)
      %add3A_246 = arith.constant 1 : i32
      %add3A_247 = arith.addi %mul3A_211, %add3A_246 : i32
      %mul3A_248 = arith.constant 64 : i32
      %mul3A_249 = arith.muli %add3A_247, %mul3A_248 : i32
      %add3A_250 = arith.addi %mul3A_10, %mul3A_249 : i32
      %dma_wait3A_251 = tpu.memref_slice %arg4[%add3A_250] : memref<322560xi32, #tpu.memory_space<hbm>> -> memref<64xi32, #tpu.memory_space<hbm>>
      %dma_wait3A_252 = tpu.memref_slice %arg4[%add3A_250] : memref<322560xi32, #tpu.memory_space<hbm>> -> memref<64xi32, #tpu.memory_space<hbm>>
      tpu.wait_dma2 semaphore(%arg39 : memref<!tpu.dma_semaphore, #tpu.memory_space<semaphore_mem>>) src(%dma_wait3A_252 : memref<64xi32, #tpu.memory_space<hbm>>) dst(%arg13 : memref<64xi32, #tpu.memory_space<vmem>>)
      %dma_start3A_253 = arith.constant 0 : i32
      %dma_start3A_254 = arith.constant 0 : i32
      %dma_start3A_255 = tpu.memref_slice %arg22[%dma_start3A_253, %dma_start3A_254] : memref<10112x128xf32, #tpu.memory_space<vmem_shared>> -> memref<10112x128xf32, #tpu.memory_space<vmem_shared>>
      tpu.enqueue_indirect_dma source(%arg18 : memref<64x128xf32, #tpu.memory_space<vmem>>) target(%dma_start3A_255 : memref<10112x128xf32, #tpu.memory_space<vmem_shared>>) offsets(%arg13 : memref<64xi32, #tpu.memory_space<vmem>>) semaphore(%arg29 : memref<!tpu.dma_semaphore, #tpu.memory_space<semaphore_mem>>) {add = true}
      %dma_wait3A_256 = arith.constant 0 : i32
      %dma_wait3A_257 = arith.constant 0 : i32
      %dma_wait3A_258 = tpu.memref_slice %arg2[%dma_wait3A_256, %dma_wait3A_257] : memref<80000x128xf32, #tpu.memory_space<hbm>> -> memref<80000x128xf32, #tpu.memory_space<hbm>>
      tpu.wait_indirect_dma semaphore(%arg25 : memref<!tpu.dma_semaphore, #tpu.memory_space<semaphore_mem>>) src(%dma_wait3A_258 : memref<80000x128xf32, #tpu.memory_space<hbm>>) dst(%arg19 : memref<64x128xf32, #tpu.memory_space<vmem>>)
      %add3A_259 = arith.constant 5 : i32
      %add3A_260 = arith.addi %mul3A_211, %add3A_259 : i32
      %add3A_261 = arith.constant 2 : i32
      %add3A_262 = arith.addi %add3A_260, %add3A_261 : i32
      %mul3A_263 = arith.constant 64 : i32
      %mul3A_264 = arith.muli %add3A_262, %mul3A_263 : i32
      %add3A_265 = arith.addi %mul3A_10, %mul3A_264 : i32
      %dma_start3A_266 = tpu.memref_slice %arg3[%add3A_265] : memref<322560xi32, #tpu.memory_space<hbm>> -> memref<64xi32, #tpu.memory_space<hbm>>
      %dma_start3A_267 = tpu.memref_slice %arg3[%add3A_265] : memref<322560xi32, #tpu.memory_space<hbm>> -> memref<64xi32, #tpu.memory_space<hbm>>
      tpu.enqueue_dma source(%dma_start3A_267 : memref<64xi32, #tpu.memory_space<hbm>>) target(%arg9 : memref<64xi32, #tpu.memory_space<vmem>>) target_semaphore(%arg35 : memref<!tpu.dma_semaphore, #tpu.memory_space<semaphore_mem>>)
      %add3A_268 = arith.constant 2 : i32
      %add3A_269 = arith.addi %mul3A_211, %add3A_268 : i32
      %mul3A_270 = arith.constant 64 : i32
      %mul3A_271 = arith.muli %add3A_269, %mul3A_270 : i32
      %add3A_272 = arith.addi %mul3A_10, %mul3A_271 : i32
      %dma_wait3A_273 = tpu.memref_slice %arg4[%add3A_272] : memref<322560xi32, #tpu.memory_space<hbm>> -> memref<64xi32, #tpu.memory_space<hbm>>
      %dma_wait3A_274 = tpu.memref_slice %arg4[%add3A_272] : memref<322560xi32, #tpu.memory_space<hbm>> -> memref<64xi32, #tpu.memory_space<hbm>>
      tpu.wait_dma2 semaphore(%arg40 : memref<!tpu.dma_semaphore, #tpu.memory_space<semaphore_mem>>) src(%dma_wait3A_274 : memref<64xi32, #tpu.memory_space<hbm>>) dst(%arg14 : memref<64xi32, #tpu.memory_space<vmem>>)
      %dma_start3A_275 = arith.constant 0 : i32
      %dma_start3A_276 = arith.constant 0 : i32
      %dma_start3A_277 = tpu.memref_slice %arg22[%dma_start3A_275, %dma_start3A_276] : memref<10112x128xf32, #tpu.memory_space<vmem_shared>> -> memref<10112x128xf32, #tpu.memory_space<vmem_shared>>
      tpu.enqueue_indirect_dma source(%arg19 : memref<64x128xf32, #tpu.memory_space<vmem>>) target(%dma_start3A_277 : memref<10112x128xf32, #tpu.memory_space<vmem_shared>>) offsets(%arg14 : memref<64xi32, #tpu.memory_space<vmem>>) semaphore(%arg30 : memref<!tpu.dma_semaphore, #tpu.memory_space<semaphore_mem>>) {add = true}
      %dma_wait3A_278 = arith.constant 0 : i32
      %dma_wait3A_279 = arith.constant 0 : i32
      %dma_wait3A_280 = tpu.memref_slice %arg2[%dma_wait3A_278, %dma_wait3A_279] : memref<80000x128xf32, #tpu.memory_space<hbm>> -> memref<80000x128xf32, #tpu.memory_space<hbm>>
      tpu.wait_indirect_dma semaphore(%arg26 : memref<!tpu.dma_semaphore, #tpu.memory_space<semaphore_mem>>) src(%dma_wait3A_280 : memref<80000x128xf32, #tpu.memory_space<hbm>>) dst(%arg20 : memref<64x128xf32, #tpu.memory_space<vmem>>)
      %add3A_281 = arith.constant 5 : i32
      %add3A_282 = arith.addi %mul3A_211, %add3A_281 : i32
      %add3A_283 = arith.constant 3 : i32
      %add3A_284 = arith.addi %add3A_282, %add3A_283 : i32
      %mul3A_285 = arith.constant 64 : i32
      %mul3A_286 = arith.muli %add3A_284, %mul3A_285 : i32
      %add3A_287 = arith.addi %mul3A_10, %mul3A_286 : i32
      %dma_start3A_288 = tpu.memref_slice %arg3[%add3A_287] : memref<322560xi32, #tpu.memory_space<hbm>> -> memref<64xi32, #tpu.memory_space<hbm>>
      %dma_start3A_289 = tpu.memref_slice %arg3[%add3A_287] : memref<322560xi32, #tpu.memory_space<hbm>> -> memref<64xi32, #tpu.memory_space<hbm>>
      tpu.enqueue_dma source(%dma_start3A_289 : memref<64xi32, #tpu.memory_space<hbm>>) target(%arg10 : memref<64xi32, #tpu.memory_space<vmem>>) target_semaphore(%arg36 : memref<!tpu.dma_semaphore, #tpu.memory_space<semaphore_mem>>)
      %add3A_290 = arith.constant 3 : i32
      %add3A_291 = arith.addi %mul3A_211, %add3A_290 : i32
      %mul3A_292 = arith.constant 64 : i32
      %mul3A_293 = arith.muli %add3A_291, %mul3A_292 : i32
      %add3A_294 = arith.addi %mul3A_10, %mul3A_293 : i32
      %dma_wait3A_295 = tpu.memref_slice %arg4[%add3A_294] : memref<322560xi32, #tpu.memory_space<hbm>> -> memref<64xi32, #tpu.memory_space<hbm>>
      %dma_wait3A_296 = tpu.memref_slice %arg4[%add3A_294] : memref<322560xi32, #tpu.memory_space<hbm>> -> memref<64xi32, #tpu.memory_space<hbm>>
      tpu.wait_dma2 semaphore(%arg41 : memref<!tpu.dma_semaphore, #tpu.memory_space<semaphore_mem>>) src(%dma_wait3A_296 : memref<64xi32, #tpu.memory_space<hbm>>) dst(%arg15 : memref<64xi32, #tpu.memory_space<vmem>>)
      %dma_start3A_297 = arith.constant 0 : i32
      %dma_start3A_298 = arith.constant 0 : i32
      %dma_start3A_299 = tpu.memref_slice %arg22[%dma_start3A_297, %dma_start3A_298] : memref<10112x128xf32, #tpu.memory_space<vmem_shared>> -> memref<10112x128xf32, #tpu.memory_space<vmem_shared>>
      tpu.enqueue_indirect_dma source(%arg20 : memref<64x128xf32, #tpu.memory_space<vmem>>) target(%dma_start3A_299 : memref<10112x128xf32, #tpu.memory_space<vmem_shared>>) offsets(%arg15 : memref<64xi32, #tpu.memory_space<vmem>>) semaphore(%arg31 : memref<!tpu.dma_semaphore, #tpu.memory_space<semaphore_mem>>) {add = true}
      %dma_wait3A_300 = arith.constant 0 : i32
      %dma_wait3A_301 = arith.constant 0 : i32
      %dma_wait3A_302 = tpu.memref_slice %arg2[%dma_wait3A_300, %dma_wait3A_301] : memref<80000x128xf32, #tpu.memory_space<hbm>> -> memref<80000x128xf32, #tpu.memory_space<hbm>>
      tpu.wait_indirect_dma semaphore(%arg27 : memref<!tpu.dma_semaphore, #tpu.memory_space<semaphore_mem>>) src(%dma_wait3A_302 : memref<80000x128xf32, #tpu.memory_space<hbm>>) dst(%arg21 : memref<64x128xf32, #tpu.memory_space<vmem>>)
      %add3A_303 = arith.constant 5 : i32
      %add3A_304 = arith.addi %mul3A_211, %add3A_303 : i32
      %add3A_305 = arith.constant 4 : i32
      %add3A_306 = arith.addi %add3A_304, %add3A_305 : i32
      %mul3A_307 = arith.constant 64 : i32
      %mul3A_308 = arith.muli %add3A_306, %mul3A_307 : i32
      %add3A_309 = arith.addi %mul3A_10, %mul3A_308 : i32
      %dma_start3A_310 = tpu.memref_slice %arg3[%add3A_309] : memref<322560xi32, #tpu.memory_space<hbm>> -> memref<64xi32, #tpu.memory_space<hbm>>
      %dma_start3A_311 = tpu.memref_slice %arg3[%add3A_309] : memref<322560xi32, #tpu.memory_space<hbm>> -> memref<64xi32, #tpu.memory_space<hbm>>
      tpu.enqueue_dma source(%dma_start3A_311 : memref<64xi32, #tpu.memory_space<hbm>>) target(%arg11 : memref<64xi32, #tpu.memory_space<vmem>>) target_semaphore(%arg37 : memref<!tpu.dma_semaphore, #tpu.memory_space<semaphore_mem>>)
      %add3A_312 = arith.constant 4 : i32
      %add3A_313 = arith.addi %mul3A_211, %add3A_312 : i32
      %mul3A_314 = arith.constant 64 : i32
      %mul3A_315 = arith.muli %add3A_313, %mul3A_314 : i32
      %add3A_316 = arith.addi %mul3A_10, %mul3A_315 : i32
      %dma_wait3A_317 = tpu.memref_slice %arg4[%add3A_316] : memref<322560xi32, #tpu.memory_space<hbm>> -> memref<64xi32, #tpu.memory_space<hbm>>
      %dma_wait3A_318 = tpu.memref_slice %arg4[%add3A_316] : memref<322560xi32, #tpu.memory_space<hbm>> -> memref<64xi32, #tpu.memory_space<hbm>>
      tpu.wait_dma2 semaphore(%arg42 : memref<!tpu.dma_semaphore, #tpu.memory_space<semaphore_mem>>) src(%dma_wait3A_318 : memref<64xi32, #tpu.memory_space<hbm>>) dst(%arg16 : memref<64xi32, #tpu.memory_space<vmem>>)
      %dma_start3A_319 = arith.constant 0 : i32
      %dma_start3A_320 = arith.constant 0 : i32
      %dma_start3A_321 = tpu.memref_slice %arg22[%dma_start3A_319, %dma_start3A_320] : memref<10112x128xf32, #tpu.memory_space<vmem_shared>> -> memref<10112x128xf32, #tpu.memory_space<vmem_shared>>
      tpu.enqueue_indirect_dma source(%arg21 : memref<64x128xf32, #tpu.memory_space<vmem>>) target(%dma_start3A_321 : memref<10112x128xf32, #tpu.memory_space<vmem_shared>>) offsets(%arg16 : memref<64xi32, #tpu.memory_space<vmem>>) semaphore(%arg32 : memref<!tpu.dma_semaphore, #tpu.memory_space<semaphore_mem>>) {add = true}
      %dma_wait3A_322 = arith.constant 0 : i32
      %dma_wait3A_323 = arith.constant 0 : i32
      %dma_wait3A_324 = tpu.memref_slice %arg22[%dma_wait3A_322, %dma_wait3A_323] : memref<10112x128xf32, #tpu.memory_space<vmem_shared>> -> memref<10112x128xf32, #tpu.memory_space<vmem_shared>>
      tpu.wait_indirect_dma semaphore(%arg28 : memref<!tpu.dma_semaphore, #tpu.memory_space<semaphore_mem>>) src(%arg17 : memref<64x128xf32, #tpu.memory_space<vmem>>) dst(%dma_wait3A_324 : memref<10112x128xf32, #tpu.memory_space<vmem_shared>>)
      %add3A_325 = arith.constant 5 : i32
      %add3A_326 = arith.addi %mul3A_211, %add3A_325 : i32
      %add3A_327 = arith.constant 0 : i32
      %add3A_328 = arith.addi %add3A_326, %add3A_327 : i32
      %mul3A_329 = arith.constant 64 : i32
      %mul3A_330 = arith.muli %add3A_328, %mul3A_329 : i32
      %add3A_331 = arith.addi %mul3A_10, %mul3A_330 : i32
      %dma_start3A_332 = tpu.memref_slice %arg4[%add3A_331] : memref<322560xi32, #tpu.memory_space<hbm>> -> memref<64xi32, #tpu.memory_space<hbm>>
      %dma_start3A_333 = tpu.memref_slice %arg4[%add3A_331] : memref<322560xi32, #tpu.memory_space<hbm>> -> memref<64xi32, #tpu.memory_space<hbm>>
      tpu.enqueue_dma source(%dma_start3A_333 : memref<64xi32, #tpu.memory_space<hbm>>) target(%arg12 : memref<64xi32, #tpu.memory_space<vmem>>) target_semaphore(%arg38 : memref<!tpu.dma_semaphore, #tpu.memory_space<semaphore_mem>>)
      %add3A_334 = arith.constant 5 : i32
      %add3A_335 = arith.addi %mul3A_211, %add3A_334 : i32
      %add3A_336 = arith.constant 0 : i32
      %add3A_337 = arith.addi %add3A_335, %add3A_336 : i32
      %mul3A_338 = arith.constant 64 : i32
      %mul3A_339 = arith.muli %add3A_337, %mul3A_338 : i32
      %add3A_340 = arith.addi %mul3A_10, %mul3A_339 : i32
      %dma_wait3A_341 = tpu.memref_slice %arg3[%add3A_340] : memref<322560xi32, #tpu.memory_space<hbm>> -> memref<64xi32, #tpu.memory_space<hbm>>
      %dma_wait3A_342 = tpu.memref_slice %arg3[%add3A_340] : memref<322560xi32, #tpu.memory_space<hbm>> -> memref<64xi32, #tpu.memory_space<hbm>>
      tpu.wait_dma2 semaphore(%arg33 : memref<!tpu.dma_semaphore, #tpu.memory_space<semaphore_mem>>) src(%dma_wait3A_342 : memref<64xi32, #tpu.memory_space<hbm>>) dst(%arg7 : memref<64xi32, #tpu.memory_space<vmem>>)
      %dma_start3A_343 = arith.constant 0 : i32
      %dma_start3A_344 = arith.constant 0 : i32
      %dma_start3A_345 = tpu.memref_slice %arg2[%dma_start3A_343, %dma_start3A_344] : memref<80000x128xf32, #tpu.memory_space<hbm>> -> memref<80000x128xf32, #tpu.memory_space<hbm>>
      tpu.enqueue_indirect_dma source(%dma_start3A_345 : memref<80000x128xf32, #tpu.memory_space<hbm>>) target(%arg17 : memref<64x128xf32, #tpu.memory_space<vmem>>) offsets(%arg7 : memref<64xi32, #tpu.memory_space<vmem>>) semaphore(%arg23 : memref<!tpu.dma_semaphore, #tpu.memory_space<semaphore_mem>>)
      %dma_wait3A_346 = arith.constant 0 : i32
      %dma_wait3A_347 = arith.constant 0 : i32
      %dma_wait3A_348 = tpu.memref_slice %arg22[%dma_wait3A_346, %dma_wait3A_347] : memref<10112x128xf32, #tpu.memory_space<vmem_shared>> -> memref<10112x128xf32, #tpu.memory_space<vmem_shared>>
      tpu.wait_indirect_dma semaphore(%arg29 : memref<!tpu.dma_semaphore, #tpu.memory_space<semaphore_mem>>) src(%arg18 : memref<64x128xf32, #tpu.memory_space<vmem>>) dst(%dma_wait3A_348 : memref<10112x128xf32, #tpu.memory_space<vmem_shared>>)
      %add3A_349 = arith.constant 5 : i32
      %add3A_350 = arith.addi %mul3A_211, %add3A_349 : i32
      %add3A_351 = arith.constant 1 : i32
      %add3A_352 = arith.addi %add3A_350, %add3A_351 : i32
      %mul3A_353 = arith.constant 64 : i32
      %mul3A_354 = arith.muli %add3A_352, %mul3A_353 : i32
      %add3A_355 = arith.addi %mul3A_10, %mul3A_354 : i32
      %dma_start3A_356 = tpu.memref_slice %arg4[%add3A_355] : memref<322560xi32, #tpu.memory_space<hbm>> -> memref<64xi32, #tpu.memory_space<hbm>>
      %dma_start3A_357 = tpu.memref_slice %arg4[%add3A_355] : memref<322560xi32, #tpu.memory_space<hbm>> -> memref<64xi32, #tpu.memory_space<hbm>>
      tpu.enqueue_dma source(%dma_start3A_357 : memref<64xi32, #tpu.memory_space<hbm>>) target(%arg13 : memref<64xi32, #tpu.memory_space<vmem>>) target_semaphore(%arg39 : memref<!tpu.dma_semaphore, #tpu.memory_space<semaphore_mem>>)
      %add3A_358 = arith.constant 5 : i32
      %add3A_359 = arith.addi %mul3A_211, %add3A_358 : i32
      %add3A_360 = arith.constant 1 : i32
      %add3A_361 = arith.addi %add3A_359, %add3A_360 : i32
      %mul3A_362 = arith.constant 64 : i32
      %mul3A_363 = arith.muli %add3A_361, %mul3A_362 : i32
      %add3A_364 = arith.addi %mul3A_10, %mul3A_363 : i32
      %dma_wait3A_365 = tpu.memref_slice %arg3[%add3A_364] : memref<322560xi32, #tpu.memory_space<hbm>> -> memref<64xi32, #tpu.memory_space<hbm>>
      %dma_wait3A_366 = tpu.memref_slice %arg3[%add3A_364] : memref<322560xi32, #tpu.memory_space<hbm>> -> memref<64xi32, #tpu.memory_space<hbm>>
      tpu.wait_dma2 semaphore(%arg34 : memref<!tpu.dma_semaphore, #tpu.memory_space<semaphore_mem>>) src(%dma_wait3A_366 : memref<64xi32, #tpu.memory_space<hbm>>) dst(%arg8 : memref<64xi32, #tpu.memory_space<vmem>>)
      %dma_start3A_367 = arith.constant 0 : i32
      %dma_start3A_368 = arith.constant 0 : i32
      %dma_start3A_369 = tpu.memref_slice %arg2[%dma_start3A_367, %dma_start3A_368] : memref<80000x128xf32, #tpu.memory_space<hbm>> -> memref<80000x128xf32, #tpu.memory_space<hbm>>
      tpu.enqueue_indirect_dma source(%dma_start3A_369 : memref<80000x128xf32, #tpu.memory_space<hbm>>) target(%arg18 : memref<64x128xf32, #tpu.memory_space<vmem>>) offsets(%arg8 : memref<64xi32, #tpu.memory_space<vmem>>) semaphore(%arg24 : memref<!tpu.dma_semaphore, #tpu.memory_space<semaphore_mem>>)
      %dma_wait3A_370 = arith.constant 0 : i32
      %dma_wait3A_371 = arith.constant 0 : i32
      %dma_wait3A_372 = tpu.memref_slice %arg22[%dma_wait3A_370, %dma_wait3A_371] : memref<10112x128xf32, #tpu.memory_space<vmem_shared>> -> memref<10112x128xf32, #tpu.memory_space<vmem_shared>>
      tpu.wait_indirect_dma semaphore(%arg30 : memref<!tpu.dma_semaphore, #tpu.memory_space<semaphore_mem>>) src(%arg19 : memref<64x128xf32, #tpu.memory_space<vmem>>) dst(%dma_wait3A_372 : memref<10112x128xf32, #tpu.memory_space<vmem_shared>>)
      %add3A_373 = arith.constant 5 : i32
      %add3A_374 = arith.addi %mul3A_211, %add3A_373 : i32
      %add3A_375 = arith.constant 2 : i32
      %add3A_376 = arith.addi %add3A_374, %add3A_375 : i32
      %mul3A_377 = arith.constant 64 : i32
      %mul3A_378 = arith.muli %add3A_376, %mul3A_377 : i32
      %add3A_379 = arith.addi %mul3A_10, %mul3A_378 : i32
      %dma_start3A_380 = tpu.memref_slice %arg4[%add3A_379] : memref<322560xi32, #tpu.memory_space<hbm>> -> memref<64xi32, #tpu.memory_space<hbm>>
      %dma_start3A_381 = tpu.memref_slice %arg4[%add3A_379] : memref<322560xi32, #tpu.memory_space<hbm>> -> memref<64xi32, #tpu.memory_space<hbm>>
      tpu.enqueue_dma source(%dma_start3A_381 : memref<64xi32, #tpu.memory_space<hbm>>) target(%arg14 : memref<64xi32, #tpu.memory_space<vmem>>) target_semaphore(%arg40 : memref<!tpu.dma_semaphore, #tpu.memory_space<semaphore_mem>>)
      %add3A_382 = arith.constant 5 : i32
      %add3A_383 = arith.addi %mul3A_211, %add3A_382 : i32
      %add3A_384 = arith.constant 2 : i32
      %add3A_385 = arith.addi %add3A_383, %add3A_384 : i32
      %mul3A_386 = arith.constant 64 : i32
      %mul3A_387 = arith.muli %add3A_385, %mul3A_386 : i32
      %add3A_388 = arith.addi %mul3A_10, %mul3A_387 : i32
      %dma_wait3A_389 = tpu.memref_slice %arg3[%add3A_388] : memref<322560xi32, #tpu.memory_space<hbm>> -> memref<64xi32, #tpu.memory_space<hbm>>
      %dma_wait3A_390 = tpu.memref_slice %arg3[%add3A_388] : memref<322560xi32, #tpu.memory_space<hbm>> -> memref<64xi32, #tpu.memory_space<hbm>>
      tpu.wait_dma2 semaphore(%arg35 : memref<!tpu.dma_semaphore, #tpu.memory_space<semaphore_mem>>) src(%dma_wait3A_390 : memref<64xi32, #tpu.memory_space<hbm>>) dst(%arg9 : memref<64xi32, #tpu.memory_space<vmem>>)
      %dma_start3A_391 = arith.constant 0 : i32
      %dma_start3A_392 = arith.constant 0 : i32
      %dma_start3A_393 = tpu.memref_slice %arg2[%dma_start3A_391, %dma_start3A_392] : memref<80000x128xf32, #tpu.memory_space<hbm>> -> memref<80000x128xf32, #tpu.memory_space<hbm>>
      tpu.enqueue_indirect_dma source(%dma_start3A_393 : memref<80000x128xf32, #tpu.memory_space<hbm>>) target(%arg19 : memref<64x128xf32, #tpu.memory_space<vmem>>) offsets(%arg9 : memref<64xi32, #tpu.memory_space<vmem>>) semaphore(%arg25 : memref<!tpu.dma_semaphore, #tpu.memory_space<semaphore_mem>>)
      %dma_wait3A_394 = arith.constant 0 : i32
      %dma_wait3A_395 = arith.constant 0 : i32
      %dma_wait3A_396 = tpu.memref_slice %arg22[%dma_wait3A_394, %dma_wait3A_395] : memref<10112x128xf32, #tpu.memory_space<vmem_shared>> -> memref<10112x128xf32, #tpu.memory_space<vmem_shared>>
      tpu.wait_indirect_dma semaphore(%arg31 : memref<!tpu.dma_semaphore, #tpu.memory_space<semaphore_mem>>) src(%arg20 : memref<64x128xf32, #tpu.memory_space<vmem>>) dst(%dma_wait3A_396 : memref<10112x128xf32, #tpu.memory_space<vmem_shared>>)
      %add3A_397 = arith.constant 5 : i32
      %add3A_398 = arith.addi %mul3A_211, %add3A_397 : i32
      %add3A_399 = arith.constant 3 : i32
      %add3A_400 = arith.addi %add3A_398, %add3A_399 : i32
      %mul3A_401 = arith.constant 64 : i32
      %mul3A_402 = arith.muli %add3A_400, %mul3A_401 : i32
      %add3A_403 = arith.addi %mul3A_10, %mul3A_402 : i32
      %dma_start3A_404 = tpu.memref_slice %arg4[%add3A_403] : memref<322560xi32, #tpu.memory_space<hbm>> -> memref<64xi32, #tpu.memory_space<hbm>>
      %dma_start3A_405 = tpu.memref_slice %arg4[%add3A_403] : memref<322560xi32, #tpu.memory_space<hbm>> -> memref<64xi32, #tpu.memory_space<hbm>>
      tpu.enqueue_dma source(%dma_start3A_405 : memref<64xi32, #tpu.memory_space<hbm>>) target(%arg15 : memref<64xi32, #tpu.memory_space<vmem>>) target_semaphore(%arg41 : memref<!tpu.dma_semaphore, #tpu.memory_space<semaphore_mem>>)
      %add3A_406 = arith.constant 5 : i32
      %add3A_407 = arith.addi %mul3A_211, %add3A_406 : i32
      %add3A_408 = arith.constant 3 : i32
      %add3A_409 = arith.addi %add3A_407, %add3A_408 : i32
      %mul3A_410 = arith.constant 64 : i32
      %mul3A_411 = arith.muli %add3A_409, %mul3A_410 : i32
      %add3A_412 = arith.addi %mul3A_10, %mul3A_411 : i32
      %dma_wait3A_413 = tpu.memref_slice %arg3[%add3A_412] : memref<322560xi32, #tpu.memory_space<hbm>> -> memref<64xi32, #tpu.memory_space<hbm>>
      %dma_wait3A_414 = tpu.memref_slice %arg3[%add3A_412] : memref<322560xi32, #tpu.memory_space<hbm>> -> memref<64xi32, #tpu.memory_space<hbm>>
      tpu.wait_dma2 semaphore(%arg36 : memref<!tpu.dma_semaphore, #tpu.memory_space<semaphore_mem>>) src(%dma_wait3A_414 : memref<64xi32, #tpu.memory_space<hbm>>) dst(%arg10 : memref<64xi32, #tpu.memory_space<vmem>>)
      %dma_start3A_415 = arith.constant 0 : i32
      %dma_start3A_416 = arith.constant 0 : i32
      %dma_start3A_417 = tpu.memref_slice %arg2[%dma_start3A_415, %dma_start3A_416] : memref<80000x128xf32, #tpu.memory_space<hbm>> -> memref<80000x128xf32, #tpu.memory_space<hbm>>
      tpu.enqueue_indirect_dma source(%dma_start3A_417 : memref<80000x128xf32, #tpu.memory_space<hbm>>) target(%arg20 : memref<64x128xf32, #tpu.memory_space<vmem>>) offsets(%arg10 : memref<64xi32, #tpu.memory_space<vmem>>) semaphore(%arg26 : memref<!tpu.dma_semaphore, #tpu.memory_space<semaphore_mem>>)
      %dma_wait3A_418 = arith.constant 0 : i32
      %dma_wait3A_419 = arith.constant 0 : i32
      %dma_wait3A_420 = tpu.memref_slice %arg22[%dma_wait3A_418, %dma_wait3A_419] : memref<10112x128xf32, #tpu.memory_space<vmem_shared>> -> memref<10112x128xf32, #tpu.memory_space<vmem_shared>>
      tpu.wait_indirect_dma semaphore(%arg32 : memref<!tpu.dma_semaphore, #tpu.memory_space<semaphore_mem>>) src(%arg21 : memref<64x128xf32, #tpu.memory_space<vmem>>) dst(%dma_wait3A_420 : memref<10112x128xf32, #tpu.memory_space<vmem_shared>>)
      %add3A_421 = arith.constant 5 : i32
      %add3A_422 = arith.addi %mul3A_211, %add3A_421 : i32
      %add3A_423 = arith.constant 4 : i32
      %add3A_424 = arith.addi %add3A_422, %add3A_423 : i32
      %mul3A_425 = arith.constant 64 : i32
      %mul3A_426 = arith.muli %add3A_424, %mul3A_425 : i32
      %add3A_427 = arith.addi %mul3A_10, %mul3A_426 : i32
      %dma_start3A_428 = tpu.memref_slice %arg4[%add3A_427] : memref<322560xi32, #tpu.memory_space<hbm>> -> memref<64xi32, #tpu.memory_space<hbm>>
      %dma_start3A_429 = tpu.memref_slice %arg4[%add3A_427] : memref<322560xi32, #tpu.memory_space<hbm>> -> memref<64xi32, #tpu.memory_space<hbm>>
      tpu.enqueue_dma source(%dma_start3A_429 : memref<64xi32, #tpu.memory_space<hbm>>) target(%arg16 : memref<64xi32, #tpu.memory_space<vmem>>) target_semaphore(%arg42 : memref<!tpu.dma_semaphore, #tpu.memory_space<semaphore_mem>>)
      %add3A_430 = arith.constant 5 : i32
      %add3A_431 = arith.addi %mul3A_211, %add3A_430 : i32
      %add3A_432 = arith.constant 4 : i32
      %add3A_433 = arith.addi %add3A_431, %add3A_432 : i32
      %mul3A_434 = arith.constant 64 : i32
      %mul3A_435 = arith.muli %add3A_433, %mul3A_434 : i32
      %add3A_436 = arith.addi %mul3A_10, %mul3A_435 : i32
      %dma_wait3A_437 = tpu.memref_slice %arg3[%add3A_436] : memref<322560xi32, #tpu.memory_space<hbm>> -> memref<64xi32, #tpu.memory_space<hbm>>
      %dma_wait3A_438 = tpu.memref_slice %arg3[%add3A_436] : memref<322560xi32, #tpu.memory_space<hbm>> -> memref<64xi32, #tpu.memory_space<hbm>>
      tpu.wait_dma2 semaphore(%arg37 : memref<!tpu.dma_semaphore, #tpu.memory_space<semaphore_mem>>) src(%dma_wait3A_438 : memref<64xi32, #tpu.memory_space<hbm>>) dst(%arg11 : memref<64xi32, #tpu.memory_space<vmem>>)
      %dma_start3A_439 = arith.constant 0 : i32
      %dma_start3A_440 = arith.constant 0 : i32
      %dma_start3A_441 = tpu.memref_slice %arg2[%dma_start3A_439, %dma_start3A_440] : memref<80000x128xf32, #tpu.memory_space<hbm>> -> memref<80000x128xf32, #tpu.memory_space<hbm>>
      tpu.enqueue_indirect_dma source(%dma_start3A_441 : memref<80000x128xf32, #tpu.memory_space<hbm>>) target(%arg21 : memref<64x128xf32, #tpu.memory_space<vmem>>) offsets(%arg11 : memref<64xi32, #tpu.memory_space<vmem>>) semaphore(%arg27 : memref<!tpu.dma_semaphore, #tpu.memory_space<semaphore_mem>>)
    }
    %while3A_114 = arith.constant 1 : i32
    scf.for %while3A_209 = %while3A_112 to %while3A_108 step %while3A_114  : i32 {
      %mul3A_210 = arith.constant 5 : i32
      %mul3A_211 = arith.muli %mul3A_210, %while3A_209 : i32
      %dma_wait3A_212 = arith.constant 0 : i32
      %dma_wait3A_213 = arith.constant 0 : i32
      %dma_wait3A_214 = tpu.memref_slice %arg2[%dma_wait3A_212, %dma_wait3A_213] : memref<80000x128xf32, #tpu.memory_space<hbm>> -> memref<80000x128xf32, #tpu.memory_space<hbm>>
      tpu.wait_indirect_dma semaphore(%arg23 : memref<!tpu.dma_semaphore, #tpu.memory_space<semaphore_mem>>) src(%dma_wait3A_214 : memref<80000x128xf32, #tpu.memory_space<hbm>>) dst(%arg17 : memref<64x128xf32, #tpu.memory_space<vmem>>)
      %add3A_215 = arith.constant 5 : i32
      %add3A_216 = arith.addi %mul3A_211, %add3A_215 : i32
      %add3A_217 = arith.constant 0 : i32
      %add3A_218 = arith.addi %add3A_216, %add3A_217 : i32
      %mul3A_219 = arith.constant 64 : i32
      %mul3A_220 = arith.muli %add3A_218, %mul3A_219 : i32
      %add3A_221 = arith.addi %mul3A_10, %mul3A_220 : i32
      %dma_start3A_222 = tpu.memref_slice %arg3[%add3A_221] : memref<322560xi32, #tpu.memory_space<hbm>> -> memref<64xi32, #tpu.memory_space<hbm>>
      %dma_start3A_223 = tpu.memref_slice %arg3[%add3A_221] : memref<322560xi32, #tpu.memory_space<hbm>> -> memref<64xi32, #tpu.memory_space<hbm>>
      tpu.enqueue_dma source(%dma_start3A_223 : memref<64xi32, #tpu.memory_space<hbm>>) target(%arg7 : memref<64xi32, #tpu.memory_space<vmem>>) target_semaphore(%arg33 : memref<!tpu.dma_semaphore, #tpu.memory_space<semaphore_mem>>)
      %add3A_224 = arith.constant 0 : i32
      %add3A_225 = arith.addi %mul3A_211, %add3A_224 : i32
      %mul3A_226 = arith.constant 64 : i32
      %mul3A_227 = arith.muli %add3A_225, %mul3A_226 : i32
      %add3A_228 = arith.addi %mul3A_10, %mul3A_227 : i32
      %dma_wait3A_229 = tpu.memref_slice %arg4[%add3A_228] : memref<322560xi32, #tpu.memory_space<hbm>> -> memref<64xi32, #tpu.memory_space<hbm>>
      %dma_wait3A_230 = tpu.memref_slice %arg4[%add3A_228] : memref<322560xi32, #tpu.memory_space<hbm>> -> memref<64xi32, #tpu.memory_space<hbm>>
      tpu.wait_dma2 semaphore(%arg38 : memref<!tpu.dma_semaphore, #tpu.memory_space<semaphore_mem>>) src(%dma_wait3A_230 : memref<64xi32, #tpu.memory_space<hbm>>) dst(%arg12 : memref<64xi32, #tpu.memory_space<vmem>>)
      %dma_start3A_231 = arith.constant 0 : i32
      %dma_start3A_232 = arith.constant 0 : i32
      %dma_start3A_233 = tpu.memref_slice %arg22[%dma_start3A_231, %dma_start3A_232] : memref<10112x128xf32, #tpu.memory_space<vmem_shared>> -> memref<10112x128xf32, #tpu.memory_space<vmem_shared>>
      tpu.enqueue_indirect_dma source(%arg17 : memref<64x128xf32, #tpu.memory_space<vmem>>) target(%dma_start3A_233 : memref<10112x128xf32, #tpu.memory_space<vmem_shared>>) offsets(%arg12 : memref<64xi32, #tpu.memory_space<vmem>>) semaphore(%arg28 : memref<!tpu.dma_semaphore, #tpu.memory_space<semaphore_mem>>) {add = true}
      %dma_wait3A_234 = arith.constant 0 : i32
      %dma_wait3A_235 = arith.constant 0 : i32
      %dma_wait3A_236 = tpu.memref_slice %arg2[%dma_wait3A_234, %dma_wait3A_235] : memref<80000x128xf32, #tpu.memory_space<hbm>> -> memref<80000x128xf32, #tpu.memory_space<hbm>>
      tpu.wait_indirect_dma semaphore(%arg24 : memref<!tpu.dma_semaphore, #tpu.memory_space<semaphore_mem>>) src(%dma_wait3A_236 : memref<80000x128xf32, #tpu.memory_space<hbm>>) dst(%arg18 : memref<64x128xf32, #tpu.memory_space<vmem>>)
      %add3A_237 = arith.constant 5 : i32
      %add3A_238 = arith.addi %mul3A_211, %add3A_237 : i32
      %add3A_239 = arith.constant 1 : i32
      %add3A_240 = arith.addi %add3A_238, %add3A_239 : i32
      %mul3A_241 = arith.constant 64 : i32
      %mul3A_242 = arith.muli %add3A_240, %mul3A_241 : i32
      %add3A_243 = arith.addi %mul3A_10, %mul3A_242 : i32
      %dma_start3A_244 = tpu.memref_slice %arg3[%add3A_243] : memref<322560xi32, #tpu.memory_space<hbm>> -> memref<64xi32, #tpu.memory_space<hbm>>
      %dma_start3A_245 = tpu.memref_slice %arg3[%add3A_243] : memref<322560xi32, #tpu.memory_space<hbm>> -> memref<64xi32, #tpu.memory_space<hbm>>
      tpu.enqueue_dma source(%dma_start3A_245 : memref<64xi32, #tpu.memory_space<hbm>>) target(%arg8 : memref<64xi32, #tpu.memory_space<vmem>>) target_semaphore(%arg34 : memref<!tpu.dma_semaphore, #tpu.memory_space<semaphore_mem>>)
      %add3A_246 = arith.constant 1 : i32
      %add3A_247 = arith.addi %mul3A_211, %add3A_246 : i32
      %mul3A_248 = arith.constant 64 : i32
      %mul3A_249 = arith.muli %add3A_247, %mul3A_248 : i32
      %add3A_250 = arith.addi %mul3A_10, %mul3A_249 : i32
      %dma_wait3A_251 = tpu.memref_slice %arg4[%add3A_250] : memref<322560xi32, #tpu.memory_space<hbm>> -> memref<64xi32, #tpu.memory_space<hbm>>
      %dma_wait3A_252 = tpu.memref_slice %arg4[%add3A_250] : memref<322560xi32, #tpu.memory_space<hbm>> -> memref<64xi32, #tpu.memory_space<hbm>>
      tpu.wait_dma2 semaphore(%arg39 : memref<!tpu.dma_semaphore, #tpu.memory_space<semaphore_mem>>) src(%dma_wait3A_252 : memref<64xi32, #tpu.memory_space<hbm>>) dst(%arg13 : memref<64xi32, #tpu.memory_space<vmem>>)
      %dma_start3A_253 = arith.constant 0 : i32
      %dma_start3A_254 = arith.constant 0 : i32
      %dma_start3A_255 = tpu.memref_slice %arg22[%dma_start3A_253, %dma_start3A_254] : memref<10112x128xf32, #tpu.memory_space<vmem_shared>> -> memref<10112x128xf32, #tpu.memory_space<vmem_shared>>
      tpu.enqueue_indirect_dma source(%arg18 : memref<64x128xf32, #tpu.memory_space<vmem>>) target(%dma_start3A_255 : memref<10112x128xf32, #tpu.memory_space<vmem_shared>>) offsets(%arg13 : memref<64xi32, #tpu.memory_space<vmem>>) semaphore(%arg29 : memref<!tpu.dma_semaphore, #tpu.memory_space<semaphore_mem>>) {add = true}
      %dma_wait3A_256 = arith.constant 0 : i32
      %dma_wait3A_257 = arith.constant 0 : i32
      %dma_wait3A_258 = tpu.memref_slice %arg2[%dma_wait3A_256, %dma_wait3A_257] : memref<80000x128xf32, #tpu.memory_space<hbm>> -> memref<80000x128xf32, #tpu.memory_space<hbm>>
      tpu.wait_indirect_dma semaphore(%arg25 : memref<!tpu.dma_semaphore, #tpu.memory_space<semaphore_mem>>) src(%dma_wait3A_258 : memref<80000x128xf32, #tpu.memory_space<hbm>>) dst(%arg19 : memref<64x128xf32, #tpu.memory_space<vmem>>)
      %add3A_259 = arith.constant 5 : i32
      %add3A_260 = arith.addi %mul3A_211, %add3A_259 : i32
      %add3A_261 = arith.constant 2 : i32
      %add3A_262 = arith.addi %add3A_260, %add3A_261 : i32
      %mul3A_263 = arith.constant 64 : i32
      %mul3A_264 = arith.muli %add3A_262, %mul3A_263 : i32
      %add3A_265 = arith.addi %mul3A_10, %mul3A_264 : i32
      %dma_start3A_266 = tpu.memref_slice %arg3[%add3A_265] : memref<322560xi32, #tpu.memory_space<hbm>> -> memref<64xi32, #tpu.memory_space<hbm>>
      %dma_start3A_267 = tpu.memref_slice %arg3[%add3A_265] : memref<322560xi32, #tpu.memory_space<hbm>> -> memref<64xi32, #tpu.memory_space<hbm>>
      tpu.enqueue_dma source(%dma_start3A_267 : memref<64xi32, #tpu.memory_space<hbm>>) target(%arg9 : memref<64xi32, #tpu.memory_space<vmem>>) target_semaphore(%arg35 : memref<!tpu.dma_semaphore, #tpu.memory_space<semaphore_mem>>)
      %add3A_268 = arith.constant 2 : i32
      %add3A_269 = arith.addi %mul3A_211, %add3A_268 : i32
      %mul3A_270 = arith.constant 64 : i32
      %mul3A_271 = arith.muli %add3A_269, %mul3A_270 : i32
      %add3A_272 = arith.addi %mul3A_10, %mul3A_271 : i32
      %dma_wait3A_273 = tpu.memref_slice %arg4[%add3A_272] : memref<322560xi32, #tpu.memory_space<hbm>> -> memref<64xi32, #tpu.memory_space<hbm>>
      %dma_wait3A_274 = tpu.memref_slice %arg4[%add3A_272] : memref<322560xi32, #tpu.memory_space<hbm>> -> memref<64xi32, #tpu.memory_space<hbm>>
      tpu.wait_dma2 semaphore(%arg40 : memref<!tpu.dma_semaphore, #tpu.memory_space<semaphore_mem>>) src(%dma_wait3A_274 : memref<64xi32, #tpu.memory_space<hbm>>) dst(%arg14 : memref<64xi32, #tpu.memory_space<vmem>>)
      %dma_start3A_275 = arith.constant 0 : i32
      %dma_start3A_276 = arith.constant 0 : i32
      %dma_start3A_277 = tpu.memref_slice %arg22[%dma_start3A_275, %dma_start3A_276] : memref<10112x128xf32, #tpu.memory_space<vmem_shared>> -> memref<10112x128xf32, #tpu.memory_space<vmem_shared>>
      tpu.enqueue_indirect_dma source(%arg19 : memref<64x128xf32, #tpu.memory_space<vmem>>) target(%dma_start3A_277 : memref<10112x128xf32, #tpu.memory_space<vmem_shared>>) offsets(%arg14 : memref<64xi32, #tpu.memory_space<vmem>>) semaphore(%arg30 : memref<!tpu.dma_semaphore, #tpu.memory_space<semaphore_mem>>) {add = true}
      %dma_wait3A_278 = arith.constant 0 : i32
      %dma_wait3A_279 = arith.constant 0 : i32
      %dma_wait3A_280 = tpu.memref_slice %arg2[%dma_wait3A_278, %dma_wait3A_279] : memref<80000x128xf32, #tpu.memory_space<hbm>> -> memref<80000x128xf32, #tpu.memory_space<hbm>>
      tpu.wait_indirect_dma semaphore(%arg26 : memref<!tpu.dma_semaphore, #tpu.memory_space<semaphore_mem>>) src(%dma_wait3A_280 : memref<80000x128xf32, #tpu.memory_space<hbm>>) dst(%arg20 : memref<64x128xf32, #tpu.memory_space<vmem>>)
      %add3A_281 = arith.constant 5 : i32
      %add3A_282 = arith.addi %mul3A_211, %add3A_281 : i32
      %add3A_283 = arith.constant 3 : i32
      %add3A_284 = arith.addi %add3A_282, %add3A_283 : i32
      %mul3A_285 = arith.constant 64 : i32
      %mul3A_286 = arith.muli %add3A_284, %mul3A_285 : i32
      %add3A_287 = arith.addi %mul3A_10, %mul3A_286 : i32
      %dma_start3A_288 = tpu.memref_slice %arg3[%add3A_287] : memref<322560xi32, #tpu.memory_space<hbm>> -> memref<64xi32, #tpu.memory_space<hbm>>
      %dma_start3A_289 = tpu.memref_slice %arg3[%add3A_287] : memref<322560xi32, #tpu.memory_space<hbm>> -> memref<64xi32, #tpu.memory_space<hbm>>
      tpu.enqueue_dma source(%dma_start3A_289 : memref<64xi32, #tpu.memory_space<hbm>>) target(%arg10 : memref<64xi32, #tpu.memory_space<vmem>>) target_semaphore(%arg36 : memref<!tpu.dma_semaphore, #tpu.memory_space<semaphore_mem>>)
      %add3A_290 = arith.constant 3 : i32
      %add3A_291 = arith.addi %mul3A_211, %add3A_290 : i32
      %mul3A_292 = arith.constant 64 : i32
      %mul3A_293 = arith.muli %add3A_291, %mul3A_292 : i32
      %add3A_294 = arith.addi %mul3A_10, %mul3A_293 : i32
      %dma_wait3A_295 = tpu.memref_slice %arg4[%add3A_294] : memref<322560xi32, #tpu.memory_space<hbm>> -> memref<64xi32, #tpu.memory_space<hbm>>
      %dma_wait3A_296 = tpu.memref_slice %arg4[%add3A_294] : memref<322560xi32, #tpu.memory_space<hbm>> -> memref<64xi32, #tpu.memory_space<hbm>>
      tpu.wait_dma2 semaphore(%arg41 : memref<!tpu.dma_semaphore, #tpu.memory_space<semaphore_mem>>) src(%dma_wait3A_296 : memref<64xi32, #tpu.memory_space<hbm>>) dst(%arg15 : memref<64xi32, #tpu.memory_space<vmem>>)
      %dma_start3A_297 = arith.constant 0 : i32
      %dma_start3A_298 = arith.constant 0 : i32
      %dma_start3A_299 = tpu.memref_slice %arg22[%dma_start3A_297, %dma_start3A_298] : memref<10112x128xf32, #tpu.memory_space<vmem_shared>> -> memref<10112x128xf32, #tpu.memory_space<vmem_shared>>
      tpu.enqueue_indirect_dma source(%arg20 : memref<64x128xf32, #tpu.memory_space<vmem>>) target(%dma_start3A_299 : memref<10112x128xf32, #tpu.memory_space<vmem_shared>>) offsets(%arg15 : memref<64xi32, #tpu.memory_space<vmem>>) semaphore(%arg31 : memref<!tpu.dma_semaphore, #tpu.memory_space<semaphore_mem>>) {add = true}
      %dma_wait3A_300 = arith.constant 0 : i32
      %dma_wait3A_301 = arith.constant 0 : i32
      %dma_wait3A_302 = tpu.memref_slice %arg2[%dma_wait3A_300, %dma_wait3A_301] : memref<80000x128xf32, #tpu.memory_space<hbm>> -> memref<80000x128xf32, #tpu.memory_space<hbm>>
      tpu.wait_indirect_dma semaphore(%arg27 : memref<!tpu.dma_semaphore, #tpu.memory_space<semaphore_mem>>) src(%dma_wait3A_302 : memref<80000x128xf32, #tpu.memory_space<hbm>>) dst(%arg21 : memref<64x128xf32, #tpu.memory_space<vmem>>)
      %add3A_303 = arith.constant 5 : i32
      %add3A_304 = arith.addi %mul3A_211, %add3A_303 : i32
      %add3A_305 = arith.constant 4 : i32
      %add3A_306 = arith.addi %add3A_304, %add3A_305 : i32
      %mul3A_307 = arith.constant 64 : i32
      %mul3A_308 = arith.muli %add3A_306, %mul3A_307 : i32
      %add3A_309 = arith.addi %mul3A_10, %mul3A_308 : i32
      %dma_start3A_310 = tpu.memref_slice %arg3[%add3A_309] : memref<322560xi32, #tpu.memory_space<hbm>> -> memref<64xi32, #tpu.memory_space<hbm>>
      %dma_start3A_311 = tpu.memref_slice %arg3[%add3A_309] : memref<322560xi32, #tpu.memory_space<hbm>> -> memref<64xi32, #tpu.memory_space<hbm>>
      tpu.enqueue_dma source(%dma_start3A_311 : memref<64xi32, #tpu.memory_space<hbm>>) target(%arg11 : memref<64xi32, #tpu.memory_space<vmem>>) target_semaphore(%arg37 : memref<!tpu.dma_semaphore, #tpu.memory_space<semaphore_mem>>)
      %add3A_312 = arith.constant 4 : i32
      %add3A_313 = arith.addi %mul3A_211, %add3A_312 : i32
      %mul3A_314 = arith.constant 64 : i32
      %mul3A_315 = arith.muli %add3A_313, %mul3A_314 : i32
      %add3A_316 = arith.addi %mul3A_10, %mul3A_315 : i32
      %dma_wait3A_317 = tpu.memref_slice %arg4[%add3A_316] : memref<322560xi32, #tpu.memory_space<hbm>> -> memref<64xi32, #tpu.memory_space<hbm>>
      %dma_wait3A_318 = tpu.memref_slice %arg4[%add3A_316] : memref<322560xi32, #tpu.memory_space<hbm>> -> memref<64xi32, #tpu.memory_space<hbm>>
      tpu.wait_dma2 semaphore(%arg42 : memref<!tpu.dma_semaphore, #tpu.memory_space<semaphore_mem>>) src(%dma_wait3A_318 : memref<64xi32, #tpu.memory_space<hbm>>) dst(%arg16 : memref<64xi32, #tpu.memory_space<vmem>>)
      %dma_start3A_319 = arith.constant 0 : i32
      %dma_start3A_320 = arith.constant 0 : i32
      %dma_start3A_321 = tpu.memref_slice %arg22[%dma_start3A_319, %dma_start3A_320] : memref<10112x128xf32, #tpu.memory_space<vmem_shared>> -> memref<10112x128xf32, #tpu.memory_space<vmem_shared>>
      tpu.enqueue_indirect_dma source(%arg21 : memref<64x128xf32, #tpu.memory_space<vmem>>) target(%dma_start3A_321 : memref<10112x128xf32, #tpu.memory_space<vmem_shared>>) offsets(%arg16 : memref<64xi32, #tpu.memory_space<vmem>>) semaphore(%arg32 : memref<!tpu.dma_semaphore, #tpu.memory_space<semaphore_mem>>) {add = true}
      %dma_wait3A_322 = arith.constant 0 : i32
      %dma_wait3A_323 = arith.constant 0 : i32
      %dma_wait3A_324 = tpu.memref_slice %arg22[%dma_wait3A_322, %dma_wait3A_323] : memref<10112x128xf32, #tpu.memory_space<vmem_shared>> -> memref<10112x128xf32, #tpu.memory_space<vmem_shared>>
      tpu.wait_indirect_dma semaphore(%arg28 : memref<!tpu.dma_semaphore, #tpu.memory_space<semaphore_mem>>) src(%arg17 : memref<64x128xf32, #tpu.memory_space<vmem>>) dst(%dma_wait3A_324 : memref<10112x128xf32, #tpu.memory_space<vmem_shared>>)
      %add3A_325 = arith.constant 5 : i32
      %add3A_326 = arith.addi %mul3A_211, %add3A_325 : i32
      %add3A_327 = arith.constant 0 : i32
      %add3A_328 = arith.addi %add3A_326, %add3A_327 : i32
      %mul3A_329 = arith.constant 64 : i32
      %mul3A_330 = arith.muli %add3A_328, %mul3A_329 : i32
      %add3A_331 = arith.addi %mul3A_10, %mul3A_330 : i32
      %dma_start3A_332 = tpu.memref_slice %arg4[%add3A_331] : memref<322560xi32, #tpu.memory_space<hbm>> -> memref<64xi32, #tpu.memory_space<hbm>>
      %dma_start3A_333 = tpu.memref_slice %arg4[%add3A_331] : memref<322560xi32, #tpu.memory_space<hbm>> -> memref<64xi32, #tpu.memory_space<hbm>>
      tpu.enqueue_dma source(%dma_start3A_333 : memref<64xi32, #tpu.memory_space<hbm>>) target(%arg12 : memref<64xi32, #tpu.memory_space<vmem>>) target_semaphore(%arg38 : memref<!tpu.dma_semaphore, #tpu.memory_space<semaphore_mem>>)
      %add3A_334 = arith.constant 5 : i32
      %add3A_335 = arith.addi %mul3A_211, %add3A_334 : i32
      %add3A_336 = arith.constant 0 : i32
      %add3A_337 = arith.addi %add3A_335, %add3A_336 : i32
      %mul3A_338 = arith.constant 64 : i32
      %mul3A_339 = arith.muli %add3A_337, %mul3A_338 : i32
      %add3A_340 = arith.addi %mul3A_10, %mul3A_339 : i32
      %dma_wait3A_341 = tpu.memref_slice %arg3[%add3A_340] : memref<322560xi32, #tpu.memory_space<hbm>> -> memref<64xi32, #tpu.memory_space<hbm>>
      %dma_wait3A_342 = tpu.memref_slice %arg3[%add3A_340] : memref<322560xi32, #tpu.memory_space<hbm>> -> memref<64xi32, #tpu.memory_space<hbm>>
      tpu.wait_dma2 semaphore(%arg33 : memref<!tpu.dma_semaphore, #tpu.memory_space<semaphore_mem>>) src(%dma_wait3A_342 : memref<64xi32, #tpu.memory_space<hbm>>) dst(%arg7 : memref<64xi32, #tpu.memory_space<vmem>>)
      %dma_start3A_343 = arith.constant 0 : i32
      %dma_start3A_344 = arith.constant 0 : i32
      %dma_start3A_345 = tpu.memref_slice %arg2[%dma_start3A_343, %dma_start3A_344] : memref<80000x128xf32, #tpu.memory_space<hbm>> -> memref<80000x128xf32, #tpu.memory_space<hbm>>
      tpu.enqueue_indirect_dma source(%dma_start3A_345 : memref<80000x128xf32, #tpu.memory_space<hbm>>) target(%arg17 : memref<64x128xf32, #tpu.memory_space<vmem>>) offsets(%arg7 : memref<64xi32, #tpu.memory_space<vmem>>) semaphore(%arg23 : memref<!tpu.dma_semaphore, #tpu.memory_space<semaphore_mem>>)
      %dma_wait3A_346 = arith.constant 0 : i32
      %dma_wait3A_347 = arith.constant 0 : i32
      %dma_wait3A_348 = tpu.memref_slice %arg22[%dma_wait3A_346, %dma_wait3A_347] : memref<10112x128xf32, #tpu.memory_space<vmem_shared>> -> memref<10112x128xf32, #tpu.memory_space<vmem_shared>>
      tpu.wait_indirect_dma semaphore(%arg29 : memref<!tpu.dma_semaphore, #tpu.memory_space<semaphore_mem>>) src(%arg18 : memref<64x128xf32, #tpu.memory_space<vmem>>) dst(%dma_wait3A_348 : memref<10112x128xf32, #tpu.memory_space<vmem_shared>>)
      %add3A_349 = arith.constant 5 : i32
      %add3A_350 = arith.addi %mul3A_211, %add3A_349 : i32
      %add3A_351 = arith.constant 1 : i32
      %add3A_352 = arith.addi %add3A_350, %add3A_351 : i32
      %mul3A_353 = arith.constant 64 : i32
      %mul3A_354 = arith.muli %add3A_352, %mul3A_353 : i32
      %add3A_355 = arith.addi %mul3A_10, %mul3A_354 : i32
      %dma_start3A_356 = tpu.memref_slice %arg4[%add3A_355] : memref<322560xi32, #tpu.memory_space<hbm>> -> memref<64xi32, #tpu.memory_space<hbm>>
      %dma_start3A_357 = tpu.memref_slice %arg4[%add3A_355] : memref<322560xi32, #tpu.memory_space<hbm>> -> memref<64xi32, #tpu.memory_space<hbm>>
      tpu.enqueue_dma source(%dma_start3A_357 : memref<64xi32, #tpu.memory_space<hbm>>) target(%arg13 : memref<64xi32, #tpu.memory_space<vmem>>) target_semaphore(%arg39 : memref<!tpu.dma_semaphore, #tpu.memory_space<semaphore_mem>>)
      %add3A_358 = arith.constant 5 : i32
      %add3A_359 = arith.addi %mul3A_211, %add3A_358 : i32
      %add3A_360 = arith.constant 1 : i32
      %add3A_361 = arith.addi %add3A_359, %add3A_360 : i32
      %mul3A_362 = arith.constant 64 : i32
      %mul3A_363 = arith.muli %add3A_361, %mul3A_362 : i32
      %add3A_364 = arith.addi %mul3A_10, %mul3A_363 : i32
      %dma_wait3A_365 = tpu.memref_slice %arg3[%add3A_364] : memref<322560xi32, #tpu.memory_space<hbm>> -> memref<64xi32, #tpu.memory_space<hbm>>
      %dma_wait3A_366 = tpu.memref_slice %arg3[%add3A_364] : memref<322560xi32, #tpu.memory_space<hbm>> -> memref<64xi32, #tpu.memory_space<hbm>>
      tpu.wait_dma2 semaphore(%arg34 : memref<!tpu.dma_semaphore, #tpu.memory_space<semaphore_mem>>) src(%dma_wait3A_366 : memref<64xi32, #tpu.memory_space<hbm>>) dst(%arg8 : memref<64xi32, #tpu.memory_space<vmem>>)
      %dma_start3A_367 = arith.constant 0 : i32
      %dma_start3A_368 = arith.constant 0 : i32
      %dma_start3A_369 = tpu.memref_slice %arg2[%dma_start3A_367, %dma_start3A_368] : memref<80000x128xf32, #tpu.memory_space<hbm>> -> memref<80000x128xf32, #tpu.memory_space<hbm>>
      tpu.enqueue_indirect_dma source(%dma_start3A_369 : memref<80000x128xf32, #tpu.memory_space<hbm>>) target(%arg18 : memref<64x128xf32, #tpu.memory_space<vmem>>) offsets(%arg8 : memref<64xi32, #tpu.memory_space<vmem>>) semaphore(%arg24 : memref<!tpu.dma_semaphore, #tpu.memory_space<semaphore_mem>>)
      %dma_wait3A_370 = arith.constant 0 : i32
      %dma_wait3A_371 = arith.constant 0 : i32
      %dma_wait3A_372 = tpu.memref_slice %arg22[%dma_wait3A_370, %dma_wait3A_371] : memref<10112x128xf32, #tpu.memory_space<vmem_shared>> -> memref<10112x128xf32, #tpu.memory_space<vmem_shared>>
      tpu.wait_indirect_dma semaphore(%arg30 : memref<!tpu.dma_semaphore, #tpu.memory_space<semaphore_mem>>) src(%arg19 : memref<64x128xf32, #tpu.memory_space<vmem>>) dst(%dma_wait3A_372 : memref<10112x128xf32, #tpu.memory_space<vmem_shared>>)
      %add3A_373 = arith.constant 5 : i32
      %add3A_374 = arith.addi %mul3A_211, %add3A_373 : i32
      %add3A_375 = arith.constant 2 : i32
      %add3A_376 = arith.addi %add3A_374, %add3A_375 : i32
      %mul3A_377 = arith.constant 64 : i32
      %mul3A_378 = arith.muli %add3A_376, %mul3A_377 : i32
      %add3A_379 = arith.addi %mul3A_10, %mul3A_378 : i32
      %dma_start3A_380 = tpu.memref_slice %arg4[%add3A_379] : memref<322560xi32, #tpu.memory_space<hbm>> -> memref<64xi32, #tpu.memory_space<hbm>>
      %dma_start3A_381 = tpu.memref_slice %arg4[%add3A_379] : memref<322560xi32, #tpu.memory_space<hbm>> -> memref<64xi32, #tpu.memory_space<hbm>>
      tpu.enqueue_dma source(%dma_start3A_381 : memref<64xi32, #tpu.memory_space<hbm>>) target(%arg14 : memref<64xi32, #tpu.memory_space<vmem>>) target_semaphore(%arg40 : memref<!tpu.dma_semaphore, #tpu.memory_space<semaphore_mem>>)
      %add3A_382 = arith.constant 5 : i32
      %add3A_383 = arith.addi %mul3A_211, %add3A_382 : i32
      %add3A_384 = arith.constant 2 : i32
      %add3A_385 = arith.addi %add3A_383, %add3A_384 : i32
      %mul3A_386 = arith.constant 64 : i32
      %mul3A_387 = arith.muli %add3A_385, %mul3A_386 : i32
      %add3A_388 = arith.addi %mul3A_10, %mul3A_387 : i32
      %dma_wait3A_389 = tpu.memref_slice %arg3[%add3A_388] : memref<322560xi32, #tpu.memory_space<hbm>> -> memref<64xi32, #tpu.memory_space<hbm>>
      %dma_wait3A_390 = tpu.memref_slice %arg3[%add3A_388] : memref<322560xi32, #tpu.memory_space<hbm>> -> memref<64xi32, #tpu.memory_space<hbm>>
      tpu.wait_dma2 semaphore(%arg35 : memref<!tpu.dma_semaphore, #tpu.memory_space<semaphore_mem>>) src(%dma_wait3A_390 : memref<64xi32, #tpu.memory_space<hbm>>) dst(%arg9 : memref<64xi32, #tpu.memory_space<vmem>>)
      %dma_start3A_391 = arith.constant 0 : i32
      %dma_start3A_392 = arith.constant 0 : i32
      %dma_start3A_393 = tpu.memref_slice %arg2[%dma_start3A_391, %dma_start3A_392] : memref<80000x128xf32, #tpu.memory_space<hbm>> -> memref<80000x128xf32, #tpu.memory_space<hbm>>
      tpu.enqueue_indirect_dma source(%dma_start3A_393 : memref<80000x128xf32, #tpu.memory_space<hbm>>) target(%arg19 : memref<64x128xf32, #tpu.memory_space<vmem>>) offsets(%arg9 : memref<64xi32, #tpu.memory_space<vmem>>) semaphore(%arg25 : memref<!tpu.dma_semaphore, #tpu.memory_space<semaphore_mem>>)
      %dma_wait3A_394 = arith.constant 0 : i32
      %dma_wait3A_395 = arith.constant 0 : i32
      %dma_wait3A_396 = tpu.memref_slice %arg22[%dma_wait3A_394, %dma_wait3A_395] : memref<10112x128xf32, #tpu.memory_space<vmem_shared>> -> memref<10112x128xf32, #tpu.memory_space<vmem_shared>>
      tpu.wait_indirect_dma semaphore(%arg31 : memref<!tpu.dma_semaphore, #tpu.memory_space<semaphore_mem>>) src(%arg20 : memref<64x128xf32, #tpu.memory_space<vmem>>) dst(%dma_wait3A_396 : memref<10112x128xf32, #tpu.memory_space<vmem_shared>>)
      %add3A_397 = arith.constant 5 : i32
      %add3A_398 = arith.addi %mul3A_211, %add3A_397 : i32
      %add3A_399 = arith.constant 3 : i32
      %add3A_400 = arith.addi %add3A_398, %add3A_399 : i32
      %mul3A_401 = arith.constant 64 : i32
      %mul3A_402 = arith.muli %add3A_400, %mul3A_401 : i32
      %add3A_403 = arith.addi %mul3A_10, %mul3A_402 : i32
      %dma_start3A_404 = tpu.memref_slice %arg4[%add3A_403] : memref<322560xi32, #tpu.memory_space<hbm>> -> memref<64xi32, #tpu.memory_space<hbm>>
      %dma_start3A_405 = tpu.memref_slice %arg4[%add3A_403] : memref<322560xi32, #tpu.memory_space<hbm>> -> memref<64xi32, #tpu.memory_space<hbm>>
      tpu.enqueue_dma source(%dma_start3A_405 : memref<64xi32, #tpu.memory_space<hbm>>) target(%arg15 : memref<64xi32, #tpu.memory_space<vmem>>) target_semaphore(%arg41 : memref<!tpu.dma_semaphore, #tpu.memory_space<semaphore_mem>>)
      %add3A_406 = arith.constant 5 : i32
      %add3A_407 = arith.addi %mul3A_211, %add3A_406 : i32
      %add3A_408 = arith.constant 3 : i32
      %add3A_409 = arith.addi %add3A_407, %add3A_408 : i32
      %mul3A_410 = arith.constant 64 : i32
      %mul3A_411 = arith.muli %add3A_409, %mul3A_410 : i32
      %add3A_412 = arith.addi %mul3A_10, %mul3A_411 : i32
      %dma_wait3A_413 = tpu.memref_slice %arg3[%add3A_412] : memref<322560xi32, #tpu.memory_space<hbm>> -> memref<64xi32, #tpu.memory_space<hbm>>
      %dma_wait3A_414 = tpu.memref_slice %arg3[%add3A_412] : memref<322560xi32, #tpu.memory_space<hbm>> -> memref<64xi32, #tpu.memory_space<hbm>>
      tpu.wait_dma2 semaphore(%arg36 : memref<!tpu.dma_semaphore, #tpu.memory_space<semaphore_mem>>) src(%dma_wait3A_414 : memref<64xi32, #tpu.memory_space<hbm>>) dst(%arg10 : memref<64xi32, #tpu.memory_space<vmem>>)
      %dma_start3A_415 = arith.constant 0 : i32
      %dma_start3A_416 = arith.constant 0 : i32
      %dma_start3A_417 = tpu.memref_slice %arg2[%dma_start3A_415, %dma_start3A_416] : memref<80000x128xf32, #tpu.memory_space<hbm>> -> memref<80000x128xf32, #tpu.memory_space<hbm>>
      tpu.enqueue_indirect_dma source(%dma_start3A_417 : memref<80000x128xf32, #tpu.memory_space<hbm>>) target(%arg20 : memref<64x128xf32, #tpu.memory_space<vmem>>) offsets(%arg10 : memref<64xi32, #tpu.memory_space<vmem>>) semaphore(%arg26 : memref<!tpu.dma_semaphore, #tpu.memory_space<semaphore_mem>>)
      %dma_wait3A_418 = arith.constant 0 : i32
      %dma_wait3A_419 = arith.constant 0 : i32
      %dma_wait3A_420 = tpu.memref_slice %arg22[%dma_wait3A_418, %dma_wait3A_419] : memref<10112x128xf32, #tpu.memory_space<vmem_shared>> -> memref<10112x128xf32, #tpu.memory_space<vmem_shared>>
      tpu.wait_indirect_dma semaphore(%arg32 : memref<!tpu.dma_semaphore, #tpu.memory_space<semaphore_mem>>) src(%arg21 : memref<64x128xf32, #tpu.memory_space<vmem>>) dst(%dma_wait3A_420 : memref<10112x128xf32, #tpu.memory_space<vmem_shared>>)
      %add3A_421 = arith.constant 5 : i32
      %add3A_422 = arith.addi %mul3A_211, %add3A_421 : i32
      %add3A_423 = arith.constant 4 : i32
      %add3A_424 = arith.addi %add3A_422, %add3A_423 : i32
      %mul3A_425 = arith.constant 64 : i32
      %mul3A_426 = arith.muli %add3A_424, %mul3A_425 : i32
      %add3A_427 = arith.addi %mul3A_10, %mul3A_426 : i32
      %dma_start3A_428 = tpu.memref_slice %arg4[%add3A_427] : memref<322560xi32, #tpu.memory_space<hbm>> -> memref<64xi32, #tpu.memory_space<hbm>>
      %dma_start3A_429 = tpu.memref_slice %arg4[%add3A_427] : memref<322560xi32, #tpu.memory_space<hbm>> -> memref<64xi32, #tpu.memory_space<hbm>>
      tpu.enqueue_dma source(%dma_start3A_429 : memref<64xi32, #tpu.memory_space<hbm>>) target(%arg16 : memref<64xi32, #tpu.memory_space<vmem>>) target_semaphore(%arg42 : memref<!tpu.dma_semaphore, #tpu.memory_space<semaphore_mem>>)
      %add3A_430 = arith.constant 5 : i32
      %add3A_431 = arith.addi %mul3A_211, %add3A_430 : i32
      %add3A_432 = arith.constant 4 : i32
      %add3A_433 = arith.addi %add3A_431, %add3A_432 : i32
      %mul3A_434 = arith.constant 64 : i32
      %mul3A_435 = arith.muli %add3A_433, %mul3A_434 : i32
      %add3A_436 = arith.addi %mul3A_10, %mul3A_435 : i32
      %dma_wait3A_437 = tpu.memref_slice %arg3[%add3A_436] : memref<322560xi32, #tpu.memory_space<hbm>> -> memref<64xi32, #tpu.memory_space<hbm>>
      %dma_wait3A_438 = tpu.memref_slice %arg3[%add3A_436] : memref<322560xi32, #tpu.memory_space<hbm>> -> memref<64xi32, #tpu.memory_space<hbm>>
      tpu.wait_dma2 semaphore(%arg37 : memref<!tpu.dma_semaphore, #tpu.memory_space<semaphore_mem>>) src(%dma_wait3A_438 : memref<64xi32, #tpu.memory_space<hbm>>) dst(%arg11 : memref<64xi32, #tpu.memory_space<vmem>>)
      %dma_start3A_439 = arith.constant 0 : i32
      %dma_start3A_440 = arith.constant 0 : i32
      %dma_start3A_441 = tpu.memref_slice %arg2[%dma_start3A_439, %dma_start3A_440] : memref<80000x128xf32, #tpu.memory_space<hbm>> -> memref<80000x128xf32, #tpu.memory_space<hbm>>
      tpu.enqueue_indirect_dma source(%dma_start3A_441 : memref<80000x128xf32, #tpu.memory_space<hbm>>) target(%arg21 : memref<64x128xf32, #tpu.memory_space<vmem>>) offsets(%arg11 : memref<64xi32, #tpu.memory_space<vmem>>) semaphore(%arg27 : memref<!tpu.dma_semaphore, #tpu.memory_space<semaphore_mem>>)
    }
    %dma_wait3A_115 = arith.constant 0 : i32
    %dma_wait3A_116 = arith.constant 0 : i32
    %dma_wait3A_117 = tpu.memref_slice %arg2[%dma_wait3A_115, %dma_wait3A_116] : memref<80000x128xf32, #tpu.memory_space<hbm>> -> memref<80000x128xf32, #tpu.memory_space<hbm>>
    tpu.wait_indirect_dma semaphore(%arg23 : memref<!tpu.dma_semaphore, #tpu.memory_space<semaphore_mem>>) src(%dma_wait3A_117 : memref<80000x128xf32, #tpu.memory_space<hbm>>) dst(%arg17 : memref<64x128xf32, #tpu.memory_space<vmem>>)
    %sub3A_118 = arith.constant 5 : i32
    %sub3A_119 = arith.subi %select_n3A, %sub3A_118 : i32
    %add3A_120 = arith.constant 0 : i32
    %add3A_121 = arith.addi %sub3A_119, %add3A_120 : i32
    %mul3A_122 = arith.constant 64 : i32
    %mul3A_123 = arith.muli %add3A_121, %mul3A_122 : i32
    %add3A_124 = arith.addi %mul3A_10, %mul3A_123 : i32
    %dma_wait3A_125 = tpu.memref_slice %arg4[%add3A_124] : memref<322560xi32, #tpu.memory_space<hbm>> -> memref<64xi32, #tpu.memory_space<hbm>>
    %dma_wait3A_126 = tpu.memref_slice %arg4[%add3A_124] : memref<322560xi32, #tpu.memory_space<hbm>> -> memref<64xi32, #tpu.memory_space<hbm>>
    tpu.wait_dma2 semaphore(%arg38 : memref<!tpu.dma_semaphore, #tpu.memory_space<semaphore_mem>>) src(%dma_wait3A_126 : memref<64xi32, #tpu.memory_space<hbm>>) dst(%arg12 : memref<64xi32, #tpu.memory_space<vmem>>)
    %dma_start3A_127 = arith.constant 0 : i32
    %dma_start3A_128 = arith.constant 0 : i32
    %dma_start3A_129 = tpu.memref_slice %arg22[%dma_start3A_127, %dma_start3A_128] : memref<10112x128xf32, #tpu.memory_space<vmem_shared>> -> memref<10112x128xf32, #tpu.memory_space<vmem_shared>>
    tpu.enqueue_indirect_dma source(%arg17 : memref<64x128xf32, #tpu.memory_space<vmem>>) target(%dma_start3A_129 : memref<10112x128xf32, #tpu.memory_space<vmem_shared>>) offsets(%arg12 : memref<64xi32, #tpu.memory_space<vmem>>) semaphore(%arg28 : memref<!tpu.dma_semaphore, #tpu.memory_space<semaphore_mem>>) {add = true}
    %dma_wait3A_130 = arith.constant 0 : i32
    %dma_wait3A_131 = arith.constant 0 : i32
    %dma_wait3A_132 = tpu.memref_slice %arg2[%dma_wait3A_130, %dma_wait3A_131] : memref<80000x128xf32, #tpu.memory_space<hbm>> -> memref<80000x128xf32, #tpu.memory_space<hbm>>
    tpu.wait_indirect_dma semaphore(%arg24 : memref<!tpu.dma_semaphore, #tpu.memory_space<semaphore_mem>>) src(%dma_wait3A_132 : memref<80000x128xf32, #tpu.memory_space<hbm>>) dst(%arg18 : memref<64x128xf32, #tpu.memory_space<vmem>>)
    %sub3A_133 = arith.constant 5 : i32
    %sub3A_134 = arith.subi %select_n3A, %sub3A_133 : i32
    %add3A_135 = arith.constant 1 : i32
    %add3A_136 = arith.addi %sub3A_134, %add3A_135 : i32
    %mul3A_137 = arith.constant 64 : i32
    %mul3A_138 = arith.muli %add3A_136, %mul3A_137 : i32
    %add3A_139 = arith.addi %mul3A_10, %mul3A_138 : i32
    %dma_wait3A_140 = tpu.memref_slice %arg4[%add3A_139] : memref<322560xi32, #tpu.memory_space<hbm>> -> memref<64xi32, #tpu.memory_space<hbm>>
    %dma_wait3A_141 = tpu.memref_slice %arg4[%add3A_139] : memref<322560xi32, #tpu.memory_space<hbm>> -> memref<64xi32, #tpu.memory_space<hbm>>
    tpu.wait_dma2 semaphore(%arg39 : memref<!tpu.dma_semaphore, #tpu.memory_space<semaphore_mem>>) src(%dma_wait3A_141 : memref<64xi32, #tpu.memory_space<hbm>>) dst(%arg13 : memref<64xi32, #tpu.memory_space<vmem>>)
    %dma_start3A_142 = arith.constant 0 : i32
    %dma_start3A_143 = arith.constant 0 : i32
    %dma_start3A_144 = tpu.memref_slice %arg22[%dma_start3A_142, %dma_start3A_143] : memref<10112x128xf32, #tpu.memory_space<vmem_shared>> -> memref<10112x128xf32, #tpu.memory_space<vmem_shared>>
    tpu.enqueue_indirect_dma source(%arg18 : memref<64x128xf32, #tpu.memory_space<vmem>>) target(%dma_start3A_144 : memref<10112x128xf32, #tpu.memory_space<vmem_shared>>) offsets(%arg13 : memref<64xi32, #tpu.memory_space<vmem>>) semaphore(%arg29 : memref<!tpu.dma_semaphore, #tpu.memory_space<semaphore_mem>>) {add = true}
    %dma_wait3A_145 = arith.constant 0 : i32
    %dma_wait3A_146 = arith.constant 0 : i32
    %dma_wait3A_147 = tpu.memref_slice %arg2[%dma_wait3A_145, %dma_wait3A_146] : memref<80000x128xf32, #tpu.memory_space<hbm>> -> memref<80000x128xf32, #tpu.memory_space<hbm>>
    tpu.wait_indirect_dma semaphore(%arg25 : memref<!tpu.dma_semaphore, #tpu.memory_space<semaphore_mem>>) src(%dma_wait3A_147 : memref<80000x128xf32, #tpu.memory_space<hbm>>) dst(%arg19 : memref<64x128xf32, #tpu.memory_space<vmem>>)
    %sub3A_148 = arith.constant 5 : i32
    %sub3A_149 = arith.subi %select_n3A, %sub3A_148 : i32
    %add3A_150 = arith.constant 2 : i32
    %add3A_151 = arith.addi %sub3A_149, %add3A_150 : i32
    %mul3A_152 = arith.constant 64 : i32
    %mul3A_153 = arith.muli %add3A_151, %mul3A_152 : i32
    %add3A_154 = arith.addi %mul3A_10, %mul3A_153 : i32
    %dma_wait3A_155 = tpu.memref_slice %arg4[%add3A_154] : memref<322560xi32, #tpu.memory_space<hbm>> -> memref<64xi32, #tpu.memory_space<hbm>>
    %dma_wait3A_156 = tpu.memref_slice %arg4[%add3A_154] : memref<322560xi32, #tpu.memory_space<hbm>> -> memref<64xi32, #tpu.memory_space<hbm>>
    tpu.wait_dma2 semaphore(%arg40 : memref<!tpu.dma_semaphore, #tpu.memory_space<semaphore_mem>>) src(%dma_wait3A_156 : memref<64xi32, #tpu.memory_space<hbm>>) dst(%arg14 : memref<64xi32, #tpu.memory_space<vmem>>)
    %dma_start3A_157 = arith.constant 0 : i32
    %dma_start3A_158 = arith.constant 0 : i32
    %dma_start3A_159 = tpu.memref_slice %arg22[%dma_start3A_157, %dma_start3A_158] : memref<10112x128xf32, #tpu.memory_space<vmem_shared>> -> memref<10112x128xf32, #tpu.memory_space<vmem_shared>>
    tpu.enqueue_indirect_dma source(%arg19 : memref<64x128xf32, #tpu.memory_space<vmem>>) target(%dma_start3A_159 : memref<10112x128xf32, #tpu.memory_space<vmem_shared>>) offsets(%arg14 : memref<64xi32, #tpu.memory_space<vmem>>) semaphore(%arg30 : memref<!tpu.dma_semaphore, #tpu.memory_space<semaphore_mem>>) {add = true}
    %dma_wait3A_160 = arith.constant 0 : i32
    %dma_wait3A_161 = arith.constant 0 : i32
    %dma_wait3A_162 = tpu.memref_slice %arg2[%dma_wait3A_160, %dma_wait3A_161] : memref<80000x128xf32, #tpu.memory_space<hbm>> -> memref<80000x128xf32, #tpu.memory_space<hbm>>
    tpu.wait_indirect_dma semaphore(%arg26 : memref<!tpu.dma_semaphore, #tpu.memory_space<semaphore_mem>>) src(%dma_wait3A_162 : memref<80000x128xf32, #tpu.memory_space<hbm>>) dst(%arg20 : memref<64x128xf32, #tpu.memory_space<vmem>>)
    %sub3A_163 = arith.constant 5 : i32
    %sub3A_164 = arith.subi %select_n3A, %sub3A_163 : i32
    %add3A_165 = arith.constant 3 : i32
    %add3A_166 = arith.addi %sub3A_164, %add3A_165 : i32
    %mul3A_167 = arith.constant 64 : i32
    %mul3A_168 = arith.muli %add3A_166, %mul3A_167 : i32
    %add3A_169 = arith.addi %mul3A_10, %mul3A_168 : i32
    %dma_wait3A_170 = tpu.memref_slice %arg4[%add3A_169] : memref<322560xi32, #tpu.memory_space<hbm>> -> memref<64xi32, #tpu.memory_space<hbm>>
    %dma_wait3A_171 = tpu.memref_slice %arg4[%add3A_169] : memref<322560xi32, #tpu.memory_space<hbm>> -> memref<64xi32, #tpu.memory_space<hbm>>
    tpu.wait_dma2 semaphore(%arg41 : memref<!tpu.dma_semaphore, #tpu.memory_space<semaphore_mem>>) src(%dma_wait3A_171 : memref<64xi32, #tpu.memory_space<hbm>>) dst(%arg15 : memref<64xi32, #tpu.memory_space<vmem>>)
    %dma_start3A_172 = arith.constant 0 : i32
    %dma_start3A_173 = arith.constant 0 : i32
    %dma_start3A_174 = tpu.memref_slice %arg22[%dma_start3A_172, %dma_start3A_173] : memref<10112x128xf32, #tpu.memory_space<vmem_shared>> -> memref<10112x128xf32, #tpu.memory_space<vmem_shared>>
    tpu.enqueue_indirect_dma source(%arg20 : memref<64x128xf32, #tpu.memory_space<vmem>>) target(%dma_start3A_174 : memref<10112x128xf32, #tpu.memory_space<vmem_shared>>) offsets(%arg15 : memref<64xi32, #tpu.memory_space<vmem>>) semaphore(%arg31 : memref<!tpu.dma_semaphore, #tpu.memory_space<semaphore_mem>>) {add = true}
    %dma_wait3A_175 = arith.constant 0 : i32
    %dma_wait3A_176 = arith.constant 0 : i32
    %dma_wait3A_177 = tpu.memref_slice %arg2[%dma_wait3A_175, %dma_wait3A_176] : memref<80000x128xf32, #tpu.memory_space<hbm>> -> memref<80000x128xf32, #tpu.memory_space<hbm>>
    tpu.wait_indirect_dma semaphore(%arg27 : memref<!tpu.dma_semaphore, #tpu.memory_space<semaphore_mem>>) src(%dma_wait3A_177 : memref<80000x128xf32, #tpu.memory_space<hbm>>) dst(%arg21 : memref<64x128xf32, #tpu.memory_space<vmem>>)
    %sub3A_178 = arith.constant 5 : i32
    %sub3A_179 = arith.subi %select_n3A, %sub3A_178 : i32
    %add3A_180 = arith.constant 4 : i32
    %add3A_181 = arith.addi %sub3A_179, %add3A_180 : i32
    %mul3A_182 = arith.constant 64 : i32
    %mul3A_183 = arith.muli %add3A_181, %mul3A_182 : i32
    %add3A_184 = arith.addi %mul3A_10, %mul3A_183 : i32
    %dma_wait3A_185 = tpu.memref_slice %arg4[%add3A_184] : memref<322560xi32, #tpu.memory_space<hbm>> -> memref<64xi32, #tpu.memory_space<hbm>>
    %dma_wait3A_186 = tpu.memref_slice %arg4[%add3A_184] : memref<322560xi32, #tpu.memory_space<hbm>> -> memref<64xi32, #tpu.memory_space<hbm>>
    tpu.wait_dma2 semaphore(%arg42 : memref<!tpu.dma_semaphore, #tpu.memory_space<semaphore_mem>>) src(%dma_wait3A_186 : memref<64xi32, #tpu.memory_space<hbm>>) dst(%arg16 : memref<64xi32, #tpu.memory_space<vmem>>)
    %dma_start3A_187 = arith.constant 0 : i32
    %dma_start3A_188 = arith.constant 0 : i32
    %dma_start3A_189 = tpu.memref_slice %arg22[%dma_start3A_187, %dma_start3A_188] : memref<10112x128xf32, #tpu.memory_space<vmem_shared>> -> memref<10112x128xf32, #tpu.memory_space<vmem_shared>>
    tpu.enqueue_indirect_dma source(%arg21 : memref<64x128xf32, #tpu.memory_space<vmem>>) target(%dma_start3A_189 : memref<10112x128xf32, #tpu.memory_space<vmem_shared>>) offsets(%arg16 : memref<64xi32, #tpu.memory_space<vmem>>) semaphore(%arg32 : memref<!tpu.dma_semaphore, #tpu.memory_space<semaphore_mem>>) {add = true}
    %dma_wait3A_190 = arith.constant 0 : i32
    %dma_wait3A_191 = arith.constant 0 : i32
    %dma_wait3A_192 = tpu.memref_slice %arg22[%dma_wait3A_190, %dma_wait3A_191] : memref<10112x128xf32, #tpu.memory_space<vmem_shared>> -> memref<10112x128xf32, #tpu.memory_space<vmem_shared>>
    tpu.wait_indirect_dma semaphore(%arg28 : memref<!tpu.dma_semaphore, #tpu.memory_space<semaphore_mem>>) src(%arg17 : memref<64x128xf32, #tpu.memory_space<vmem>>) dst(%dma_wait3A_192 : memref<10112x128xf32, #tpu.memory_space<vmem_shared>>)
    %dma_wait3A_193 = arith.constant 0 : i32
    %dma_wait3A_194 = arith.constant 0 : i32
    %dma_wait3A_195 = tpu.memref_slice %arg22[%dma_wait3A_193, %dma_wait3A_194] : memref<10112x128xf32, #tpu.memory_space<vmem_shared>> -> memref<10112x128xf32, #tpu.memory_space<vmem_shared>>
    tpu.wait_indirect_dma semaphore(%arg29 : memref<!tpu.dma_semaphore, #tpu.memory_space<semaphore_mem>>) src(%arg18 : memref<64x128xf32, #tpu.memory_space<vmem>>) dst(%dma_wait3A_195 : memref<10112x128xf32, #tpu.memory_space<vmem_shared>>)
    %dma_wait3A_196 = arith.constant 0 : i32
    %dma_wait3A_197 = arith.constant 0 : i32
    %dma_wait3A_198 = tpu.memref_slice %arg22[%dma_wait3A_196, %dma_wait3A_197] : memref<10112x128xf32, #tpu.memory_space<vmem_shared>> -> memref<10112x128xf32, #tpu.memory_space<vmem_shared>>
    tpu.wait_indirect_dma semaphore(%arg30 : memref<!tpu.dma_semaphore, #tpu.memory_space<semaphore_mem>>) src(%arg19 : memref<64x128xf32, #tpu.memory_space<vmem>>) dst(%dma_wait3A_198 : memref<10112x128xf32, #tpu.memory_space<vmem_shared>>)
    %dma_wait3A_199 = arith.constant 0 : i32
    %dma_wait3A_200 = arith.constant 0 : i32
    %dma_wait3A_201 = tpu.memref_slice %arg22[%dma_wait3A_199, %dma_wait3A_200] : memref<10112x128xf32, #tpu.memory_space<vmem_shared>> -> memref<10112x128xf32, #tpu.memory_space<vmem_shared>>
    tpu.wait_indirect_dma semaphore(%arg31 : memref<!tpu.dma_semaphore, #tpu.memory_space<semaphore_mem>>) src(%arg20 : memref<64x128xf32, #tpu.memory_space<vmem>>) dst(%dma_wait3A_201 : memref<10112x128xf32, #tpu.memory_space<vmem_shared>>)
    %dma_wait3A_202 = arith.constant 0 : i32
    %dma_wait3A_203 = arith.constant 0 : i32
    %dma_wait3A_204 = tpu.memref_slice %arg22[%dma_wait3A_202, %dma_wait3A_203] : memref<10112x128xf32, #tpu.memory_space<vmem_shared>> -> memref<10112x128xf32, #tpu.memory_space<vmem_shared>>
    tpu.wait_indirect_dma semaphore(%arg32 : memref<!tpu.dma_semaphore, #tpu.memory_space<semaphore_mem>>) src(%arg21 : memref<64x128xf32, #tpu.memory_space<vmem>>) dst(%dma_wait3A_204 : memref<10112x128xf32, #tpu.memory_space<vmem_shared>>)
    %barrier3A_205 = arith.constant 0 : index
    tpu.barrier barrier_id(%barrier3A_205)
    "tpu.trace_stop"() : () -> ()
    "tpu.trace_start"() <{level = 10 : i32, message = "sc_out"}> : () -> ()
    %mul3A_206 = arith.constant 632 : i32
    %mul3A_207 = arith.muli %arg1, %mul3A_206 : i32
    %multiple_of3A_208 = tpu.assume_multiple %mul3A_207, 8 : i32
    "tpu.region"() ({
      %run_scoped3A = tpu.sem_alloc : memref<!tpu.dma_semaphore, #tpu.memory_space<semaphore_mem>>
      %dma_start3A_209 = arith.constant 0 : i32
      %dma_start3A_210 = tpu.memref_slice %arg6[%arg0, %multiple_of3A_208, %dma_start3A_209] : memref<2x10112x128xf32, #tpu.memory_space<hbm>> -> memref<1x632x128xf32, #tpu.memory_space<hbm>>
      %dma_start3A_211 = tpu.memref_squeeze %dma_start3A_210 : memref<1x632x128xf32, #tpu.memory_space<hbm>> -> memref<632x128xf32, #tpu.memory_space<hbm>>
      %dma_start3A_212 = arith.constant 0 : i32
      %dma_start3A_213 = tpu.memref_slice %arg22[%multiple_of3A_208, %dma_start3A_212] : memref<10112x128xf32, #tpu.memory_space<vmem_shared>> -> memref<632x128xf32, #tpu.memory_space<vmem_shared>>
      tpu.enqueue_dma source(%dma_start3A_213 : memref<632x128xf32, #tpu.memory_space<vmem_shared>>) target(%dma_start3A_211 : memref<632x128xf32, #tpu.memory_space<hbm>>) target_semaphore(%run_scoped3A : memref<!tpu.dma_semaphore, #tpu.memory_space<semaphore_mem>>)
      %dma_wait3A_214 = arith.constant 0 : i32
      %dma_wait3A_215 = tpu.memref_slice %arg6[%arg0, %multiple_of3A_208, %dma_wait3A_214] : memref<2x10112x128xf32, #tpu.memory_space<hbm>> -> memref<1x632x128xf32, #tpu.memory_space<hbm>>
      %dma_wait3A_216 = tpu.memref_squeeze %dma_wait3A_215 : memref<1x632x128xf32, #tpu.memory_space<hbm>> -> memref<632x128xf32, #tpu.memory_space<hbm>>
      %dma_wait3A_217 = arith.constant 0 : i32
      %dma_wait3A_218 = tpu.memref_slice %arg22[%multiple_of3A_208, %dma_wait3A_217] : memref<10112x128xf32, #tpu.memory_space<vmem_shared>> -> memref<632x128xf32, #tpu.memory_space<vmem_shared>>
      tpu.wait_dma2 semaphore(%run_scoped3A : memref<!tpu.dma_semaphore, #tpu.memory_space<semaphore_mem>>) src(%dma_wait3A_218 : memref<632x128xf32, #tpu.memory_space<vmem_shared>>) dst(%dma_wait3A_216 : memref<632x128xf32, #tpu.memory_space<hbm>>)
      tpu.yield
    }) : () -> ()
    "tpu.trace_stop"() : () -> ()
    return
  }
}

module attributes {stable_mosaic.version = 14 : i64} {
  func.func @_prep_body(%arg0: memref<10000x9xi32, #tpu.memory_space<vmem>>, %arg1: memref<9x2x128xf32, #tpu.memory_space<vmem>>, %arg2: memref<3x5040x64xi32, #tpu.memory_space<vmem>>, %arg3: memref<5040x64xi32, #tpu.memory_space<vmem>>, %arg4: memref<10000x128xf32, #tpu.memory_space<vmem>>, %arg5: memref<5040x64xi32, #tpu.memory_space<vmem>>) attributes {dimension_semantics = [], scalar_prefetch = 0 : i64, scratch_operands = 0 : i64, tpu.core_type = #tpu.core_type<tc>} {
    %get3A = arith.constant 0 : index
    %get3A_0 = arith.constant 0 : index
    %get3A_1 = arith.constant 0 : index
    %get3A_2 = vector.load %arg1[%get3A, %get3A_0, %get3A_1] : memref<9x2x128xf32, #tpu.memory_space<vmem>>, vector<9x2x128xf32>
    %slice3A = vector.extract_strided_slice %get3A_2 {offsets = [0, 1, 0], sizes = [9, 1, 128], strides = [1, 1, 1]} : vector<9x2x128xf32> to vector<9x1x128xf32>
    %squeeze3A = vector.shape_cast %slice3A : vector<9x1x128xf32> to vector<9x128xf32>
    %slice3A_3 = vector.extract_strided_slice %get3A_2 {offsets = [0, 0, 0], sizes = [9, 1, 128], strides = [1, 1, 1]} : vector<9x2x128xf32> to vector<9x1x128xf32>
    %squeeze3A_4 = vector.shape_cast %slice3A_3 : vector<9x1x128xf32> to vector<9x128xf32>
    %sub3A = arith.subf %squeeze3A, %squeeze3A_4 : vector<9x128xf32>
    %slice3A_5 = vector.extract_strided_slice %get3A_2 {offsets = [0, 0, 0], sizes = [9, 1, 128], strides = [1, 1, 1]} : vector<9x2x128xf32> to vector<9x1x128xf32>
    %squeeze3A_6 = vector.shape_cast %slice3A_5 : vector<9x1x128xf32> to vector<9x128xf32>
    %reduce_sum3A = arith.constant dense<0.000000e+00> : vector<128xf32>
    %reduce_sum3A_7 = vector.multi_reduction <add>, %squeeze3A_6, %reduce_sum3A [0] : vector<9x128xf32> to vector<128xf32>
    %broadcast_in_dim3A = vector.shape_cast %reduce_sum3A_7 : vector<128xf32> to vector<1x128xf32>
    %get3A_8 = arith.constant 0 : index
    %get3A_9 = arith.constant 0 : index
    %get3A_10 = vector.load %arg0[%get3A_8, %get3A_9] : memref<10000x9xi32, #tpu.memory_space<vmem>>, vector<10000x9xi32>
    %convert_element_type3A = arith.sitofp %get3A_10 : vector<10000x9xi32> to vector<10000x9xf32>
    %dot_general3A = arith.constant dense<0.000000e+00> : vector<10000x128xf32>
    %dot_general3A_11 = tpu.matmul %convert_element_type3A, %sub3A, %dot_general3A {dimension_numbers = #tpu.dot_dimension_numbers<[1], [0], [0], [1], [0, 0, 1, 1], [], []>, transpose_lhs_hint = false} : vector<10000x9xf32>, vector<9x128xf32>, vector<10000x128xf32> -> vector<10000x128xf32>
    %add3A = vector.broadcast %broadcast_in_dim3A : vector<1x128xf32> to vector<10000x128xf32>
    %add3A_12 = arith.addf %dot_general3A_11, %add3A : vector<10000x128xf32>
    %swap3A = arith.constant 0 : index
    %swap3A_13 = arith.constant 0 : index
    %swap3A_14 = vector.load %arg4[%swap3A, %swap3A_13] : memref<10000x128xf32, #tpu.memory_space<vmem>>, vector<10000x128xf32>
    tpu.vector_store %arg4[%swap3A, %swap3A_13], %add3A_12 {strides = array<i32>} : memref<10000x128xf32, #tpu.memory_space<vmem>>, vector<10000x128xf32>,
    %get3A_15 = arith.constant 0 : index
    %get3A_16 = arith.constant 0 : index
    %get3A_17 = arith.constant 0 : index
    %get3A_18 = vector.load %arg2[%get3A_15, %get3A_16, %get3A_17] : memref<3x5040x64xi32, #tpu.memory_space<vmem>>, vector<3x5040x64xi32>
    %slice3A_19 = vector.extract_strided_slice %get3A_18 {offsets = [0, 0, 0], sizes = [1, 5040, 64], strides = [1, 1, 1]} : vector<3x5040x64xi32> to vector<1x5040x64xi32>
    %squeeze3A_20 = vector.shape_cast %slice3A_19 : vector<1x5040x64xi32> to vector<5040x64xi32>
    %slice3A_21 = vector.extract_strided_slice %get3A_18 {offsets = [1, 0, 0], sizes = [1, 5040, 64], strides = [1, 1, 1]} : vector<3x5040x64xi32> to vector<1x5040x64xi32>
    %squeeze3A_22 = vector.shape_cast %slice3A_21 : vector<1x5040x64xi32> to vector<5040x64xi32>
    %mul3A = arith.constant 2 : i32
    %mul3A_23 = vector.broadcast %mul3A : i32 to vector<5040x64xi32>
    %mul3A_24 = arith.muli %mul3A_23, %squeeze3A_22 : vector<5040x64xi32>
    %add3A_25 = arith.addi %squeeze3A_20, %mul3A_24 : vector<5040x64xi32>
    %slice3A_26 = vector.extract_strided_slice %get3A_18 {offsets = [2, 0, 0], sizes = [1, 5040, 64], strides = [1, 1, 1]} : vector<3x5040x64xi32> to vector<1x5040x64xi32>
    %squeeze3A_27 = vector.shape_cast %slice3A_26 : vector<1x5040x64xi32> to vector<5040x64xi32>
    %mul3A_28 = arith.constant 4 : i32
    %mul3A_29 = vector.broadcast %mul3A_28 : i32 to vector<5040x64xi32>
    %mul3A_30 = arith.muli %mul3A_29, %squeeze3A_27 : vector<5040x64xi32>
    %add3A_31 = arith.addi %add3A_25, %mul3A_30 : vector<5040x64xi32>
    %mul3A_32 = arith.constant 10000 : i32
    %mul3A_33 = vector.broadcast %mul3A_32 : i32 to vector<5040x64xi32>
    %mul3A_34 = arith.muli %add3A_31, %mul3A_33 : vector<5040x64xi32>
    %get3A_35 = arith.constant 0 : index
    %get3A_36 = arith.constant 0 : index
    %get3A_37 = vector.load %arg3[%get3A_35, %get3A_36] : memref<5040x64xi32, #tpu.memory_space<vmem>>, vector<5040x64xi32>
    %add3A_38 = arith.addi %mul3A_34, %get3A_37 : vector<5040x64xi32>
    %swap3A_39 = arith.constant 0 : index
    %swap3A_40 = arith.constant 0 : index
    %swap3A_41 = vector.load %arg5[%swap3A_39, %swap3A_40] : memref<5040x64xi32, #tpu.memory_space<vmem>>, vector<5040x64xi32>
    tpu.vector_store %arg5[%swap3A_39, %swap3A_40], %add3A_38 {strides = array<i32>} : memref<5040x64xi32, #tpu.memory_space<vmem>>, vector<5040x64xi32>,
    return
  }
}

module attributes {stable_mosaic.version = 14 : i64} {
  func.func @_expand_body(%arg0: i32, %arg1: memref<10000x128xf32, #tpu.memory_space<vmem>>, %arg2: memref<3x2x128xf32, #tpu.memory_space<vmem>>, %arg3: memref<10000x128xf32, #tpu.memory_space<vmem>>) attributes {dimension_semantics = [#tpu.dimension_semantics<arbitrary>], iteration_bounds = array<i64: 8>, scalar_prefetch = 0 : i64, scratch_operands = 0 : i64, tpu.core_type = #tpu.core_type<tc>, window_params = [{pipeline_mode = #tpu.pipeline_mode<synchronous>, transform_indices = @transform_0, window_bounds = array<i64: 10000, 128>}, {pipeline_mode = #tpu.pipeline_mode<synchronous>, transform_indices = @transform_1, window_bounds = array<i64: 3, 2, 128>}, {transform_indices = @transform_2, window_bounds = array<i64: 10000, 128>}]} {
    %get3A = arith.constant 0 : index
    %get3A_0 = arith.constant 0 : index
    %get3A_1 = arith.constant 0 : index
    %get3A_2 = vector.load %arg2[%get3A, %get3A_0, %get3A_1] : memref<3x2x128xf32, #tpu.memory_space<vmem>>, vector<3x2x128xf32>
    %broadcast_in_dim3A = arith.constant 0.000000e+00 : f32
    %broadcast_in_dim3A_3 = vector.broadcast %broadcast_in_dim3A : f32 to vector<1x128xf32>
    %shift_right_arithmetic3A = arith.constant 0 : i32
    %shift_right_arithmetic3A_4 = arith.shrsi %arg0, %shift_right_arithmetic3A : i32
    %and3A = arith.constant 1 : i32
    %and3A_5 = arith.andi %shift_right_arithmetic3A_4, %and3A : i32
    %eq3A = arith.constant 1 : i32
    %eq3A_6 = arith.cmpi eq, %and3A_5, %eq3A : i32
    %slice3A = vector.extract_strided_slice %get3A_2 {offsets = [0, 1, 0], sizes = [1, 1, 128], strides = [1, 1, 1]} : vector<3x2x128xf32> to vector<1x1x128xf32>
    %squeeze3A = vector.shape_cast %slice3A : vector<1x1x128xf32> to vector<1x128xf32>
    %slice3A_7 = vector.extract_strided_slice %get3A_2 {offsets = [0, 0, 0], sizes = [1, 1, 128], strides = [1, 1, 1]} : vector<3x2x128xf32> to vector<1x1x128xf32>
    %squeeze3A_8 = vector.shape_cast %slice3A_7 : vector<1x1x128xf32> to vector<1x128xf32>
    %select_n3A = arith.select %eq3A_6, %squeeze3A, %squeeze3A_8 : vector<1x128xf32>
    %add3A = arith.addf %broadcast_in_dim3A_3, %select_n3A : vector<1x128xf32>
    %shift_right_arithmetic3A_9 = arith.constant 1 : i32
    %shift_right_arithmetic3A_10 = arith.shrsi %arg0, %shift_right_arithmetic3A_9 : i32
    %and3A_11 = arith.constant 1 : i32
    %and3A_12 = arith.andi %shift_right_arithmetic3A_10, %and3A_11 : i32
    %eq3A_13 = arith.constant 1 : i32
    %eq3A_14 = arith.cmpi eq, %and3A_12, %eq3A_13 : i32
    %slice3A_15 = vector.extract_strided_slice %get3A_2 {offsets = [1, 1, 0], sizes = [1, 1, 128], strides = [1, 1, 1]} : vector<3x2x128xf32> to vector<1x1x128xf32>
    %squeeze3A_16 = vector.shape_cast %slice3A_15 : vector<1x1x128xf32> to vector<1x128xf32>
    %slice3A_17 = vector.extract_strided_slice %get3A_2 {offsets = [1, 0, 0], sizes = [1, 1, 128], strides = [1, 1, 1]} : vector<3x2x128xf32> to vector<1x1x128xf32>
    %squeeze3A_18 = vector.shape_cast %slice3A_17 : vector<1x1x128xf32> to vector<1x128xf32>
    %select_n3A_19 = arith.select %eq3A_14, %squeeze3A_16, %squeeze3A_18 : vector<1x128xf32>
    %add3A_20 = arith.addf %add3A, %select_n3A_19 : vector<1x128xf32>
    %shift_right_arithmetic3A_21 = arith.constant 2 : i32
    %shift_right_arithmetic3A_22 = arith.shrsi %arg0, %shift_right_arithmetic3A_21 : i32
    %and3A_23 = arith.constant 1 : i32
    %and3A_24 = arith.andi %shift_right_arithmetic3A_22, %and3A_23 : i32
    %eq3A_25 = arith.constant 1 : i32
    %eq3A_26 = arith.cmpi eq, %and3A_24, %eq3A_25 : i32
    %slice3A_27 = vector.extract_strided_slice %get3A_2 {offsets = [2, 1, 0], sizes = [1, 1, 128], strides = [1, 1, 1]} : vector<3x2x128xf32> to vector<1x1x128xf32>
    %squeeze3A_28 = vector.shape_cast %slice3A_27 : vector<1x1x128xf32> to vector<1x128xf32>
    %slice3A_29 = vector.extract_strided_slice %get3A_2 {offsets = [2, 0, 0], sizes = [1, 1, 128], strides = [1, 1, 1]} : vector<3x2x128xf32> to vector<1x1x128xf32>
    %squeeze3A_30 = vector.shape_cast %slice3A_29 : vector<1x1x128xf32> to vector<1x128xf32>
    %select_n3A_31 = arith.select %eq3A_26, %squeeze3A_28, %squeeze3A_30 : vector<1x128xf32>
    %add3A_32 = arith.addf %add3A_20, %select_n3A_31 : vector<1x128xf32>
    %get3A_33 = arith.constant 0 : index
    %get3A_34 = arith.constant 0 : index
    %get3A_35 = vector.load %arg1[%get3A_33, %get3A_34] : memref<10000x128xf32, #tpu.memory_space<vmem>>, vector<10000x128xf32>
    %add3A_36 = vector.broadcast %add3A_32 : vector<1x128xf32> to vector<10000x128xf32>
    %add3A_37 = arith.addf %get3A_35, %add3A_36 : vector<10000x128xf32>
    %max3A = arith.constant 0.000000e+00 : f32
    %max3A_38 = vector.broadcast %max3A : f32 to vector<10000x128xf32>
    %max3A_39 = arith.maximumf %add3A_37, %max3A_38 : vector<10000x128xf32>
    %swap3A = arith.constant 0 : index
    %swap3A_40 = arith.constant 0 : index
    %swap3A_41 = vector.load %arg3[%swap3A, %swap3A_40] : memref<10000x128xf32, #tpu.memory_space<vmem>>, vector<10000x128xf32>
    tpu.vector_store %arg3[%swap3A, %swap3A_40], %max3A_39 {strides = array<i32>} : memref<10000x128xf32, #tpu.memory_space<vmem>>, vector<10000x128xf32>,
    return
  }
  func.func @transform_0(%arg0: i32) -> (i32, i32) {
    %c0_i32 = arith.constant 0 : i32
    %c0_i32_0 = arith.constant 0 : i32
    %c0_i32_1 = arith.constant 0 : i32
    return %c0_i32, %c0_i32_0 : i32, i32
  }
  func.func @transform_1(%arg0: i32) -> (i32, i32, i32) {
    %c0_i32 = arith.constant 0 : i32
    %c0_i32_0 = arith.constant 0 : i32
    %c0_i32_1 = arith.constant 0 : i32
    %c0_i32_2 = arith.constant 0 : i32
    return %c0_i32, %c0_i32_0, %c0_i32_1 : i32, i32, i32
  }
  func.func @transform_2(%arg0: i32) -> (i32, i32) {
    %c0_i32 = arith.constant 0 : i32
    %c0_i32_0 = arith.constant 0 : i32
    return %arg0, %c0_i32 : i32, i32
  }
}

module attributes {stable_mosaic.version = 14 : i64} {
  func.func @_mlp_body(%arg0: memref<2x10112x128xf32, #tpu.memory_space<vmem>>, %arg1: memref<10000x128xf32, #tpu.memory_space<vmem>>, %arg2: memref<128x256xf32, #tpu.memory_space<vmem>>, %arg3: memref<1x256xf32, #tpu.memory_space<vmem>>, %arg4: memref<1x256xf32, #tpu.memory_space<vmem>>, %arg5: memref<1x256xf32, #tpu.memory_space<vmem>>, %arg6: memref<256x128xf32, #tpu.memory_space<vmem>>, %arg7: memref<1x128xf32, #tpu.memory_space<vmem>>, %arg8: memref<10000x128xf32, #tpu.memory_space<vmem>>) attributes {dimension_semantics = [], scalar_prefetch = 0 : i64, scratch_operands = 0 : i64, tpu.core_type = #tpu.core_type<tc>} {
    %get3A = arith.constant 0 : index
    %get3A_0 = arith.constant 0 : index
    %get3A_1 = arith.constant 0 : index
    %get3A_2 = vector.load %arg0[%get3A, %get3A_0, %get3A_1] : memref<2x10112x128xf32, #tpu.memory_space<vmem>>, vector<1x10000x128xf32>
    %get3A_3 = vector.shape_cast %get3A_2 : vector<1x10000x128xf32> to vector<10000x128xf32>
    %get3A_4 = arith.constant 1 : index
    %get3A_5 = arith.constant 0 : index
    %get3A_6 = arith.constant 0 : index
    %get3A_7 = vector.load %arg0[%get3A_4, %get3A_5, %get3A_6] : memref<2x10112x128xf32, #tpu.memory_space<vmem>>, vector<1x10000x128xf32>
    %get3A_8 = vector.shape_cast %get3A_7 : vector<1x10000x128xf32> to vector<10000x128xf32>
    %add3A = arith.addf %get3A_3, %get3A_8 : vector<10000x128xf32>
    %get3A_9 = arith.constant 0 : index
    %get3A_10 = arith.constant 0 : index
    %get3A_11 = vector.load %arg1[%get3A_9, %get3A_10] : memref<10000x128xf32, #tpu.memory_space<vmem>>, vector<10000x128xf32>
    %add3A_12 = arith.addf %add3A, %get3A_11 : vector<10000x128xf32>
    %get3A_13 = arith.constant 0 : index
    %get3A_14 = arith.constant 0 : index
    %get3A_15 = vector.load %arg2[%get3A_13, %get3A_14] : memref<128x256xf32, #tpu.memory_space<vmem>>, vector<128x256xf32>
    %dot_general3A = arith.constant dense<0.000000e+00> : vector<10000x256xf32>
    %dot_general3A_16 = tpu.matmul %add3A_12, %get3A_15, %dot_general3A {dimension_numbers = #tpu.dot_dimension_numbers<[1], [0], [0], [1], [0, 0, 1, 1], [], []>, transpose_lhs_hint = false} : vector<10000x128xf32>, vector<128x256xf32>, vector<10000x256xf32> -> vector<10000x256xf32>
    %get3A_17 = arith.constant 0 : index
    %get3A_18 = arith.constant 0 : index
    %get3A_19 = vector.load %arg3[%get3A_17, %get3A_18] : memref<1x256xf32, #tpu.memory_space<vmem>>, vector<1x256xf32>
    %add3A_20 = vector.broadcast %get3A_19 : vector<1x256xf32> to vector<10000x256xf32>
    %add3A_21 = arith.addf %dot_general3A_16, %add3A_20 : vector<10000x256xf32>
    %reduce_sum3A = arith.constant dense<0.000000e+00> : vector<256xf32>
    %reduce_sum3A_22 = vector.multi_reduction <add>, %add3A_21, %reduce_sum3A [0] : vector<10000x256xf32> to vector<256xf32>
    %broadcast_in_dim3A = vector.shape_cast %reduce_sum3A_22 : vector<256xf32> to vector<1x256xf32>
    %div3A = arith.constant 1.000000e+04 : f32
    %div3A_23 = vector.broadcast %div3A : f32 to vector<1x256xf32>
    %div3A_24 = arith.divf %broadcast_in_dim3A, %div3A_23 : vector<1x256xf32>
    %sub3A = vector.broadcast %div3A_24 : vector<1x256xf32> to vector<10000x256xf32>
    %sub3A_25 = arith.subf %add3A_21, %sub3A : vector<10000x256xf32>
    %sub3A_26 = vector.broadcast %div3A_24 : vector<1x256xf32> to vector<10000x256xf32>
    %sub3A_27 = arith.subf %add3A_21, %sub3A_26 : vector<10000x256xf32>
    %mul3A = arith.mulf %sub3A_25, %sub3A_27 : vector<10000x256xf32>
    %reduce_sum3A_28 = arith.constant dense<0.000000e+00> : vector<256xf32>
    %reduce_sum3A_29 = vector.multi_reduction <add>, %mul3A, %reduce_sum3A_28 [0] : vector<10000x256xf32> to vector<256xf32>
    %broadcast_in_dim3A_30 = vector.shape_cast %reduce_sum3A_29 : vector<256xf32> to vector<1x256xf32>
    %div3A_31 = arith.constant 1.000000e+04 : f32
    %div3A_32 = vector.broadcast %div3A_31 : f32 to vector<1x256xf32>
    %div3A_33 = arith.divf %broadcast_in_dim3A_30, %div3A_32 : vector<1x256xf32>
    %get3A_34 = arith.constant 0 : index
    %get3A_35 = arith.constant 0 : index
    %get3A_36 = vector.load %arg4[%get3A_34, %get3A_35] : memref<1x256xf32, #tpu.memory_space<vmem>>, vector<1x256xf32>
    %sub3A_37 = vector.broadcast %div3A_24 : vector<1x256xf32> to vector<10000x256xf32>
    %sub3A_38 = arith.subf %add3A_21, %sub3A_37 : vector<10000x256xf32>
    %mul3A_39 = vector.broadcast %get3A_36 : vector<1x256xf32> to vector<10000x256xf32>
    %mul3A_40 = arith.mulf %mul3A_39, %sub3A_38 : vector<10000x256xf32>
    %add3A_41 = arith.constant 9.99999974E-6 : f32
    %add3A_42 = vector.broadcast %add3A_41 : f32 to vector<1x256xf32>
    %add3A_43 = arith.addf %div3A_33, %add3A_42 : vector<1x256xf32>
    %rsqrt3A = math.rsqrt %add3A_43 : vector<1x256xf32>
    %mul3A_44 = vector.broadcast %rsqrt3A : vector<1x256xf32> to vector<10000x256xf32>
    %mul3A_45 = arith.mulf %mul3A_40, %mul3A_44 : vector<10000x256xf32>
    %get3A_46 = arith.constant 0 : index
    %get3A_47 = arith.constant 0 : index
    %get3A_48 = vector.load %arg5[%get3A_46, %get3A_47] : memref<1x256xf32, #tpu.memory_space<vmem>>, vector<1x256xf32>
    %add3A_49 = vector.broadcast %get3A_48 : vector<1x256xf32> to vector<10000x256xf32>
    %add3A_50 = arith.addf %mul3A_45, %add3A_49 : vector<10000x256xf32>
    %max3A = arith.constant 0.000000e+00 : f32
    %max3A_51 = vector.broadcast %max3A : f32 to vector<10000x256xf32>
    %max3A_52 = arith.maximumf %add3A_50, %max3A_51 : vector<10000x256xf32>
    %get3A_53 = arith.constant 0 : index
    %get3A_54 = arith.constant 0 : index
    %get3A_55 = vector.load %arg6[%get3A_53, %get3A_54] : memref<256x128xf32, #tpu.memory_space<vmem>>, vector<256x128xf32>
    %dot_general3A_56 = arith.constant dense<0.000000e+00> : vector<10000x128xf32>
    %dot_general3A_57 = tpu.matmul %max3A_52, %get3A_55, %dot_general3A_56 {dimension_numbers = #tpu.dot_dimension_numbers<[1], [0], [0], [1], [0, 0, 1, 1], [], []>, transpose_lhs_hint = false} : vector<10000x256xf32>, vector<256x128xf32>, vector<10000x128xf32> -> vector<10000x128xf32>
    %get3A_58 = arith.constant 0 : index
    %get3A_59 = arith.constant 0 : index
    %get3A_60 = vector.load %arg7[%get3A_58, %get3A_59] : memref<1x128xf32, #tpu.memory_space<vmem>>, vector<1x128xf32>
    %add3A_61 = vector.broadcast %get3A_60 : vector<1x128xf32> to vector<10000x128xf32>
    %add3A_62 = arith.addf %dot_general3A_57, %add3A_61 : vector<10000x128xf32>
    %max3A_63 = arith.constant 0.000000e+00 : f32
    %max3A_64 = vector.broadcast %max3A_63 : f32 to vector<10000x128xf32>
    %max3A_65 = arith.maximumf %add3A_62, %max3A_64 : vector<10000x128xf32>
    %swap3A = arith.constant 0 : index
    %swap3A_66 = arith.constant 0 : index
    %swap3A_67 = vector.load %arg8[%swap3A, %swap3A_66] : memref<10000x128xf32, #tpu.memory_space<vmem>>, vector<10000x128xf32>
    tpu.vector_store %arg8[%swap3A, %swap3A_66], %max3A_65 {strides = array<i32>} : memref<10000x128xf32, #tpu.memory_space<vmem>>, vector<10000x128xf32>,
    return
  }
}

module attributes {stable_mosaic.version = 14 : i64} {
  func.func @_mlp_body(%arg0: memref<2x10112x128xf32, #tpu.memory_space<vmem>>, %arg1: memref<10000x128xf32, #tpu.memory_space<vmem>>, %arg2: memref<128x128xf32, #tpu.memory_space<vmem>>, %arg3: memref<1x128xf32, #tpu.memory_space<vmem>>, %arg4: memref<1x128xf32, #tpu.memory_space<vmem>>, %arg5: memref<1x128xf32, #tpu.memory_space<vmem>>, %arg6: memref<128x128xf32, #tpu.memory_space<vmem>>, %arg7: memref<1x128xf32, #tpu.memory_space<vmem>>, %arg8: memref<10000x128xf32, #tpu.memory_space<vmem>>) attributes {dimension_semantics = [], scalar_prefetch = 0 : i64, scratch_operands = 0 : i64, tpu.core_type = #tpu.core_type<tc>} {
    %get3A = arith.constant 0 : index
    %get3A_0 = arith.constant 0 : index
    %get3A_1 = arith.constant 0 : index
    %get3A_2 = vector.load %arg0[%get3A, %get3A_0, %get3A_1] : memref<2x10112x128xf32, #tpu.memory_space<vmem>>, vector<1x10000x128xf32>
    %get3A_3 = vector.shape_cast %get3A_2 : vector<1x10000x128xf32> to vector<10000x128xf32>
    %get3A_4 = arith.constant 1 : index
    %get3A_5 = arith.constant 0 : index
    %get3A_6 = arith.constant 0 : index
    %get3A_7 = vector.load %arg0[%get3A_4, %get3A_5, %get3A_6] : memref<2x10112x128xf32, #tpu.memory_space<vmem>>, vector<1x10000x128xf32>
    %get3A_8 = vector.shape_cast %get3A_7 : vector<1x10000x128xf32> to vector<10000x128xf32>
    %add3A = arith.addf %get3A_3, %get3A_8 : vector<10000x128xf32>
    %get3A_9 = arith.constant 0 : index
    %get3A_10 = arith.constant 0 : index
    %get3A_11 = vector.load %arg1[%get3A_9, %get3A_10] : memref<10000x128xf32, #tpu.memory_space<vmem>>, vector<10000x128xf32>
    %add3A_12 = arith.addf %add3A, %get3A_11 : vector<10000x128xf32>
    %get3A_13 = arith.constant 0 : index
    %get3A_14 = arith.constant 0 : index
    %get3A_15 = vector.load %arg2[%get3A_13, %get3A_14] : memref<128x128xf32, #tpu.memory_space<vmem>>, vector<128x128xf32>
    %dot_general3A = arith.constant dense<0.000000e+00> : vector<10000x128xf32>
    %dot_general3A_16 = tpu.matmul %add3A_12, %get3A_15, %dot_general3A {dimension_numbers = #tpu.dot_dimension_numbers<[1], [0], [0], [1], [0, 0, 1, 1], [], []>, transpose_lhs_hint = false} : vector<10000x128xf32>, vector<128x128xf32>, vector<10000x128xf32> -> vector<10000x128xf32>
    %get3A_17 = arith.constant 0 : index
    %get3A_18 = arith.constant 0 : index
    %get3A_19 = vector.load %arg3[%get3A_17, %get3A_18] : memref<1x128xf32, #tpu.memory_space<vmem>>, vector<1x128xf32>
    %add3A_20 = vector.broadcast %get3A_19 : vector<1x128xf32> to vector<10000x128xf32>
    %add3A_21 = arith.addf %dot_general3A_16, %add3A_20 : vector<10000x128xf32>
    %reduce_sum3A = arith.constant dense<0.000000e+00> : vector<128xf32>
    %reduce_sum3A_22 = vector.multi_reduction <add>, %add3A_21, %reduce_sum3A [0] : vector<10000x128xf32> to vector<128xf32>
    %broadcast_in_dim3A = vector.shape_cast %reduce_sum3A_22 : vector<128xf32> to vector<1x128xf32>
    %div3A = arith.constant 1.000000e+04 : f32
    %div3A_23 = vector.broadcast %div3A : f32 to vector<1x128xf32>
    %div3A_24 = arith.divf %broadcast_in_dim3A, %div3A_23 : vector<1x128xf32>
    %sub3A = vector.broadcast %div3A_24 : vector<1x128xf32> to vector<10000x128xf32>
    %sub3A_25 = arith.subf %add3A_21, %sub3A : vector<10000x128xf32>
    %sub3A_26 = vector.broadcast %div3A_24 : vector<1x128xf32> to vector<10000x128xf32>
    %sub3A_27 = arith.subf %add3A_21, %sub3A_26 : vector<10000x128xf32>
    %mul3A = arith.mulf %sub3A_25, %sub3A_27 : vector<10000x128xf32>
    %reduce_sum3A_28 = arith.constant dense<0.000000e+00> : vector<128xf32>
    %reduce_sum3A_29 = vector.multi_reduction <add>, %mul3A, %reduce_sum3A_28 [0] : vector<10000x128xf32> to vector<128xf32>
    %broadcast_in_dim3A_30 = vector.shape_cast %reduce_sum3A_29 : vector<128xf32> to vector<1x128xf32>
    %div3A_31 = arith.constant 1.000000e+04 : f32
    %div3A_32 = vector.broadcast %div3A_31 : f32 to vector<1x128xf32>
    %div3A_33 = arith.divf %broadcast_in_dim3A_30, %div3A_32 : vector<1x128xf32>
    %get3A_34 = arith.constant 0 : index
    %get3A_35 = arith.constant 0 : index
    %get3A_36 = vector.load %arg4[%get3A_34, %get3A_35] : memref<1x128xf32, #tpu.memory_space<vmem>>, vector<1x128xf32>
    %sub3A_37 = vector.broadcast %div3A_24 : vector<1x128xf32> to vector<10000x128xf32>
    %sub3A_38 = arith.subf %add3A_21, %sub3A_37 : vector<10000x128xf32>
    %mul3A_39 = vector.broadcast %get3A_36 : vector<1x128xf32> to vector<10000x128xf32>
    %mul3A_40 = arith.mulf %mul3A_39, %sub3A_38 : vector<10000x128xf32>
    %add3A_41 = arith.constant 9.99999974E-6 : f32
    %add3A_42 = vector.broadcast %add3A_41 : f32 to vector<1x128xf32>
    %add3A_43 = arith.addf %div3A_33, %add3A_42 : vector<1x128xf32>
    %rsqrt3A = math.rsqrt %add3A_43 : vector<1x128xf32>
    %mul3A_44 = vector.broadcast %rsqrt3A : vector<1x128xf32> to vector<10000x128xf32>
    %mul3A_45 = arith.mulf %mul3A_40, %mul3A_44 : vector<10000x128xf32>
    %get3A_46 = arith.constant 0 : index
    %get3A_47 = arith.constant 0 : index
    %get3A_48 = vector.load %arg5[%get3A_46, %get3A_47] : memref<1x128xf32, #tpu.memory_space<vmem>>, vector<1x128xf32>
    %add3A_49 = vector.broadcast %get3A_48 : vector<1x128xf32> to vector<10000x128xf32>
    %add3A_50 = arith.addf %mul3A_45, %add3A_49 : vector<10000x128xf32>
    %max3A = arith.constant 0.000000e+00 : f32
    %max3A_51 = vector.broadcast %max3A : f32 to vector<10000x128xf32>
    %max3A_52 = arith.maximumf %add3A_50, %max3A_51 : vector<10000x128xf32>
    %get3A_53 = arith.constant 0 : index
    %get3A_54 = arith.constant 0 : index
    %get3A_55 = vector.load %arg6[%get3A_53, %get3A_54] : memref<128x128xf32, #tpu.memory_space<vmem>>, vector<128x128xf32>
    %dot_general3A_56 = arith.constant dense<0.000000e+00> : vector<10000x128xf32>
    %dot_general3A_57 = tpu.matmul %max3A_52, %get3A_55, %dot_general3A_56 {dimension_numbers = #tpu.dot_dimension_numbers<[1], [0], [0], [1], [0, 0, 1, 1], [], []>, transpose_lhs_hint = false} : vector<10000x128xf32>, vector<128x128xf32>, vector<10000x128xf32> -> vector<10000x128xf32>
    %get3A_58 = arith.constant 0 : index
    %get3A_59 = arith.constant 0 : index
    %get3A_60 = vector.load %arg7[%get3A_58, %get3A_59] : memref<1x128xf32, #tpu.memory_space<vmem>>, vector<1x128xf32>
    %add3A_61 = vector.broadcast %get3A_60 : vector<1x128xf32> to vector<10000x128xf32>
    %add3A_62 = arith.addf %dot_general3A_57, %add3A_61 : vector<10000x128xf32>
    %max3A_63 = arith.constant 0.000000e+00 : f32
    %max3A_64 = vector.broadcast %max3A_63 : f32 to vector<10000x128xf32>
    %max3A_65 = arith.maximumf %add3A_62, %max3A_64 : vector<10000x128xf32>
    %swap3A = arith.constant 0 : index
    %swap3A_66 = arith.constant 0 : index
    %swap3A_67 = vector.load %arg8[%swap3A, %swap3A_66] : memref<10000x128xf32, #tpu.memory_space<vmem>>, vector<10000x128xf32>
    tpu.vector_store %arg8[%swap3A, %swap3A_66], %max3A_65 {strides = array<i32>} : memref<10000x128xf32, #tpu.memory_space<vmem>>, vector<10000x128xf32>,
    return
  }
}

module attributes {stable_mosaic.version = 14 : i64} {
  func.func @_pool_body(%arg0: memref<10000x128xf32, #tpu.memory_space<vmem>>, %arg1: memref<10000x1xi32, #tpu.memory_space<vmem>>, %arg2: memref<256x128xf32, #tpu.memory_space<vmem>>) attributes {dimension_semantics = [], scalar_prefetch = 0 : i64, scratch_operands = 0 : i64, tpu.core_type = #tpu.core_type<tc>} {
    %get3A = arith.constant 0 : index
    %get3A_0 = arith.constant 0 : index
    %get3A_1 = vector.load %arg0[%get3A, %get3A_0] : memref<10000x128xf32, #tpu.memory_space<vmem>>, vector<10000x128xf32>
    %get3A_2 = arith.constant 0 : index
    %get3A_3 = arith.constant 0 : index
    %get3A_4 = vector.load %arg1[%get3A_2, %get3A_3] : memref<10000x1xi32, #tpu.memory_space<vmem>>, vector<10000x1xi32>
    %iota3A = tpu.iota {dimensions = array<i32: 1>} : vector<10000x256xi32>
    %eq3A = vector.broadcast %get3A_4 : vector<10000x1xi32> to vector<10000x256xi32>
    %eq3A_5 = arith.cmpi eq, %eq3A, %iota3A : vector<10000x256xi32>
    %convert_element_type3A = arith.extui %eq3A_5 : vector<10000x256xi1> to vector<10000x256xi32>
    %convert_element_type3A_6 = arith.sitofp %convert_element_type3A : vector<10000x256xi32> to vector<10000x256xf32>
    %dot_general3A = arith.constant dense<0.000000e+00> : vector<256x128xf32>
    %dot_general3A_7 = tpu.matmul %convert_element_type3A_6, %get3A_1, %dot_general3A {dimension_numbers = #tpu.dot_dimension_numbers<[0], [0], [1], [1], [0, 1, 1, 1], [], []>, transpose_lhs_hint = false} : vector<10000x256xf32>, vector<10000x128xf32>, vector<256x128xf32> -> vector<256x128xf32>
    %swap3A = arith.constant 0 : index
    %swap3A_8 = arith.constant 0 : index
    %swap3A_9 = vector.load %arg2[%swap3A, %swap3A_8] : memref<256x128xf32, #tpu.memory_space<vmem>>, vector<256x128xf32>
    tpu.vector_store %arg2[%swap3A, %swap3A_8], %dot_general3A_7 {strides = array<i32>} : memref<256x128xf32, #tpu.memory_space<vmem>>, vector<256x128xf32>,
    return
  }
}

</mosaic_0001>

<sc_bundles>
// kernel: kernel.10.cloned.1.call-start
scs
__scs_entry_jumppad:
0x0: {  	(pc) =	sbr.rel $0x88, $3  }
0x1: {  	(tag) =	ssettag $0x0;
	lr =	simm.s32 $0x1  }
0x2: {  	[smem:$0x3F8E] =	sst lr;
	_ =	strace $0xD0000000  }
0x3: {  	_ = 	snop  }
0x4: {  	_ = 	snop  }
0x5: {  	_ = 	snop  }
0x6: {  	_ = 	snop  }
0x7: {  	_ = 	snop  }
__scs_overlays_trampoline_lowered:
0x8: {  	[smem:$0x3F9D] =	sst s0  }
0x9: {  	[smem:$0x3F9E] =	sst s1  }
0xa: {  	[smem:$0x3F9F] =	sst s2  }
0xb: {  	[smem:$0x3FA0] =	sst s3  }
0xc: {  	[smem:$0x3FA1] =	sst s4  }
0xd: {  	[smem:$0x3FA2] =	sst s5  }
0xe: {  	[smem:$0x3FA3] =	sst s6  }
0xf: {  	[smem:$0x3FA4] =	sst s7  }
0x10: {  	[smem:$0x3FA5] =	sst s8  }
0x11: {  	[smem:$0x3FA6] =	sst s9;
	s0 =	simm.s32 @!p0 $0x0  }
0x12: {  	s1 =	sld [smem:$0x3F8C];
	s0 =	simm.s32 @p0 $0x1  }
0x13: {  	[smem:$0x3FA7] =	sst s0;
	s0 =	simm.s32 @!p1 $0x0  }
0x14: {  	s2 =	sld [smem:$0x3F8B];
	s0 =	simm.s32 @p1 $0x1  }
0x15: {  	[smem:$0x3FA8] =	sst s0;
	s0 =	simm.s32 @!p2 $0x0  }
0x16: {  	s3 =	sld [smem:$0x3FDB];
	s0 =	simm.s32 @p2 $0x1  }
0x17: {  	s4 =	simm.s32 $0x1BF5;
	[smem:$0x3FAA] =	sst s0  }
0x18: {  	s0 =	sld [smem:$0x3F8D];
	_ =	swait.ge [sflag:s4], $0x0  }
0x19: {  	s7 =	sld [smem:$0x3F8E]  }
0x1a: {  	s8 =	sadd.s32 $0xFFFFE003, lr  }
0x1b: {  	s9 =	sadd.s32 $0xFFFFFEF7, lr;
	s5 =	simm.s32 $0xFFFFFFFF;
	p2 =	slt.u32 s8, $0xFFFFF086  }
0x1c: {  	p1 =	slt.u32 s9, $0xF7A;
	s5 =	simm.s32 @!p2 $0x0  }
0x1d: {  	s5 =	simm.s32 @p1 $0x1;
	p0 =	seq.s32 s7, s2  }
0x1e: {  	s7 =	smul.u32 @!p0 $0xF7A, s2;
	p2 =	seq.s32 @!p0 s5, $0x0  }
0x1f: {  	s9 =	smul.u32 $0xF7A, s1;
	s8 =	simm.s32 @!p0 $0x1BF5;
	p2 =	por !p2, p0  }
0x20: {  	[sflag:s8] =	ssyncset.s32 @!p0 $0xFFFFF086;
	s6 =	sadd.s32 @!p0 s3, s7;
	s7 =	simm.s32 @!p0 $0x108  }
0x21: {  	s3 =	sadd.s32 s3, s9;
	s6 =	sadd.s32 @!p0 $0x88, s6;
	s7 =	simm.s32 @p2 $0x1082  }
0x22: {  	[simem:s7], [sflag:s8] =	dma.local @!p0 [hbm:s6], $0xF7A  }
0x23: {  	s9 =	sor.u32 $0xD0000000, s2;
	s6 =	simm.s32 $0x108;
	_ =	swait.ge @!p0 [sflag:s8], $0x0  }
0x24: {  	s3 =	sadd.s32 $0x88, s3;
	s6 =	simm.s32 @!p1 $0x1082;
	[sflag:s4] =	ssyncset.s32 $0xFFFFF086  }
0x25: {  	[simem:s6], [sflag:s4] =	dma.local [hbm:s3], $0xF7A  }
0x26: {  	[smem:$0x3F8E] =	sst s1;
	(tag) =	ssettag s2;
	_ =	strace s9  }
0x27: {  	s1 =	sld [smem:$0x3F9E]  }
0x28: {  	s2 =	sld [smem:$0x3F9F]  }
0x29: {  	s4 =	sld [smem:$0x3FA1]  }
0x2a: {  	p0 =	seq.s32 s5, $0x0;
	s5 =	sld [smem:$0x3FA2]  }
0x2b: {  	s6 =	sld [smem:$0x3FA3]  }
0x2c: {  	s7 =	sld [smem:$0x3FA4]  }
0x2d: {  	s3 =	simm.s32 $0x108;
	s8 =	sld [smem:$0x3FA5]  }
0x2e: {  	s3 =	simm.s32 @!p0 $0x1082;
	s9 =	sld [smem:$0x3FA6]  }
0x2f: {  	lr =	sadd.s32 s0, s3;
	s0 =	sld [smem:$0x3F9D]  }
0x30: {  	s3 =	sld [smem:$0x3FA0]  }
0x31: {  	[smem:$0x3FA9] =	sst s10  }
0x32: {  	s10 =	sld [smem:$0x3FA7];
	_ =	sdelay $0x3  }
0x33: {  	p0 =	seq.s32 s10, $0x1;
	s10 =	sld [smem:$0x3FA9];
	_ =	sdelay $0x3  }
0x34: {  	[smem:$0x3FA9] =	sst s10  }
0x35: {  	s10 =	sld [smem:$0x3FA8];
	_ =	sdelay $0x3  }
0x36: {  	p1 =	seq.s32 s10, $0x1;
	s10 =	sld [smem:$0x3FA9];
	_ =	sdelay $0x3  }
0x37: {  	[smem:$0x3FA9] =	sst s10  }
0x38: {  	s10 =	sld [smem:$0x3FAA]  }
0x39: {  	_ = 	snop;
	(pc) =	sbr.ind lr, $3  }
0x3a: {  	_ = 	snop  }
0x3b: {  	_ = 	snop  }
0x3c: {  	p2 =	seq.s32 s10, $0x1;
	s10 =	sld [smem:$0x3FA9]  }
0x3d: {  	_ =	shalt  }
0x3e: {  	_ =	shalt  }
0x3f: {  	_ =	shalt  }
0x40: {  	_ =	shalt  }
0x41: {  	_ =	shalt  }
0x42: {  	_ =	shalt  }
0x43: {  	_ =	shalt  }
0x44: {  	_ =	shalt  }
0x45: {  	_ =	shalt  }
0x46: {  	_ =	shalt  }
0x47: {  	_ =	shalt  }
0x48: {  	_ =	shalt  }
0x49: {  	_ =	shalt  }
0x4a: {  	_ =	shalt  }
0x4b: {  	_ =	shalt  }
0x4c: {  	_ =	shalt  }
0x4d: {  	_ =	shalt  }
0x4e: {  	_ =	shalt  }
0x4f: {  	_ =	shalt  }
0x50: {  	_ =	shalt  }
0x51: {  	_ =	shalt  }
0x52: {  	_ =	shalt  }
0x53: {  	_ =	shalt  }
0x54: {  	_ =	shalt  }
0x55: {  	_ =	shalt  }
0x56: {  	_ =	shalt  }
0x57: {  	_ =	shalt  }
0x58: {  	_ =	shalt  }
0x59: {  	_ =	shalt  }
0x5a: {  	_ =	shalt  }
0x5b: {  	_ =	shalt  }
0x5c: {  	_ =	shalt  }
0x5d: {  	_ =	shalt  }
0x5e: {  	_ =	shalt  }
0x5f: {  	_ =	shalt  }
0x60: {  	_ =	shalt  }
0x61: {  	_ =	shalt  }
0x62: {  	_ =	shalt  }
0x63: {  	_ =	shalt  }
0x64: {  	_ =	shalt  }
0x65: {  	_ =	shalt  }
0x66: {  	_ =	shalt  }
0x67: {  	_ =	shalt  }
0x68: {  	_ =	shalt  }
0x69: {  	_ =	shalt  }
0x6a: {  	_ =	shalt  }
0x6b: {  	_ =	shalt  }
0x6c: {  	_ =	shalt  }
0x6d: {  	_ =	shalt  }
0x6e: {  	_ =	shalt  }
0x6f: {  	_ =	shalt  }
0x70: {  	_ =	shalt  }
0x71: {  	_ =	shalt  }
0x72: {  	_ =	shalt  }
0x73: {  	_ =	shalt  }
0x74: {  	_ =	shalt  }
0x75: {  	_ =	shalt  }
0x76: {  	_ =	shalt  }
0x77: {  	_ =	shalt  }
0x78: {  	_ =	shalt  }
0x79: {  	_ =	shalt  }
0x7a: {  	_ =	shalt  }
0x7b: {  	_ =	shalt  }
0x7c: {  	_ =	shalt  }
0x7d: {  	_ =	shalt  }
0x7e: {  	_ =	shalt  }
0x7f: {  	_ =	shalt  }
0x80: {  	_ =	shalt  }
0x81: {  	_ =	shalt  }
0x82: {  	_ =	shalt  }
0x83: {  	_ =	shalt  }
0x84: {  	_ =	shalt  }
0x85: {  	_ =	shalt  }
0x86: {  	_ =	shalt  }
0x87: {  	_ =	shalt  }
.Lfunc_end0:
.L_simem_size_0:
called_computation_lowered:
.L_overlay_start_0:
0x88: {  	s2 =	sld [smem:$0x3FD9]  }
0x89: {  	s3 =	sld [smem:$0x3FFE];
	_ =	sdelay $0x1  }
0x8a: {  	s1 =	srdreg.scid  }
0x8b: {  	s0 =	sand.u32 $0x1, s1  }
0x8c: {  	s16 =	sshll.u32 s0, $0xA;
	s2 =	sadd.s32 s3, s2  }
0x8d: {  	s2 =	sadd.s32 s2, s16  }
0x8e: {  	[smem:$0x3FB5] =	sst s2  }
0x8f: {  	_ = 	snop  }
0x90: {  	(tm) =	ssettm $0x1  }
0x91: {  	s17 =	sld [smem:$0x3FFB];
	_ =	sdelay $0x3  }
0x92: {  	_ =	strace s17  }
0x93: {  	s2 =	sld [smem:$0x3FFC];
	_ =	sdelay $0x3  }
0x94: {  	_ =	strace s2  }
0x95: {  	s2 =	sld [smem:$0x3FFD];
	_ =	sdelay $0x3  }
0x96: {  	_ =	strace s2  }
0x97: {  	_ =	strace $0x8FFFFFFF  }
0x98: {  	s18 =	sld [smem:$0x3FDB];
	_ =	sdelay $0x1  }
0x99: {  	s19 =	simm.s32 $_scs_section_size  }
0x9a: {  	s4 =	simm.s32 $_size__tile_overlayer_lowered;
	s5 =	simm.s32 $_tile_overlayer_lowered  }
0x9b: {  	s22 =	simm.s32 $0x1BFF;
	s21 =	sshll.u32 s5, $0x1;
	s2 =	sadd.s32 s19, s18  }
0x9c: {  	s6 =	simm.s32 $0x0;
	s20 =	sshll.u32 s4, $0x1;
	s4 =	sadd.s32 s21, s2  }
0x9d: {  	[timem:s6], [sflag:s22] =	dma.local [hbm:s4], s20  }
0x9e: {  	_ =	swait.ge [sflag:s22], s20  }
0x9f: {  	s3 =	ssub.s32 $0x0, s20;
	[sflag:s22] =	ssyncset.done $0x0  }
0xa0: {  	[sflag:s22] =	ssyncadd.s32 s3;
	_ =	sdelay $0x1  }
0xa1: {  	s23 =	simm.s32 $0x1B8B  }
0xa2: {  	_ =	swait.ge [sflag:s23], $0x1  }
0xa3: {  	[sflag:s23] =	ssyncset.done $0x0  }
0xa4: {  	s25 =	simm.s32 $0x1B8E;
	s24 =	sld [smem:$0x3FFE];
	[sflag:s23] =	ssyncadd.s32 $0xFFFFFFFF  }
0xa5: {  	s26 =	simm.s32 $execute0_lowered;
	[smem:$0x3FD2] =	sst s25  }
0xa6: {  	s4 =	sshll.u32 s26, $0x1;
	_ =	strace $0x80000046;
	[dreg:$0x1] =	wrdreg $0xFFFFFFFF  }
0xa7: {  	s28 =	simm.s32 $_size_execute0_lowered;
	s2 =	sadd.s32 s2, s4;
	[dreg:$0x0] =	wrdreg $0x0  }
0xa8: {  	s4 =	sshll.u32 s28, $0x1;
	[dreg:$0x2] =	wrdreg s2  }
0xa9: {  	[dreg:$0x3] =	wrdreg s4  }
0xaa: {  	[dreg:$0x4] =	wrdreg $0xC0  }
0xab: {  	_ =	task [dreg:s6], $0x5FFFF  }
0xac: {  	[dreg:$0x1] =	wrdreg $0xFFFFFFFF  }
0xad: {  	[dreg:$0x0] =	wrdreg $0x60  }
0xae: {  	[dreg:$0x2] =	wrdreg s24  }
0xaf: {  	[dreg:$0x3] =	wrdreg $0xA5000  }
0xb0: {  	[dreg:$0x4] =	wrdreg $0x9  }
0xb1: {  	_ =	task.clear_ibuf [dreg:s6], $0x5FFFF;
	_ =	strace $0x90000046  }
0xb2: {  	s29 =	simm.s32 $0x9;
	_ =	strace $0x8000004B  }
0xb3: {  	_ =	swait.ge [sflag:s29], $0x1  }
0xb4: {  	[sflag:s29] =	ssyncadd.s32 $0xFFFFFFFF  }
0xb5: {  	_ =	strace $0x9000004B  }
0xb6: {  	_ =	sfence  }
0xb7: {  	s30 =	sld [smem:$0x0];
	_ =	sdelay $0x2  }
0xb8: {  	s31 =	sshll.u32 s1, $0xD;
	s1 =	sshrl.u32 s1, $0x2  }
0xb9: {  	s3 =	sand.u32 $0x4000, s31;
	s1 =	sadd.s32 s1, s30  }
0xba: {  	s0 =	sor.u32 s3, s0;
	s1 =	sshll.u32 s1, $0x11  }
0xbb: {  	s0 =	sor.u32 s1, s0  }
0xbc: {  	s0 =	sadd.s32 $0x8F2B, s0  }
0xbd: {  	[sflag:s0] =	ssyncadd.remote.s32 $0x1  }
0xbe: {  	_ =	sfence.sel $0xFFFF  }
0xbf: {  	[dreg:$0x0] =	wrdreg $0xFFFFFFFF;
	(pc) =	sbr.abs _section_cstart, $3  }
0xc0: {  	[dreg:$0x1] =	wrdreg $0xFFFFFFFF  }
0xc1: {  	_ =	task.clear_ibuf [dreg:s6], $0x2FFFF;
	_ =	strace $0x9FFFFFFF  }
0xc2: {  	(tm) =	ssettm $0x7FFFFFFF  }
0xc3: {  	_ =	shalt  }
tec
execute0_lowered:
.L_overlay_start_1:
0x0: {  	(tag) =	ssettag $0x1  }
0x1: {  	s0 =	rddreg [dreg:$0x0]  }
0x2: {  	s18 =	rddreg [dreg:$0x1];
	s3 =	simm.s32 $0x0;
	s10 =	stileid.u32  }
0x3: {  	s1 =	srdreg.scid;
	s28 =	simm.s32 $0x1;
	s29 =	simm.s32 $0x10  }
0x4: {  	s30 =	simm.s32 $0x2;
	[smem:$0x7FF] =	sst s3;
	s5 =	smul.u32 $0x13C00, s10  }
0x5: {  	s14 =	sand.u32 $0x1, s1;
	s4 =	sadd.s32 $0xC800, s0;
	s7 =	smul.u32 $0xA, s10  }
0x6: {  	s11 =	sadd.s32 $0x2A00, s0;
	s12 =	sadd.s32 $0x145000, s0;
	s9 =	smul.u32 $0x131, s10  }
0x7: {  	s21 =	smul.u32 $0x4F000, s10;
	s10 =	simm.s32 $0x80;
	_ =	strace $0x80000047  }
0x8: {  	s6 =	smul.u32 $0x13C000, s14;
	p0 =	seq.s32 s14, $0x0;
	[dreg:$0x3] =	wrdreg s11  }
0x9: {  	s31 =	ssub.s32 $0x2, s14;
	[dreg:$0x4] =	wrdreg s12;
	s8 =	sshrl.u32 s5, $0x3  }
0xa: {  	s7 =	sadd.s32 $0x1310, s7;
	s1 =	sshrl.u32 s31, $0x1;
	s25 =	sshrl.u32 s21, $0x2  }
0xb: {  	s21 =	simm.s32 $0xF;
	s8 =	sadd.s32 s8, s0;
	s5 =	sadd.s32 s5, s6  }
0xc: {  	s7 =	smov.u32 @p0 s9;
	p0 =	sne.s32 s14, $0x0;
	s14 =	simm.s32 $0x200  }
0xd: {  	s5 =	sshrl.u32 s5, $0x3;
	s2 =	sshll.u32 s7, $0x3;
	s7 =	ssub.s32 s31, s1  }
0xe: {  	s26 =	sadd.s32 $0x14EE00, s8;
	s1 =	simm.s32 $0x300;
	s8 =	simm.s32 $0x40  }
0xf: {  	s0 =	sadd.s32 s5, s0;
	s9 =	sadd.s32 s11, s2;
	[dreg:$0x13] =	wrdreg s2  }
0x10: {  	s13 =	sadd.s32 s12, s2;
	s15 =	sadd.s32 $0x8, s2;
	[dreg:$0x10] =	wrdreg s26  }
0x11: {  	s16 =	sadd.s32 $0x10, s2;
	s20 =	sadd.s32 $0x18, s2;
	[dreg:$0x5] =	wrdreg s9  }
0x12: {  	s23 =	sadd.s32 $0x20, s2;
	s31 =	smax.u32 s7, $0x1;
	[dreg:$0x6] =	wrdreg s13  }
0x13: {  	s2 =	simm.s32 $0x15;
	s13 =	sadd.s32 s11, s15;
	[dreg:$0x12] =	wrdreg s31  }
0x14: {  	s5 =	simm.s32 $0xB;
	s6 =	sadd.s32 s12, s15;
	[dreg:$0x7] =	wrdreg s13  }
0x15: {  	s26 =	simm.s32 $0x8500;
	s17 =	sadd.s32 s11, s16;
	[dreg:$0x8] =	wrdreg s6  }
0x16: {  	s7 =	simm.s32 $0x0;
	s19 =	sadd.s32 s12, s16;
	[dreg:$0x9] =	wrdreg s17  }
0x17: {  	s22 =	sadd.s32 s11, s20;
	s24 =	sadd.s32 s11, s23;
	[dreg:$0xa] =	wrdreg s19  }
0x18: {  	s0 =	sadd.s32 $0x176600, s0;
	s11 =	simm.s32 $0x100;
	[dreg:$0xb] =	wrdreg s22  }
0x19: {  	s16 =	simm.s32 $0x400;
	s15 =	simm.s32 $0x480;
	[dreg:$0xd] =	wrdreg s24  }
0x1a: {  	s6 =	sadd.s32 s12, s20;
	[dreg:$0x11] =	wrdreg s0;
	s17 =	simm.s32 $0x280  }
0x1b: {  	s13 =	simm.s32 $0x180;
	s0 =	simm.s32 $0xC;
	s22 =	simm.s32 $0x2500  }
0x1c: {  	s24 =	simm.s32 $0x4500;
	s19 =	simm.s32 $0xE;
	s20 =	simm.s32 $0x100  }
0x1d: {  	[dreg:$0xc] =	wrdreg s6;
	s6 =	sadd.s32 s12, s23;
	s12 =	simm.s32 $0x380  }
0x1e: {  	s23 =	simm.s32 $0xD;
	[dreg:$0xe] =	wrdreg s6;
	s6 =	sadd.s32 s25, s18  }
0x1f: {  	s25 =	simm.s32 $0x6500;
	[dreg:$0xf] =	wrdreg s6;
	s6 =	simm.s32 $0x500  }
.LBB2_1:
0x20: {  	[dreg:$0x14] =	wrdreg s7  }
0x21: {  	_ =	strace $0x80000048  }
0x22: {  	s9 =	rddreg [dreg:$0x5]  }
0x23: {  	[tilespmem:s3], [sflag:$0xB] =	stream.linear.gather [hbm4b:s9+s3], $0x40, $0x200038;
	[tilespmem:$0x1E100] =	vst v63  }
0x24: {  	s7 =	rddreg [dreg:$0x6]  }
0x25: {  	[tilespmem:s17], [sflag:$0x10] =	stream.linear.gather [hbm4b:s7+s3], $0x40, $0x200038;
	[tilespmem:$0x1E100] =	vst v63  }
0x26: {  	s17 =	rddreg [dreg:$0x7]  }
0x27: {  	[tilespmem:s10], [sflag:$0xC] =	stream.linear.gather [hbm4b:s17+s3], $0x40, $0x200038;
	[tilespmem:$0x1E100] =	vst v63  }
0x28: {  	s7 =	rddreg [dreg:$0x8]  }
0x29: {  	[tilespmem:s1], [sflag:$0x11] =	stream.linear.gather [hbm4b:s7+s3], $0x40, $0x200038;
	[tilespmem:$0x1E100] =	vst v63  }
0x2a: {  	s17 =	rddreg [dreg:$0x9]  }
0x2b: {  	[tilespmem:s11], [sflag:$0xD] =	stream.linear.gather [hbm4b:s17+s3], $0x40, $0x200038;
	[tilespmem:$0x1E100] =	vst v63  }
0x2c: {  	s1 =	rddreg [dreg:$0xa]  }
0x2d: {  	[tilespmem:s12], [sflag:$0x12] =	stream.linear.gather [hbm4b:s1+s3], $0x40, $0x200038;
	[tilespmem:$0x1E100] =	vst v63  }
0x2e: {  	s7 =	rddreg [dreg:$0xb]  }
0x2f: {  	[tilespmem:s13], [sflag:$0xE] =	stream.linear.gather [hbm4b:s7+s3], $0x40, $0x200038;
	[tilespmem:$0x1E100] =	vst v63  }
0x30: {  	s17 =	rddreg [dreg:$0xd];
	s7 =	stileid.u32  }
0x31: {  	s12 =	rddreg [dreg:$0xc];
	s9 =	sshll.u32 s7, $0x6  }
0x32: {  	[tilespmem:s16], [sflag:$0x13] =	stream.linear.gather [hbm4b:s12+s3], $0x40, $0x200038;
	[tilespmem:$0x1E100] =	vst v63  }
0x33: {  	s1 =	rddreg [dreg:$0xe];
	s12 =	sor.u32 $0x1C15, s9  }
0x34: {  	[tilespmem:s14], [sflag:$0xF] =	stream.linear.gather [hbm4b:s17+s3], $0x40, $0x200038;
	[tilespmem:$0x1E100] =	vst v63  }
0x35: {  	[dreg:$0x15] =	wrdreg s12  }
0x36: {  	[tilespmem:s15], [sflag:$0x14] =	stream.linear.gather [hbm4b:s1+s3], $0x40, $0x200038;
	[tilespmem:$0x1E100] =	vst v63  }
0x37: {  	s15 =	rddreg [dreg:$0xf]  }
0x38: {  	s17 =	rddreg [dreg:$0x10];
	s16 =	sshrl.u32 s15, $0x3  }
0x39: {  	[dreg:$0x16] =	wrdreg s16  }
0x3a: {  	[spmem:s16], [sflag:s12] =	dma.local [hbm:s17], $0x2780  }
0x3b: {  	_ =	swait.ge [sflag:s2], $0x2780  }
0x3c: {  	[sflag:s2] =	ssyncset.done $0x0  }
0x3d: {  	[sflag:s2] =	ssyncadd.s32 $0xFFFFD880  }
0x3e: {  	_ =	swait.ge [sflag:s5], $0x40  }
0x3f: {  	[sflag:s5] =	ssyncset.done $0x0  }
0x40: {  	[sflag:s5] =	ssyncadd.s32 $0xFFFFFFC0  }
0x41: {  	[tilespmem:s6], [sflag:$0x1] =	stream.indirect.gather [hbm4b:s4+s8], $0x80, s3, s8, $0x2000b8;
	[tilespmem:$0x1E100] =	vst v63  }
0x42: {  	_ =	swait.ge [sflag:s0], $0x40  }
0x43: {  	[sflag:s0] =	ssyncset.done $0x0  }
0x44: {  	[sflag:s0] =	ssyncadd.s32 $0xFFFFFFC0  }
0x45: {  	[tilespmem:s22], [sflag:$0x2] =	stream.indirect.gather [hbm4b:s4+s8], $0x80, s10, s8, $0x2000b8;
	[tilespmem:$0x1E100] =	vst v63  }
0x46: {  	_ =	swait.ge [sflag:s23], $0x40  }
0x47: {  	[sflag:s23] =	ssyncset.done $0x0  }
0x48: {  	[sflag:s23] =	ssyncadd.s32 $0xFFFFFFC0  }
0x49: {  	[tilespmem:s24], [sflag:$0x3] =	stream.indirect.gather [hbm4b:s4+s8], $0x80, s11, s8, $0x2000b8;
	[tilespmem:$0x1E100] =	vst v63  }
0x4a: {  	_ =	swait.ge [sflag:s19], $0x40  }
0x4b: {  	[sflag:s19] =	ssyncset.done $0x0  }
0x4c: {  	[sflag:s19] =	ssyncadd.s32 $0xFFFFFFC0  }
0x4d: {  	[tilespmem:s25], [sflag:$0x4] =	stream.indirect.gather [hbm4b:s4+s8], $0x80, s13, s8, $0x2000b8;
	[tilespmem:$0x1E100] =	vst v63  }
0x4e: {  	_ =	swait.ge [sflag:s21], $0x40  }
0x4f: {  	[sflag:s21] =	ssyncset.done $0x0  }
0x50: {  	[sflag:s21] =	ssyncadd.s32 $0xFFFFFFC0  }
0x51: {  	[tilespmem:s26], [sflag:$0x5] =	stream.indirect.gather [hbm4b:s4+s8], $0x80, s14, s8, $0x2000b8;
	[tilespmem:$0x1E100] =	vst v63  }
0x52: {  	[bflag:$0x0] =	sbarrier.arrive $0xFFFF  }
0x53: {  	_ =	strace $0x90000048  }
0x54: {  	_ =	strace $0x80000049  }
0x55: {  	s31 =	rddreg [dreg:$0x3]  }
0x56: {  	s7 =	simm.s32 $0x11;
	s9 =	rddreg [dreg:$0x4]  }
0x57: {  	s5 =	simm.s32 $0xB;
	s11 =	simm.s32 $0x0;
	s10 =	rddreg [dreg:$0x13]  }
.LBB2_2:
0x58: {  	_ =	swait.ge [sflag:s28], $0x2000  }
0x59: {  	s13 =	sadd.s32 s31, s10;
	[sflag:s28] =	ssyncset.done $0x0  }
0x5a: {  	s15 =	sadd.s32 $0x28, s13;
	[sflag:s28] =	ssyncadd.s32 $0xFFFFE000  }
0x5b: {  	[tilespmem:s3], [sflag:$0xB] =	stream.linear.gather [hbm4b:s15+s3], $0x40, $0x200038;
	[tilespmem:$0x1E100] =	vst v63  }
0x5c: {  	_ =	swait.ge [sflag:s29], $0x40  }
0x5d: {  	[sflag:s29] =	ssyncset.done $0x0  }
0x5e: {  	s1 =	simm.s32 $0x280;
	s0 =	simm.s32 $0x500;
	[sflag:s29] =	ssyncadd.s32 $0xFFFFFFC0  }
0x5f: {  	[spmem:s18] =	stream.indirect.scatter.add.f32 [tilespmem:s0], [sflag:$0x6], $0x80, s1, s8, $0x2000b8;
	[tilespmem:$0x1E100] =	vst v63  }
0x60: {  	_ =	swait.ge [sflag:s30], $0x2000  }
0x61: {  	[sflag:s30] =	ssyncset.done $0x0  }
0x62: {  	s24 =	simm.s32 $0x80;
	s21 =	sadd.s32 $0x30, s13;
	[sflag:s30] =	ssyncadd.s32 $0xFFFFE000  }
0x63: {  	[tilespmem:s24], [sflag:$0xC] =	stream.linear.gather [hbm4b:s21+s3], $0x40, $0x200038;
	[tilespmem:$0x1E100] =	vst v63  }
0x64: {  	_ =	swait.ge [sflag:s7], $0x40  }
0x65: {  	s12 =	simm.s32 $0x300;
	[sflag:s7] =	ssyncset.done $0x0  }
0x66: {  	s23 =	simm.s32 $0x2500;
	s2 =	simm.s32 $0x3;
	[sflag:s7] =	ssyncadd.s32 $0xFFFFFFC0  }
0x67: {  	[spmem:s18] =	stream.indirect.scatter.add.f32 [tilespmem:s23], [sflag:$0x7], $0x80, s12, s8, $0x2000b8;
	[tilespmem:$0x1E100] =	vst v63  }
0x68: {  	_ =	swait.ge [sflag:s2], $0x2000  }
0x69: {  	[sflag:s2] =	ssyncset.done $0x0  }
0x6a: {  	s25 =	simm.s32 $0x12;
	s22 =	sadd.s32 $0x38, s13;
	[sflag:s2] =	ssyncadd.s32 $0xFFFFE000  }
0x6b: {  	[tilespmem:s20], [sflag:$0xD] =	stream.linear.gather [hbm4b:s22+s3], $0x40, $0x200038;
	[tilespmem:$0x1E100] =	vst v63  }
0x6c: {  	_ =	swait.ge [sflag:s25], $0x40  }
0x6d: {  	s16 =	simm.s32 $0x380;
	[sflag:s25] =	ssyncset.done $0x0  }
0x6e: {  	s26 =	simm.s32 $0x4;
	[sflag:s25] =	ssyncadd.s32 $0xFFFFFFC0;
	s25 =	simm.s32 $0x4500  }
0x6f: {  	[spmem:s18] =	stream.indirect.scatter.add.f32 [tilespmem:s25], [sflag:$0x8], $0x80, s16, s8, $0x2000b8;
	[tilespmem:$0x1E100] =	vst v63  }
0x70: {  	_ =	swait.ge [sflag:s26], $0x2000  }
0x71: {  	[sflag:s26] =	ssyncset.done $0x0  }
0x72: {  	s14 =	simm.s32 $0x180;
	s6 =	sadd.s32 $0x40, s13;
	[sflag:s26] =	ssyncadd.s32 $0xFFFFE000  }
0x73: {  	[tilespmem:s14], [sflag:$0xE] =	stream.linear.gather [hbm4b:s6+s3], $0x40, $0x200038;
	[tilespmem:$0x1E100] =	vst v63  }
0x74: {  	s6 =	simm.s32 $0x13  }
0x75: {  	_ =	swait.ge [sflag:s6], $0x40  }
0x76: {  	s19 =	simm.s32 $0x400;
	[sflag:s6] =	ssyncset.done $0x0  }
0x77: {  	s17 =	simm.s32 $0x5;
	s26 =	simm.s32 $0x6500;
	[sflag:s6] =	ssyncadd.s32 $0xFFFFFFC0  }
0x78: {  	[spmem:s18] =	stream.indirect.scatter.add.f32 [tilespmem:s26], [sflag:$0x9], $0x80, s19, s8, $0x2000b8;
	[tilespmem:$0x1E100] =	vst v63  }
0x79: {  	_ =	swait.ge [sflag:s17], $0x2000  }
0x7a: {  	s13 =	sadd.s32 $0x48, s13;
	[sflag:s17] =	ssyncset.done $0x0  }
0x7b: {  	s21 =	simm.s32 $0x14;
	s2 =	simm.s32 $0x200;
	[sflag:s17] =	ssyncadd.s32 $0xFFFFE000  }
0x7c: {  	[tilespmem:s2], [sflag:$0xF] =	stream.linear.gather [hbm4b:s13+s3], $0x40, $0x200038;
	[tilespmem:$0x1E100] =	vst v63  }
0x7d: {  	_ =	swait.ge [sflag:s21], $0x40  }
0x7e: {  	s28 =	simm.s32 $0x8500;
	[sflag:s21] =	ssyncset.done $0x0  }
0x7f: {  	s22 =	simm.s32 $0x6;
	[sflag:s21] =	ssyncadd.s32 $0xFFFFFFC0;
	s21 =	simm.s32 $0x480  }
0x80: {  	[spmem:s18] =	stream.indirect.scatter.add.f32 [tilespmem:s28], [sflag:$0xA], $0x80, s21, s8, $0x2000b8;
	[tilespmem:$0x1E100] =	vst v63  }
0x81: {  	_ =	swait.ge [sflag:s22], $0x2000  }
0x82: {  	s13 =	sadd.s32 s9, s10;
	[sflag:s22] =	ssyncset.done $0x0  }
0x83: {  	s6 =	sadd.s32 $0x28, s13;
	[sflag:s22] =	ssyncadd.s32 $0xFFFFE000  }
0x84: {  	[tilespmem:s1], [sflag:$0x10] =	stream.linear.gather [hbm4b:s6+s3], $0x40, $0x200038;
	[tilespmem:$0x1E100] =	vst v63  }
0x85: {  	_ =	swait.ge [sflag:s5], $0x40  }
0x86: {  	[sflag:s5] =	ssyncset.done $0x0  }
0x87: {  	s15 =	simm.s32 $0x7;
	[sflag:s5] =	ssyncadd.s32 $0xFFFFFFC0  }
0x88: {  	[tilespmem:s0], [sflag:$0x1] =	stream.indirect.gather [hbm4b:s4+s8], $0x80, s3, s8, $0x2000b8;
	[tilespmem:$0x1E100] =	vst v63  }
0x89: {  	_ =	swait.ge [sflag:s15], $0x2000  }
0x8a: {  	[sflag:s15] =	ssyncset.done $0x0  }
0x8b: {  	s22 =	sadd.s32 $0x30, s13;
	s0 =	simm.s32 $0xC;
	[sflag:s15] =	ssyncadd.s32 $0xFFFFE000  }
0x8c: {  	[tilespmem:s12], [sflag:$0x11] =	stream.linear.gather [hbm4b:s22+s3], $0x40, $0x200038;
	[tilespmem:$0x1E100] =	vst v63  }
0x8d: {  	_ =	swait.ge [sflag:s0], $0x40  }
0x8e: {  	[sflag:s0] =	ssyncset.done $0x0  }
0x8f: {  	s15 =	simm.s32 $0x8;
	[sflag:s0] =	ssyncadd.s32 $0xFFFFFFC0  }
0x90: {  	[tilespmem:s23], [sflag:$0x2] =	stream.indirect.gather [hbm4b:s4+s8], $0x80, s24, s8, $0x2000b8;
	[tilespmem:$0x1E100] =	vst v63  }
0x91: {  	_ =	swait.ge [sflag:s15], $0x2000  }
0x92: {  	[sflag:s15] =	ssyncset.done $0x0  }
0x93: {  	s23 =	simm.s32 $0xD;
	s24 =	sadd.s32 $0x38, s13;
	[sflag:s15] =	ssyncadd.s32 $0xFFFFE000  }
0x94: {  	[tilespmem:s16], [sflag:$0x12] =	stream.linear.gather [hbm4b:s24+s3], $0x40, $0x200038;
	[tilespmem:$0x1E100] =	vst v63  }
0x95: {  	_ =	swait.ge [sflag:s23], $0x40  }
0x96: {  	[sflag:s23] =	ssyncset.done $0x0  }
0x97: {  	s16 =	simm.s32 $0x9;
	[sflag:s23] =	ssyncadd.s32 $0xFFFFFFC0  }
0x98: {  	[tilespmem:s25], [sflag:$0x3] =	stream.indirect.gather [hbm4b:s4+s8], $0x80, s20, s8, $0x2000b8;
	[tilespmem:$0x1E100] =	vst v63  }
0x99: {  	_ =	swait.ge [sflag:s16], $0x2000  }
0x9a: {  	[sflag:s16] =	ssyncset.done $0x0  }
0x9b: {  	s25 =	sadd.s32 $0x40, s13;
	[sflag:s16] =	ssyncadd.s32 $0xFFFFE000  }
0x9c: {  	[tilespmem:s19], [sflag:$0x13] =	stream.linear.gather [hbm4b:s25+s3], $0x40, $0x200038;
	[tilespmem:$0x1E100] =	vst v63  }
0x9d: {  	s19 =	simm.s32 $0xE  }
0x9e: {  	_ =	swait.ge [sflag:s19], $0x40  }
0x9f: {  	[sflag:s19] =	ssyncset.done $0x0  }
0xa0: {  	[sflag:s19] =	ssyncadd.s32 $0xFFFFFFC0  }
0xa1: {  	[tilespmem:s26], [sflag:$0x4] =	stream.indirect.gather [hbm4b:s4+s8], $0x80, s14, s8, $0x2000b8;
	[tilespmem:$0x1E100] =	vst v63  }
0xa2: {  	p1 =	slt.u32 @!p0 s11, $0x3B;
	s26 =	simm.s32 $0xA  }
0xa3: {  	s11 =	sadd.s32 $0x1, s11;
	s31 =	sadd.s32 $0x28, s31;
	_ =	swait.ge [sflag:s26], $0x2000  }
0xa4: {  	p1 =	por p0, !p1;
	s17 =	simm.s32 $0x280;
	[sflag:s26] =	ssyncset.done $0x0  }
0xa5: {  	s9 =	sadd.s32 $0x28, s9;
	s13 =	sadd.s32 $0x48, s13;
	[sflag:s26] =	ssyncadd.s32 $0xFFFFE000  }
0xa6: {  	[tilespmem:s21], [sflag:$0x14] =	stream.linear.gather [hbm4b:s13+s3], $0x40, $0x200038;
	[tilespmem:$0x1E100] =	vst v63  }
0xa7: {  	s6 =	simm.s32 $0x500;
	s1 =	simm.s32 $0x300;
	s21 =	simm.s32 $0xF  }
.Ltmp0:
0xa8: {  	s22 =	simm.s32 $0x2500;
	_ =	swait.ge [sflag:s21], $0x40;
	(pc) =	sbr.rel @!p1 .LBB2_2-.Ltmp0, $4  }
0xa9: {  	s12 =	simm.s32 $0x380;
	s15 =	simm.s32 $0x480;
	[sflag:s21] =	ssyncset.done $0x0  }
0xaa: {  	s24 =	simm.s32 $0x4500;
	s16 =	simm.s32 $0x400;
	[sflag:s21] =	ssyncadd.s32 $0xFFFFFFC0  }
0xab: {  	[tilespmem:s28], [sflag:$0x5] =	stream.indirect.gather [hbm4b:s4+s8], $0x80, s2, s8, $0x2000b8;
	[tilespmem:$0x1E100] =	vst v63  }
0xac: {  	s25 =	simm.s32 $0x6500;
	s26 =	simm.s32 $0x8500;
	s28 =	simm.s32 $0x1  }
0xad: {  	_ =	swait.ge [sflag:s28], $0x2000  }
0xae: {  	[sflag:s28] =	ssyncset.done $0x0  }
0xaf: {  	[sflag:s28] =	ssyncadd.s32 $0xFFFFE000  }
0xb0: {  	_ =	swait.ge [sflag:s29], $0x40  }
0xb1: {  	[sflag:s29] =	ssyncset.done $0x0  }
0xb2: {  	[sflag:s29] =	ssyncadd.s32 $0xFFFFFFC0  }
0xb3: {  	[spmem:s18] =	stream.indirect.scatter.add.f32 [tilespmem:s6], [sflag:$0x6], $0x80, s17, s8, $0x2000b8;
	[tilespmem:$0x1E100] =	vst v63  }
0xb4: {  	_ =	swait.ge [sflag:s30], $0x2000  }
0xb5: {  	[sflag:s30] =	ssyncset.done $0x0  }
0xb6: {  	[sflag:s30] =	ssyncadd.s32 $0xFFFFE000  }
0xb7: {  	_ =	swait.ge [sflag:s7], $0x40  }
0xb8: {  	[sflag:s7] =	ssyncset.done $0x0  }
0xb9: {  	s2 =	simm.s32 $0x3;
	[sflag:s7] =	ssyncadd.s32 $0xFFFFFFC0  }
0xba: {  	[spmem:s18] =	stream.indirect.scatter.add.f32 [tilespmem:s22], [sflag:$0x7], $0x80, s1, s8, $0x2000b8;
	[tilespmem:$0x1E100] =	vst v63  }
0xbb: {  	_ =	swait.ge [sflag:s2], $0x2000  }
0xbc: {  	[sflag:s2] =	ssyncset.done $0x0  }
0xbd: {  	s10 =	simm.s32 $0x12;
	[sflag:s2] =	ssyncadd.s32 $0xFFFFE000  }
0xbe: {  	_ =	swait.ge [sflag:s10], $0x40  }
0xbf: {  	[sflag:s10] =	ssyncset.done $0x0  }
0xc0: {  	s11 =	simm.s32 $0x4;
	[sflag:s10] =	ssyncadd.s32 $0xFFFFFFC0  }
0xc1: {  	[spmem:s18] =	stream.indirect.scatter.add.f32 [tilespmem:s24], [sflag:$0x8], $0x80, s12, s8, $0x2000b8;
	[tilespmem:$0x1E100] =	vst v63  }
0xc2: {  	_ =	swait.ge [sflag:s11], $0x2000  }
0xc3: {  	[sflag:s11] =	ssyncset.done $0x0  }
0xc4: {  	s13 =	simm.s32 $0x13;
	[sflag:s11] =	ssyncadd.s32 $0xFFFFE000  }
0xc5: {  	_ =	swait.ge [sflag:s13], $0x40  }
0xc6: {  	[sflag:s13] =	ssyncset.done $0x0  }
0xc7: {  	s14 =	simm.s32 $0x5;
	[sflag:s13] =	ssyncadd.s32 $0xFFFFFFC0  }
0xc8: {  	[spmem:s18] =	stream.indirect.scatter.add.f32 [tilespmem:s25], [sflag:$0x9], $0x80, s16, s8, $0x2000b8;
	[tilespmem:$0x1E100] =	vst v63  }
0xc9: {  	_ =	swait.ge [sflag:s14], $0x2000  }
0xca: {  	[sflag:s14] =	ssyncset.done $0x0  }
0xcb: {  	s31 =	simm.s32 $0x14;
	[sflag:s14] =	ssyncadd.s32 $0xFFFFE000  }
0xcc: {  	_ =	swait.ge [sflag:s31], $0x40  }
0xcd: {  	[sflag:s31] =	ssyncset.done $0x0  }
0xce: {  	s5 =	simm.s32 $0x6;
	[sflag:s31] =	ssyncadd.s32 $0xFFFFFFC0  }
0xcf: {  	[spmem:s18] =	stream.indirect.scatter.add.f32 [tilespmem:s26], [sflag:$0xA], $0x80, s15, s8, $0x2000b8;
	[tilespmem:$0x1E100] =	vst v63  }
0xd0: {  	_ =	swait.ge [sflag:s5], $0x2000  }
0xd1: {  	[sflag:s5] =	ssyncset.done $0x0  }
0xd2: {  	s7 =	simm.s32 $0x7;
	[sflag:s5] =	ssyncadd.s32 $0xFFFFE000  }
0xd3: {  	_ =	swait.ge [sflag:s7], $0x2000  }
0xd4: {  	[sflag:s7] =	ssyncset.done $0x0  }
0xd5: {  	s9 =	simm.s32 $0x8;
	[sflag:s7] =	ssyncadd.s32 $0xFFFFE000  }
0xd6: {  	_ =	swait.ge [sflag:s9], $0x2000  }
0xd7: {  	[sflag:s9] =	ssyncset.done $0x0  }
0xd8: {  	s10 =	simm.s32 $0x9;
	[sflag:s9] =	ssyncadd.s32 $0xFFFFE000  }
0xd9: {  	_ =	swait.ge [sflag:s10], $0x2000  }
0xda: {  	[sflag:s10] =	ssyncset.done $0x0  }
0xdb: {  	s11 =	simm.s32 $0xA;
	[sflag:s10] =	ssyncadd.s32 $0xFFFFE000  }
0xdc: {  	_ =	swait.ge [sflag:s11], $0x2000  }
0xdd: {  	[sflag:s11] =	ssyncset.done $0x0  }
0xde: {  	[sflag:s11] =	ssyncadd.s32 $0xFFFFE000  }
0xdf: {  	[bflag:$0x0] =	sbarrier.arrive $0xFFFF  }
0xe0: {  	_ =	strace $0x90000049  }
0xe1: {  	_ =	strace $0x8000004A  }
0xe2: {  	s9 =	rddreg [dreg:$0x11]  }
0xe3: {  	s13 =	rddreg [dreg:$0x15]  }
0xe4: {  	s2 =	simm.s32 $0x15;
	s5 =	rddreg [dreg:$0x16]  }
0xe5: {  	[hbm:s9], [sflag:s13] =	dma.local [spmem:s5], $0x2780  }
0xe6: {  	_ =	swait.ge [sflag:s2], $0x2780  }
0xe7: {  	s14 =	rddreg [dreg:$0x14]  }
0xe8: {  	s31 =	rddreg [dreg:$0x12];
	s7 =	sadd.s32 $0x1, s14  }
0xe9: {  	p1 =	sne.s32 s7, s31  }
.Ltmp1:
0xea: {  	_ = 	snop;
	(pc) =	sbr.rel @p1 .LBB2_1-.Ltmp1, $4  }
0xeb: {  	_ = 	snop  }
0xec: {  	s10 =	simm.s32 $0x80;
	[sflag:s2] =	ssyncset.done $0x0  }
0xed: {  	s11 =	simm.s32 $0x100;
	s13 =	simm.s32 $0x180;
	[sflag:s2] =	ssyncadd.s32 $0xFFFFD880  }
0xee: {  	s5 =	simm.s32 $0xB;
	s14 =	simm.s32 $0x200;
	_ =	strace $0x9000004A  }
0xef: {  	_ =	sfence.sel $0x180000  }
0xf0: {  	[bflag:$0x0] =	sbarrier.arrive $0xFFFF  }
0xf1: {  	_ =	strace $0x90000047  }
0xf2: {  	s0 =	stileid.u32;
	[bflag:$0x2] =	sbarrier.arrive $0xFFFF  }
0xf3: {  	p0 =	sne.s32 s0, $0x0;
	s0 =	rddreg [dreg:$0x2]  }
0xf4: {  	s0 =	sadd.s32 @!p0 $0x100000, s0  }
0xf5: {  	[sflag:s0] =	ssyncadd.tile.s32 @!p0 $0x1;
	_ =	shalt  }
.Lfunc_end2:
_tile_overlayer_lowered:
.L_overlay_start_2:
0xf6: {  	(tag) =	ssettag $0x2  }
0xf7: {  	s0 =	rddreg [dreg:$0x0];
	s2 =	stileid.u32  }
0xf8: {  	s1 =	rddreg [dreg:$0x1];
	p0 =	sne.s32 s2, $0x0  }
0xf9: {  	s3 =	rddreg [dreg:$0x2];
	[bflag:$0x3] =	sbarrier.arrive $0xFFFF;
	s2 =	simm.s32 @!p0 $0x1C15  }
0xfa: {  	[timem:s3], [sflag:s2] =	dma.local @!p0 [hbm:s0], s1  }
0xfb: {  	s0 =	simm.s32 @!p0 $0x15  }
0xfc: {  	_ =	swait.ge @!p0 [sflag:s0], s1  }
0xfd: {  	s1 =	ssub.s32 @!p0 $0x0, s1;
	[sflag:s0] =	ssyncset.done @!p0 $0x0  }
0xfe: {  	[sflag:s0] =	ssyncadd.s32 @!p0 s1  }
0xff: {  	[bflag:$0x3] =	sbarrier.arrive $0xFFFF  }
0x100: {  	_ =	shalt  }

// kernel: kernel.13.cloned.1.call-start
scs
__scs_entry_jumppad:
0x0: {  	(pc) =	sbr.rel $0x88, $3  }
0x1: {  	(tag) =	ssettag $0x0;
	lr =	simm.s32 $0x1  }
0x2: {  	[smem:$0x3F8E] =	sst lr;
	_ =	strace $0xD0000000  }
0x3: {  	_ = 	snop  }
0x4: {  	_ = 	snop  }
0x5: {  	_ = 	snop  }
0x6: {  	_ = 	snop  }
0x7: {  	_ = 	snop  }
__scs_overlays_trampoline_lowered:
0x8: {  	[smem:$0x3F9D] =	sst s0  }
0x9: {  	[smem:$0x3F9E] =	sst s1  }
0xa: {  	[smem:$0x3F9F] =	sst s2  }
0xb: {  	[smem:$0x3FA0] =	sst s3  }
0xc: {  	[smem:$0x3FA1] =	sst s4  }
0xd: {  	[smem:$0x3FA2] =	sst s5  }
0xe: {  	[smem:$0x3FA3] =	sst s6  }
0xf: {  	[smem:$0x3FA4] =	sst s7  }
0x10: {  	[smem:$0x3FA5] =	sst s8  }
0x11: {  	[smem:$0x3FA6] =	sst s9;
	s0 =	simm.s32 @!p0 $0x0  }
0x12: {  	s1 =	sld [smem:$0x3F8C];
	s0 =	simm.s32 @p0 $0x1  }
0x13: {  	[smem:$0x3FA7] =	sst s0;
	s0 =	simm.s32 @!p1 $0x0  }
0x14: {  	s2 =	sld [smem:$0x3F8B];
	s0 =	simm.s32 @p1 $0x1  }
0x15: {  	[smem:$0x3FA8] =	sst s0;
	s0 =	simm.s32 @!p2 $0x0  }
0x16: {  	s3 =	sld [smem:$0x3FDB];
	s0 =	simm.s32 @p2 $0x1  }
0x17: {  	s4 =	simm.s32 $0x1BF5;
	[smem:$0x3FAA] =	sst s0  }
0x18: {  	s0 =	sld [smem:$0x3F8D];
	_ =	swait.ge [sflag:s4], $0x0  }
0x19: {  	s7 =	sld [smem:$0x3F8E]  }
0x1a: {  	s8 =	sadd.s32 $0xFFFFE003, lr  }
0x1b: {  	s9 =	sadd.s32 $0xFFFFFEF7, lr;
	s5 =	simm.s32 $0xFFFFFFFF;
	p2 =	slt.u32 s8, $0xFFFFF086  }
0x1c: {  	p1 =	slt.u32 s9, $0xF7A;
	s5 =	simm.s32 @!p2 $0x0  }
0x1d: {  	s5 =	simm.s32 @p1 $0x1;
	p0 =	seq.s32 s7, s2  }
0x1e: {  	s7 =	smul.u32 @!p0 $0xF7A, s2;
	p2 =	seq.s32 @!p0 s5, $0x0  }
0x1f: {  	s9 =	smul.u32 $0xF7A, s1;
	s8 =	simm.s32 @!p0 $0x1BF5;
	p2 =	por !p2, p0  }
0x20: {  	[sflag:s8] =	ssyncset.s32 @!p0 $0xFFFFF086;
	s6 =	sadd.s32 @!p0 s3, s7;
	s7 =	simm.s32 @!p0 $0x108  }
0x21: {  	s3 =	sadd.s32 s3, s9;
	s6 =	sadd.s32 @!p0 $0x88, s6;
	s7 =	simm.s32 @p2 $0x1082  }
0x22: {  	[simem:s7], [sflag:s8] =	dma.local @!p0 [hbm:s6], $0xF7A  }
0x23: {  	s9 =	sor.u32 $0xD0000000, s2;
	s6 =	simm.s32 $0x108;
	_ =	swait.ge @!p0 [sflag:s8], $0x0  }
0x24: {  	s3 =	sadd.s32 $0x88, s3;
	s6 =	simm.s32 @!p1 $0x1082;
	[sflag:s4] =	ssyncset.s32 $0xFFFFF086  }
0x25: {  	[simem:s6], [sflag:s4] =	dma.local [hbm:s3], $0xF7A  }
0x26: {  	[smem:$0x3F8E] =	sst s1;
	(tag) =	ssettag s2;
	_ =	strace s9  }
0x27: {  	s1 =	sld [smem:$0x3F9E]  }
0x28: {  	s2 =	sld [smem:$0x3F9F]  }
0x29: {  	s4 =	sld [smem:$0x3FA1]  }
0x2a: {  	p0 =	seq.s32 s5, $0x0;
	s5 =	sld [smem:$0x3FA2]  }
0x2b: {  	s6 =	sld [smem:$0x3FA3]  }
0x2c: {  	s7 =	sld [smem:$0x3FA4]  }
0x2d: {  	s3 =	simm.s32 $0x108;
	s8 =	sld [smem:$0x3FA5]  }
0x2e: {  	s3 =	simm.s32 @!p0 $0x1082;
	s9 =	sld [smem:$0x3FA6]  }
0x2f: {  	lr =	sadd.s32 s0, s3;
	s0 =	sld [smem:$0x3F9D]  }
0x30: {  	s3 =	sld [smem:$0x3FA0]  }
0x31: {  	[smem:$0x3FA9] =	sst s10  }
0x32: {  	s10 =	sld [smem:$0x3FA7];
	_ =	sdelay $0x3  }
0x33: {  	p0 =	seq.s32 s10, $0x1;
	s10 =	sld [smem:$0x3FA9];
	_ =	sdelay $0x3  }
0x34: {  	[smem:$0x3FA9] =	sst s10  }
0x35: {  	s10 =	sld [smem:$0x3FA8];
	_ =	sdelay $0x3  }
0x36: {  	p1 =	seq.s32 s10, $0x1;
	s10 =	sld [smem:$0x3FA9];
	_ =	sdelay $0x3  }
0x37: {  	[smem:$0x3FA9] =	sst s10  }
0x38: {  	s10 =	sld [smem:$0x3FAA]  }
0x39: {  	_ = 	snop;
	(pc) =	sbr.ind lr, $3  }
0x3a: {  	_ = 	snop  }
0x3b: {  	_ = 	snop  }
0x3c: {  	p2 =	seq.s32 s10, $0x1;
	s10 =	sld [smem:$0x3FA9]  }
0x3d: {  	_ =	shalt  }
0x3e: {  	_ =	shalt  }
0x3f: {  	_ =	shalt  }
0x40: {  	_ =	shalt  }
0x41: {  	_ =	shalt  }
0x42: {  	_ =	shalt  }
0x43: {  	_ =	shalt  }
0x44: {  	_ =	shalt  }
0x45: {  	_ =	shalt  }
0x46: {  	_ =	shalt  }
0x47: {  	_ =	shalt  }
0x48: {  	_ =	shalt  }
0x49: {  	_ =	shalt  }
0x4a: {  	_ =	shalt  }
0x4b: {  	_ =	shalt  }
0x4c: {  	_ =	shalt  }
0x4d: {  	_ =	shalt  }
0x4e: {  	_ =	shalt  }
0x4f: {  	_ =	shalt  }
0x50: {  	_ =	shalt  }
0x51: {  	_ =	shalt  }
0x52: {  	_ =	shalt  }
0x53: {  	_ =	shalt  }
0x54: {  	_ =	shalt  }
0x55: {  	_ =	shalt  }
0x56: {  	_ =	shalt  }
0x57: {  	_ =	shalt  }
0x58: {  	_ =	shalt  }
0x59: {  	_ =	shalt  }
0x5a: {  	_ =	shalt  }
0x5b: {  	_ =	shalt  }
0x5c: {  	_ =	shalt  }
0x5d: {  	_ =	shalt  }
0x5e: {  	_ =	shalt  }
0x5f: {  	_ =	shalt  }
0x60: {  	_ =	shalt  }
0x61: {  	_ =	shalt  }
0x62: {  	_ =	shalt  }
0x63: {  	_ =	shalt  }
0x64: {  	_ =	shalt  }
0x65: {  	_ =	shalt  }
0x66: {  	_ =	shalt  }
0x67: {  	_ =	shalt  }
0x68: {  	_ =	shalt  }
0x69: {  	_ =	shalt  }
0x6a: {  	_ =	shalt  }
0x6b: {  	_ =	shalt  }
0x6c: {  	_ =	shalt  }
0x6d: {  	_ =	shalt  }
0x6e: {  	_ =	shalt  }
0x6f: {  	_ =	shalt  }
0x70: {  	_ =	shalt  }
0x71: {  	_ =	shalt  }
0x72: {  	_ =	shalt  }
0x73: {  	_ =	shalt  }
0x74: {  	_ =	shalt  }
0x75: {  	_ =	shalt  }
0x76: {  	_ =	shalt  }
0x77: {  	_ =	shalt  }
0x78: {  	_ =	shalt  }
0x79: {  	_ =	shalt  }
0x7a: {  	_ =	shalt  }
0x7b: {  	_ =	shalt  }
0x7c: {  	_ =	shalt  }
0x7d: {  	_ =	shalt  }
0x7e: {  	_ =	shalt  }
0x7f: {  	_ =	shalt  }
0x80: {  	_ =	shalt  }
0x81: {  	_ =	shalt  }
0x82: {  	_ =	shalt  }
0x83: {  	_ =	shalt  }
0x84: {  	_ =	shalt  }
0x85: {  	_ =	shalt  }
0x86: {  	_ =	shalt  }
0x87: {  	_ =	shalt  }
.Lfunc_end0:
.L_simem_size_0:
called_computation.1_lowered:
.L_overlay_start_0:
0x88: {  	s2 =	sld [smem:$0x3FD9]  }
0x89: {  	s3 =	sld [smem:$0x3FFE];
	_ =	sdelay $0x1  }
0x8a: {  	s1 =	srdreg.scid  }
0x8b: {  	s0 =	sand.u32 $0x1, s1  }
0x8c: {  	s16 =	sshll.u32 s0, $0xA;
	s2 =	sadd.s32 s3, s2  }
0x8d: {  	s2 =	sadd.s32 s2, s16  }
0x8e: {  	[smem:$0x3FB5] =	sst s2  }
0x8f: {  	_ = 	snop  }
0x90: {  	(tm) =	ssettm $0x1  }
0x91: {  	s17 =	sld [smem:$0x3FFB];
	_ =	sdelay $0x3  }
0x92: {  	_ =	strace s17  }
0x93: {  	s2 =	sld [smem:$0x3FFC];
	_ =	sdelay $0x3  }
0x94: {  	_ =	strace s2  }
0x95: {  	s2 =	sld [smem:$0x3FFD];
	_ =	sdelay $0x3  }
0x96: {  	_ =	strace s2  }
0x97: {  	_ =	strace $0x8FFFFFFF  }
0x98: {  	s18 =	sld [smem:$0x3FDB];
	_ =	sdelay $0x1  }
0x99: {  	s19 =	simm.s32 $_scs_section_size  }
0x9a: {  	s4 =	simm.s32 $_size__tile_overlayer_lowered;
	s5 =	simm.s32 $_tile_overlayer_lowered  }
0x9b: {  	s22 =	simm.s32 $0x1BFF;
	s21 =	sshll.u32 s5, $0x1;
	s2 =	sadd.s32 s19, s18  }
0x9c: {  	s6 =	simm.s32 $0x0;
	s20 =	sshll.u32 s4, $0x1;
	s4 =	sadd.s32 s21, s2  }
0x9d: {  	[timem:s6], [sflag:s22] =	dma.local [hbm:s4], s20  }
0x9e: {  	_ =	swait.ge [sflag:s22], s20  }
0x9f: {  	s3 =	ssub.s32 $0x0, s20;
	[sflag:s22] =	ssyncset.done $0x0  }
0xa0: {  	[sflag:s22] =	ssyncadd.s32 s3;
	_ =	sdelay $0x1  }
0xa1: {  	s23 =	simm.s32 $0x1B8B  }
0xa2: {  	_ =	swait.ge [sflag:s23], $0x1  }
0xa3: {  	[sflag:s23] =	ssyncset.done $0x0  }
0xa4: {  	s25 =	simm.s32 $0x1B8E;
	s24 =	sld [smem:$0x3FFE];
	[sflag:s23] =	ssyncadd.s32 $0xFFFFFFFF  }
0xa5: {  	s26 =	simm.s32 $execute0_lowered;
	[smem:$0x3FD2] =	sst s25  }
0xa6: {  	s4 =	sshll.u32 s26, $0x1;
	_ =	strace $0x8000004C;
	[dreg:$0x1] =	wrdreg $0xFFFFFFFF  }
0xa7: {  	s28 =	simm.s32 $_size_execute0_lowered;
	s2 =	sadd.s32 s2, s4;
	[dreg:$0x0] =	wrdreg $0x0  }
0xa8: {  	s4 =	sshll.u32 s28, $0x1;
	[dreg:$0x2] =	wrdreg s2  }
0xa9: {  	[dreg:$0x3] =	wrdreg s4  }
0xaa: {  	[dreg:$0x4] =	wrdreg $0xC0  }
0xab: {  	_ =	task [dreg:s6], $0x5FFFF  }
0xac: {  	[dreg:$0x1] =	wrdreg $0xFFFFFFFF  }
0xad: {  	[dreg:$0x0] =	wrdreg $0x60  }
0xae: {  	[dreg:$0x2] =	wrdreg s24  }
0xaf: {  	[dreg:$0x3] =	wrdreg $0xA5000  }
0xb0: {  	[dreg:$0x4] =	wrdreg $0x9  }
0xb1: {  	_ =	task.clear_ibuf [dreg:s6], $0x5FFFF;
	_ =	strace $0x9000004C  }
0xb2: {  	s29 =	simm.s32 $0x9;
	_ =	strace $0x80000051  }
0xb3: {  	_ =	swait.ge [sflag:s29], $0x1  }
0xb4: {  	[sflag:s29] =	ssyncadd.s32 $0xFFFFFFFF  }
0xb5: {  	_ =	strace $0x90000051  }
0xb6: {  	_ =	sfence  }
0xb7: {  	s30 =	sld [smem:$0x0];
	_ =	sdelay $0x2  }
0xb8: {  	s31 =	sshll.u32 s1, $0xD;
	s1 =	sshrl.u32 s1, $0x2  }
0xb9: {  	s3 =	sand.u32 $0x4000, s31;
	s1 =	sadd.s32 s1, s30  }
0xba: {  	s0 =	sor.u32 s3, s0;
	s1 =	sshll.u32 s1, $0x11  }
0xbb: {  	s0 =	sor.u32 s1, s0  }
0xbc: {  	s0 =	sadd.s32 $0x8F2B, s0  }
0xbd: {  	[sflag:s0] =	ssyncadd.remote.s32 $0x1  }
0xbe: {  	_ =	sfence.sel $0xFFFF  }
0xbf: {  	[dreg:$0x0] =	wrdreg $0xFFFFFFFF;
	(pc) =	sbr.abs _section_cstart, $3  }
0xc0: {  	[dreg:$0x1] =	wrdreg $0xFFFFFFFF  }
0xc1: {  	_ =	task.clear_ibuf [dreg:s6], $0x2FFFF;
	_ =	strace $0x9FFFFFFF  }
0xc2: {  	(tm) =	ssettm $0x7FFFFFFF  }
0xc3: {  	_ =	shalt  }
tec
execute0_lowered:
.L_overlay_start_1:
0x0: {  	(tag) =	ssettag $0x1  }
0x1: {  	s0 =	rddreg [dreg:$0x0]  }
0x2: {  	s18 =	rddreg [dreg:$0x1];
	s3 =	simm.s32 $0x0;
	s10 =	stileid.u32  }
0x3: {  	s1 =	srdreg.scid;
	s28 =	simm.s32 $0x1;
	s29 =	simm.s32 $0x10  }
0x4: {  	s30 =	simm.s32 $0x2;
	[smem:$0x7FF] =	sst s3;
	s5 =	smul.u32 $0x13C00, s10  }
0x5: {  	s14 =	sand.u32 $0x1, s1;
	s4 =	sadd.s32 $0xC800, s0;
	s7 =	smul.u32 $0xA, s10  }
0x6: {  	s11 =	sadd.s32 $0x2A00, s0;
	s12 =	sadd.s32 $0x145000, s0;
	s9 =	smul.u32 $0x131, s10  }
0x7: {  	s21 =	smul.u32 $0x4F000, s10;
	s10 =	simm.s32 $0x80;
	_ =	strace $0x8000004D  }
0x8: {  	s6 =	smul.u32 $0x13C000, s14;
	p0 =	seq.s32 s14, $0x0;
	[dreg:$0x3] =	wrdreg s11  }
0x9: {  	s31 =	ssub.s32 $0x2, s14;
	[dreg:$0x4] =	wrdreg s12;
	s8 =	sshrl.u32 s5, $0x3  }
0xa: {  	s7 =	sadd.s32 $0x1310, s7;
	s1 =	sshrl.u32 s31, $0x1;
	s25 =	sshrl.u32 s21, $0x2  }
0xb: {  	s21 =	simm.s32 $0xF;
	s8 =	sadd.s32 s8, s0;
	s5 =	sadd.s32 s5, s6  }
0xc: {  	s7 =	smov.u32 @p0 s9;
	p0 =	sne.s32 s14, $0x0;
	s14 =	simm.s32 $0x200  }
0xd: {  	s5 =	sshrl.u32 s5, $0x3;
	s2 =	sshll.u32 s7, $0x3;
	s7 =	ssub.s32 s31, s1  }
0xe: {  	s26 =	sadd.s32 $0x14EE00, s8;
	s1 =	simm.s32 $0x300;
	s8 =	simm.s32 $0x40  }
0xf: {  	s0 =	sadd.s32 s5, s0;
	s9 =	sadd.s32 s11, s2;
	[dreg:$0x13] =	wrdreg s2  }
0x10: {  	s13 =	sadd.s32 s12, s2;
	s15 =	sadd.s32 $0x8, s2;
	[dreg:$0x10] =	wrdreg s26  }
0x11: {  	s16 =	sadd.s32 $0x10, s2;
	s20 =	sadd.s32 $0x18, s2;
	[dreg:$0x5] =	wrdreg s9  }
0x12: {  	s23 =	sadd.s32 $0x20, s2;
	s31 =	smax.u32 s7, $0x1;
	[dreg:$0x6] =	wrdreg s13  }
0x13: {  	s2 =	simm.s32 $0x15;
	s13 =	sadd.s32 s11, s15;
	[dreg:$0x12] =	wrdreg s31  }
0x14: {  	s5 =	simm.s32 $0xB;
	s6 =	sadd.s32 s12, s15;
	[dreg:$0x7] =	wrdreg s13  }
0x15: {  	s26 =	simm.s32 $0x8500;
	s17 =	sadd.s32 s11, s16;
	[dreg:$0x8] =	wrdreg s6  }
0x16: {  	s7 =	simm.s32 $0x0;
	s19 =	sadd.s32 s12, s16;
	[dreg:$0x9] =	wrdreg s17  }
0x17: {  	s22 =	sadd.s32 s11, s20;
	s24 =	sadd.s32 s11, s23;
	[dreg:$0xa] =	wrdreg s19  }
0x18: {  	s0 =	sadd.s32 $0x176600, s0;
	s11 =	simm.s32 $0x100;
	[dreg:$0xb] =	wrdreg s22  }
0x19: {  	s16 =	simm.s32 $0x400;
	s15 =	simm.s32 $0x480;
	[dreg:$0xd] =	wrdreg s24  }
0x1a: {  	s6 =	sadd.s32 s12, s20;
	[dreg:$0x11] =	wrdreg s0;
	s17 =	simm.s32 $0x280  }
0x1b: {  	s13 =	simm.s32 $0x180;
	s0 =	simm.s32 $0xC;
	s22 =	simm.s32 $0x2500  }
0x1c: {  	s24 =	simm.s32 $0x4500;
	s19 =	simm.s32 $0xE;
	s20 =	simm.s32 $0x100  }
0x1d: {  	[dreg:$0xc] =	wrdreg s6;
	s6 =	sadd.s32 s12, s23;
	s12 =	simm.s32 $0x380  }
0x1e: {  	s23 =	simm.s32 $0xD;
	[dreg:$0xe] =	wrdreg s6;
	s6 =	sadd.s32 s25, s18  }
0x1f: {  	s25 =	simm.s32 $0x6500;
	[dreg:$0xf] =	wrdreg s6;
	s6 =	simm.s32 $0x500  }
.LBB2_1:
0x20: {  	[dreg:$0x14] =	wrdreg s7  }
0x21: {  	_ =	strace $0x8000004E  }
0x22: {  	s9 =	rddreg [dreg:$0x5]  }
0x23: {  	[tilespmem:s3], [sflag:$0xB] =	stream.linear.gather [hbm4b:s9+s3], $0x40, $0x200038;
	[tilespmem:$0x1E100] =	vst v63  }
0x24: {  	s7 =	rddreg [dreg:$0x6]  }
0x25: {  	[tilespmem:s17], [sflag:$0x10] =	stream.linear.gather [hbm4b:s7+s3], $0x40, $0x200038;
	[tilespmem:$0x1E100] =	vst v63  }
0x26: {  	s17 =	rddreg [dreg:$0x7]  }
0x27: {  	[tilespmem:s10], [sflag:$0xC] =	stream.linear.gather [hbm4b:s17+s3], $0x40, $0x200038;
	[tilespmem:$0x1E100] =	vst v63  }
0x28: {  	s7 =	rddreg [dreg:$0x8]  }
0x29: {  	[tilespmem:s1], [sflag:$0x11] =	stream.linear.gather [hbm4b:s7+s3], $0x40, $0x200038;
	[tilespmem:$0x1E100] =	vst v63  }
0x2a: {  	s17 =	rddreg [dreg:$0x9]  }
0x2b: {  	[tilespmem:s11], [sflag:$0xD] =	stream.linear.gather [hbm4b:s17+s3], $0x40, $0x200038;
	[tilespmem:$0x1E100] =	vst v63  }
0x2c: {  	s1 =	rddreg [dreg:$0xa]  }
0x2d: {  	[tilespmem:s12], [sflag:$0x12] =	stream.linear.gather [hbm4b:s1+s3], $0x40, $0x200038;
	[tilespmem:$0x1E100] =	vst v63  }
0x2e: {  	s7 =	rddreg [dreg:$0xb]  }
0x2f: {  	[tilespmem:s13], [sflag:$0xE] =	stream.linear.gather [hbm4b:s7+s3], $0x40, $0x200038;
	[tilespmem:$0x1E100] =	vst v63  }
0x30: {  	s17 =	rddreg [dreg:$0xd];
	s7 =	stileid.u32  }
0x31: {  	s12 =	rddreg [dreg:$0xc];
	s9 =	sshll.u32 s7, $0x6  }
0x32: {  	[tilespmem:s16], [sflag:$0x13] =	stream.linear.gather [hbm4b:s12+s3], $0x40, $0x200038;
	[tilespmem:$0x1E100] =	vst v63  }
0x33: {  	s1 =	rddreg [dreg:$0xe];
	s12 =	sor.u32 $0x1C15, s9  }
0x34: {  	[tilespmem:s14], [sflag:$0xF] =	stream.linear.gather [hbm4b:s17+s3], $0x40, $0x200038;
	[tilespmem:$0x1E100] =	vst v63  }
0x35: {  	[dreg:$0x15] =	wrdreg s12  }
0x36: {  	[tilespmem:s15], [sflag:$0x14] =	stream.linear.gather [hbm4b:s1+s3], $0x40, $0x200038;
	[tilespmem:$0x1E100] =	vst v63  }
0x37: {  	s15 =	rddreg [dreg:$0xf]  }
0x38: {  	s17 =	rddreg [dreg:$0x10];
	s16 =	sshrl.u32 s15, $0x3  }
0x39: {  	[dreg:$0x16] =	wrdreg s16  }
0x3a: {  	[spmem:s16], [sflag:s12] =	dma.local [hbm:s17], $0x2780  }
0x3b: {  	_ =	swait.ge [sflag:s2], $0x2780  }
0x3c: {  	[sflag:s2] =	ssyncset.done $0x0  }
0x3d: {  	[sflag:s2] =	ssyncadd.s32 $0xFFFFD880  }
0x3e: {  	_ =	swait.ge [sflag:s5], $0x40  }
0x3f: {  	[sflag:s5] =	ssyncset.done $0x0  }
0x40: {  	[sflag:s5] =	ssyncadd.s32 $0xFFFFFFC0  }
0x41: {  	[tilespmem:s6], [sflag:$0x1] =	stream.indirect.gather [hbm4b:s4+s8], $0x80, s3, s8, $0x2000b8;
	[tilespmem:$0x1E100] =	vst v63  }
0x42: {  	_ =	swait.ge [sflag:s0], $0x40  }
0x43: {  	[sflag:s0] =	ssyncset.done $0x0  }
0x44: {  	[sflag:s0] =	ssyncadd.s32 $0xFFFFFFC0  }
0x45: {  	[tilespmem:s22], [sflag:$0x2] =	stream.indirect.gather [hbm4b:s4+s8], $0x80, s10, s8, $0x2000b8;
	[tilespmem:$0x1E100] =	vst v63  }
0x46: {  	_ =	swait.ge [sflag:s23], $0x40  }
0x47: {  	[sflag:s23] =	ssyncset.done $0x0  }
0x48: {  	[sflag:s23] =	ssyncadd.s32 $0xFFFFFFC0  }
0x49: {  	[tilespmem:s24], [sflag:$0x3] =	stream.indirect.gather [hbm4b:s4+s8], $0x80, s11, s8, $0x2000b8;
	[tilespmem:$0x1E100] =	vst v63  }
0x4a: {  	_ =	swait.ge [sflag:s19], $0x40  }
0x4b: {  	[sflag:s19] =	ssyncset.done $0x0  }
0x4c: {  	[sflag:s19] =	ssyncadd.s32 $0xFFFFFFC0  }
0x4d: {  	[tilespmem:s25], [sflag:$0x4] =	stream.indirect.gather [hbm4b:s4+s8], $0x80, s13, s8, $0x2000b8;
	[tilespmem:$0x1E100] =	vst v63  }
0x4e: {  	_ =	swait.ge [sflag:s21], $0x40  }
0x4f: {  	[sflag:s21] =	ssyncset.done $0x0  }
0x50: {  	[sflag:s21] =	ssyncadd.s32 $0xFFFFFFC0  }
0x51: {  	[tilespmem:s26], [sflag:$0x5] =	stream.indirect.gather [hbm4b:s4+s8], $0x80, s14, s8, $0x2000b8;
	[tilespmem:$0x1E100] =	vst v63  }
0x52: {  	[bflag:$0x0] =	sbarrier.arrive $0xFFFF  }
0x53: {  	_ =	strace $0x9000004E  }
0x54: {  	_ =	strace $0x8000004F  }
0x55: {  	s31 =	rddreg [dreg:$0x3]  }
0x56: {  	s7 =	simm.s32 $0x11;
	s9 =	rddreg [dreg:$0x4]  }
0x57: {  	s5 =	simm.s32 $0xB;
	s11 =	simm.s32 $0x0;
	s10 =	rddreg [dreg:$0x13]  }
.LBB2_2:
0x58: {  	_ =	swait.ge [sflag:s28], $0x2000  }
0x59: {  	s13 =	sadd.s32 s31, s10;
	[sflag:s28] =	ssyncset.done $0x0  }
0x5a: {  	s15 =	sadd.s32 $0x28, s13;
	[sflag:s28] =	ssyncadd.s32 $0xFFFFE000  }
0x5b: {  	[tilespmem:s3], [sflag:$0xB] =	stream.linear.gather [hbm4b:s15+s3], $0x40, $0x200038;
	[tilespmem:$0x1E100] =	vst v63  }
0x5c: {  	_ =	swait.ge [sflag:s29], $0x40  }
0x5d: {  	[sflag:s29] =	ssyncset.done $0x0  }
0x5e: {  	s1 =	simm.s32 $0x280;
	s0 =	simm.s32 $0x500;
	[sflag:s29] =	ssyncadd.s32 $0xFFFFFFC0  }
0x5f: {  	[spmem:s18] =	stream.indirect.scatter.add.f32 [tilespmem:s0], [sflag:$0x6], $0x80, s1, s8, $0x2000b8;
	[tilespmem:$0x1E100] =	vst v63  }
0x60: {  	_ =	swait.ge [sflag:s30], $0x2000  }
0x61: {  	[sflag:s30] =	ssyncset.done $0x0  }
0x62: {  	s24 =	simm.s32 $0x80;
	s21 =	sadd.s32 $0x30, s13;
	[sflag:s30] =	ssyncadd.s32 $0xFFFFE000  }
0x63: {  	[tilespmem:s24], [sflag:$0xC] =	stream.linear.gather [hbm4b:s21+s3], $0x40, $0x200038;
	[tilespmem:$0x1E100] =	vst v63  }
0x64: {  	_ =	swait.ge [sflag:s7], $0x40  }
0x65: {  	s12 =	simm.s32 $0x300;
	[sflag:s7] =	ssyncset.done $0x0  }
0x66: {  	s23 =	simm.s32 $0x2500;
	s2 =	simm.s32 $0x3;
	[sflag:s7] =	ssyncadd.s32 $0xFFFFFFC0  }
0x67: {  	[spmem:s18] =	stream.indirect.scatter.add.f32 [tilespmem:s23], [sflag:$0x7], $0x80, s12, s8, $0x2000b8;
	[tilespmem:$0x1E100] =	vst v63  }
0x68: {  	_ =	swait.ge [sflag:s2], $0x2000  }
0x69: {  	[sflag:s2] =	ssyncset.done $0x0  }
0x6a: {  	s25 =	simm.s32 $0x12;
	s22 =	sadd.s32 $0x38, s13;
	[sflag:s2] =	ssyncadd.s32 $0xFFFFE000  }
0x6b: {  	[tilespmem:s20], [sflag:$0xD] =	stream.linear.gather [hbm4b:s22+s3], $0x40, $0x200038;
	[tilespmem:$0x1E100] =	vst v63  }
0x6c: {  	_ =	swait.ge [sflag:s25], $0x40  }
0x6d: {  	s16 =	simm.s32 $0x380;
	[sflag:s25] =	ssyncset.done $0x0  }
0x6e: {  	s26 =	simm.s32 $0x4;
	[sflag:s25] =	ssyncadd.s32 $0xFFFFFFC0;
	s25 =	simm.s32 $0x4500  }
0x6f: {  	[spmem:s18] =	stream.indirect.scatter.add.f32 [tilespmem:s25], [sflag:$0x8], $0x80, s16, s8, $0x2000b8;
	[tilespmem:$0x1E100] =	vst v63  }
0x70: {  	_ =	swait.ge [sflag:s26], $0x2000  }
0x71: {  	[sflag:s26] =	ssyncset.done $0x0  }
0x72: {  	s14 =	simm.s32 $0x180;
	s6 =	sadd.s32 $0x40, s13;
	[sflag:s26] =	ssyncadd.s32 $0xFFFFE000  }
0x73: {  	[tilespmem:s14], [sflag:$0xE] =	stream.linear.gather [hbm4b:s6+s3], $0x40, $0x200038;
	[tilespmem:$0x1E100] =	vst v63  }
0x74: {  	s6 =	simm.s32 $0x13  }
0x75: {  	_ =	swait.ge [sflag:s6], $0x40  }
0x76: {  	s19 =	simm.s32 $0x400;
	[sflag:s6] =	ssyncset.done $0x0  }
0x77: {  	s17 =	simm.s32 $0x5;
	s26 =	simm.s32 $0x6500;
	[sflag:s6] =	ssyncadd.s32 $0xFFFFFFC0  }
0x78: {  	[spmem:s18] =	stream.indirect.scatter.add.f32 [tilespmem:s26], [sflag:$0x9], $0x80, s19, s8, $0x2000b8;
	[tilespmem:$0x1E100] =	vst v63  }
0x79: {  	_ =	swait.ge [sflag:s17], $0x2000  }
0x7a: {  	s13 =	sadd.s32 $0x48, s13;
	[sflag:s17] =	ssyncset.done $0x0  }
0x7b: {  	s21 =	simm.s32 $0x14;
	s2 =	simm.s32 $0x200;
	[sflag:s17] =	ssyncadd.s32 $0xFFFFE000  }
0x7c: {  	[tilespmem:s2], [sflag:$0xF] =	stream.linear.gather [hbm4b:s13+s3], $0x40, $0x200038;
	[tilespmem:$0x1E100] =	vst v63  }
0x7d: {  	_ =	swait.ge [sflag:s21], $0x40  }
0x7e: {  	s28 =	simm.s32 $0x8500;
	[sflag:s21] =	ssyncset.done $0x0  }
0x7f: {  	s22 =	simm.s32 $0x6;
	[sflag:s21] =	ssyncadd.s32 $0xFFFFFFC0;
	s21 =	simm.s32 $0x480  }
0x80: {  	[spmem:s18] =	stream.indirect.scatter.add.f32 [tilespmem:s28], [sflag:$0xA], $0x80, s21, s8, $0x2000b8;
	[tilespmem:$0x1E100] =	vst v63  }
0x81: {  	_ =	swait.ge [sflag:s22], $0x2000  }
0x82: {  	s13 =	sadd.s32 s9, s10;
	[sflag:s22] =	ssyncset.done $0x0  }
0x83: {  	s6 =	sadd.s32 $0x28, s13;
	[sflag:s22] =	ssyncadd.s32 $0xFFFFE000  }
0x84: {  	[tilespmem:s1], [sflag:$0x10] =	stream.linear.gather [hbm4b:s6+s3], $0x40, $0x200038;
	[tilespmem:$0x1E100] =	vst v63  }
0x85: {  	_ =	swait.ge [sflag:s5], $0x40  }
0x86: {  	[sflag:s5] =	ssyncset.done $0x0  }
0x87: {  	s15 =	simm.s32 $0x7;
	[sflag:s5] =	ssyncadd.s32 $0xFFFFFFC0  }
0x88: {  	[tilespmem:s0], [sflag:$0x1] =	stream.indirect.gather [hbm4b:s4+s8], $0x80, s3, s8, $0x2000b8;
	[tilespmem:$0x1E100] =	vst v63  }
0x89: {  	_ =	swait.ge [sflag:s15], $0x2000  }
0x8a: {  	[sflag:s15] =	ssyncset.done $0x0  }
0x8b: {  	s22 =	sadd.s32 $0x30, s13;
	s0 =	simm.s32 $0xC;
	[sflag:s15] =	ssyncadd.s32 $0xFFFFE000  }
0x8c: {  	[tilespmem:s12], [sflag:$0x11] =	stream.linear.gather [hbm4b:s22+s3], $0x40, $0x200038;
	[tilespmem:$0x1E100] =	vst v63  }
0x8d: {  	_ =	swait.ge [sflag:s0], $0x40  }
0x8e: {  	[sflag:s0] =	ssyncset.done $0x0  }
0x8f: {  	s15 =	simm.s32 $0x8;
	[sflag:s0] =	ssyncadd.s32 $0xFFFFFFC0  }
0x90: {  	[tilespmem:s23], [sflag:$0x2] =	stream.indirect.gather [hbm4b:s4+s8], $0x80, s24, s8, $0x2000b8;
	[tilespmem:$0x1E100] =	vst v63  }
0x91: {  	_ =	swait.ge [sflag:s15], $0x2000  }
0x92: {  	[sflag:s15] =	ssyncset.done $0x0  }
0x93: {  	s23 =	simm.s32 $0xD;
	s24 =	sadd.s32 $0x38, s13;
	[sflag:s15] =	ssyncadd.s32 $0xFFFFE000  }
0x94: {  	[tilespmem:s16], [sflag:$0x12] =	stream.linear.gather [hbm4b:s24+s3], $0x40, $0x200038;
	[tilespmem:$0x1E100] =	vst v63  }
0x95: {  	_ =	swait.ge [sflag:s23], $0x40  }
0x96: {  	[sflag:s23] =	ssyncset.done $0x0  }
0x97: {  	s16 =	simm.s32 $0x9;
	[sflag:s23] =	ssyncadd.s32 $0xFFFFFFC0  }
0x98: {  	[tilespmem:s25], [sflag:$0x3] =	stream.indirect.gather [hbm4b:s4+s8], $0x80, s20, s8, $0x2000b8;
	[tilespmem:$0x1E100] =	vst v63  }
0x99: {  	_ =	swait.ge [sflag:s16], $0x2000  }
0x9a: {  	[sflag:s16] =	ssyncset.done $0x0  }
0x9b: {  	s25 =	sadd.s32 $0x40, s13;
	[sflag:s16] =	ssyncadd.s32 $0xFFFFE000  }
0x9c: {  	[tilespmem:s19], [sflag:$0x13] =	stream.linear.gather [hbm4b:s25+s3], $0x40, $0x200038;
	[tilespmem:$0x1E100] =	vst v63  }
0x9d: {  	s19 =	simm.s32 $0xE  }
0x9e: {  	_ =	swait.ge [sflag:s19], $0x40  }
0x9f: {  	[sflag:s19] =	ssyncset.done $0x0  }
0xa0: {  	[sflag:s19] =	ssyncadd.s32 $0xFFFFFFC0  }
0xa1: {  	[tilespmem:s26], [sflag:$0x4] =	stream.indirect.gather [hbm4b:s4+s8], $0x80, s14, s8, $0x2000b8;
	[tilespmem:$0x1E100] =	vst v63  }
0xa2: {  	p1 =	slt.u32 @!p0 s11, $0x3B;
	s26 =	simm.s32 $0xA  }
0xa3: {  	s11 =	sadd.s32 $0x1, s11;
	s31 =	sadd.s32 $0x28, s31;
	_ =	swait.ge [sflag:s26], $0x2000  }
0xa4: {  	p1 =	por p0, !p1;
	s17 =	simm.s32 $0x280;
	[sflag:s26] =	ssyncset.done $0x0  }
0xa5: {  	s9 =	sadd.s32 $0x28, s9;
	s13 =	sadd.s32 $0x48, s13;
	[sflag:s26] =	ssyncadd.s32 $0xFFFFE000  }
0xa6: {  	[tilespmem:s21], [sflag:$0x14] =	stream.linear.gather [hbm4b:s13+s3], $0x40, $0x200038;
	[tilespmem:$0x1E100] =	vst v63  }
0xa7: {  	s6 =	simm.s32 $0x500;
	s1 =	simm.s32 $0x300;
	s21 =	simm.s32 $0xF  }
.Ltmp0:
0xa8: {  	s22 =	simm.s32 $0x2500;
	_ =	swait.ge [sflag:s21], $0x40;
	(pc) =	sbr.rel @!p1 .LBB2_2-.Ltmp0, $4  }
0xa9: {  	s12 =	simm.s32 $0x380;
	s15 =	simm.s32 $0x480;
	[sflag:s21] =	ssyncset.done $0x0  }
0xaa: {  	s24 =	simm.s32 $0x4500;
	s16 =	simm.s32 $0x400;
	[sflag:s21] =	ssyncadd.s32 $0xFFFFFFC0  }
0xab: {  	[tilespmem:s28], [sflag:$0x5] =	stream.indirect.gather [hbm4b:s4+s8], $0x80, s2, s8, $0x2000b8;
	[tilespmem:$0x1E100] =	vst v63  }
0xac: {  	s25 =	simm.s32 $0x6500;
	s26 =	simm.s32 $0x8500;
	s28 =	simm.s32 $0x1  }
0xad: {  	_ =	swait.ge [sflag:s28], $0x2000  }
0xae: {  	[sflag:s28] =	ssyncset.done $0x0  }
0xaf: {  	[sflag:s28] =	ssyncadd.s32 $0xFFFFE000  }
0xb0: {  	_ =	swait.ge [sflag:s29], $0x40  }
0xb1: {  	[sflag:s29] =	ssyncset.done $0x0  }
0xb2: {  	[sflag:s29] =	ssyncadd.s32 $0xFFFFFFC0  }
0xb3: {  	[spmem:s18] =	stream.indirect.scatter.add.f32 [tilespmem:s6], [sflag:$0x6], $0x80, s17, s8, $0x2000b8;
	[tilespmem:$0x1E100] =	vst v63  }
0xb4: {  	_ =	swait.ge [sflag:s30], $0x2000  }
0xb5: {  	[sflag:s30] =	ssyncset.done $0x0  }
0xb6: {  	[sflag:s30] =	ssyncadd.s32 $0xFFFFE000  }
0xb7: {  	_ =	swait.ge [sflag:s7], $0x40  }
0xb8: {  	[sflag:s7] =	ssyncset.done $0x0  }
0xb9: {  	s2 =	simm.s32 $0x3;
	[sflag:s7] =	ssyncadd.s32 $0xFFFFFFC0  }
0xba: {  	[spmem:s18] =	stream.indirect.scatter.add.f32 [tilespmem:s22], [sflag:$0x7], $0x80, s1, s8, $0x2000b8;
	[tilespmem:$0x1E100] =	vst v63  }
0xbb: {  	_ =	swait.ge [sflag:s2], $0x2000  }
0xbc: {  	[sflag:s2] =	ssyncset.done $0x0  }
0xbd: {  	s10 =	simm.s32 $0x12;
	[sflag:s2] =	ssyncadd.s32 $0xFFFFE000  }
0xbe: {  	_ =	swait.ge [sflag:s10], $0x40  }
0xbf: {  	[sflag:s10] =	ssyncset.done $0x0  }
0xc0: {  	s11 =	simm.s32 $0x4;
	[sflag:s10] =	ssyncadd.s32 $0xFFFFFFC0  }
0xc1: {  	[spmem:s18] =	stream.indirect.scatter.add.f32 [tilespmem:s24], [sflag:$0x8], $0x80, s12, s8, $0x2000b8;
	[tilespmem:$0x1E100] =	vst v63  }
0xc2: {  	_ =	swait.ge [sflag:s11], $0x2000  }
0xc3: {  	[sflag:s11] =	ssyncset.done $0x0  }
0xc4: {  	s13 =	simm.s32 $0x13;
	[sflag:s11] =	ssyncadd.s32 $0xFFFFE000  }
0xc5: {  	_ =	swait.ge [sflag:s13], $0x40  }
0xc6: {  	[sflag:s13] =	ssyncset.done $0x0  }
0xc7: {  	s14 =	simm.s32 $0x5;
	[sflag:s13] =	ssyncadd.s32 $0xFFFFFFC0  }
0xc8: {  	[spmem:s18] =	stream.indirect.scatter.add.f32 [tilespmem:s25], [sflag:$0x9], $0x80, s16, s8, $0x2000b8;
	[tilespmem:$0x1E100] =	vst v63  }
0xc9: {  	_ =	swait.ge [sflag:s14], $0x2000  }
0xca: {  	[sflag:s14] =	ssyncset.done $0x0  }
0xcb: {  	s31 =	simm.s32 $0x14;
	[sflag:s14] =	ssyncadd.s32 $0xFFFFE000  }
0xcc: {  	_ =	swait.ge [sflag:s31], $0x40  }
0xcd: {  	[sflag:s31] =	ssyncset.done $0x0  }
0xce: {  	s5 =	simm.s32 $0x6;
	[sflag:s31] =	ssyncadd.s32 $0xFFFFFFC0  }
0xcf: {  	[spmem:s18] =	stream.indirect.scatter.add.f32 [tilespmem:s26], [sflag:$0xA], $0x80, s15, s8, $0x2000b8;
	[tilespmem:$0x1E100] =	vst v63  }
0xd0: {  	_ =	swait.ge [sflag:s5], $0x2000  }
0xd1: {  	[sflag:s5] =	ssyncset.done $0x0  }
0xd2: {  	s7 =	simm.s32 $0x7;
	[sflag:s5] =	ssyncadd.s32 $0xFFFFE000  }
0xd3: {  	_ =	swait.ge [sflag:s7], $0x2000  }
0xd4: {  	[sflag:s7] =	ssyncset.done $0x0  }
0xd5: {  	s9 =	simm.s32 $0x8;
	[sflag:s7] =	ssyncadd.s32 $0xFFFFE000  }
0xd6: {  	_ =	swait.ge [sflag:s9], $0x2000  }
0xd7: {  	[sflag:s9] =	ssyncset.done $0x0  }
0xd8: {  	s10 =	simm.s32 $0x9;
	[sflag:s9] =	ssyncadd.s32 $0xFFFFE000  }
0xd9: {  	_ =	swait.ge [sflag:s10], $0x2000  }
0xda: {  	[sflag:s10] =	ssyncset.done $0x0  }
0xdb: {  	s11 =	simm.s32 $0xA;
	[sflag:s10] =	ssyncadd.s32 $0xFFFFE000  }
0xdc: {  	_ =	swait.ge [sflag:s11], $0x2000  }
0xdd: {  	[sflag:s11] =	ssyncset.done $0x0  }
0xde: {  	[sflag:s11] =	ssyncadd.s32 $0xFFFFE000  }
0xdf: {  	[bflag:$0x0] =	sbarrier.arrive $0xFFFF  }
0xe0: {  	_ =	strace $0x9000004F  }
0xe1: {  	_ =	strace $0x80000050  }
0xe2: {  	s9 =	rddreg [dreg:$0x11]  }
0xe3: {  	s13 =	rddreg [dreg:$0x15]  }
0xe4: {  	s2 =	simm.s32 $0x15;
	s5 =	rddreg [dreg:$0x16]  }
0xe5: {  	[hbm:s9], [sflag:s13] =	dma.local [spmem:s5], $0x2780  }
0xe6: {  	_ =	swait.ge [sflag:s2], $0x2780  }
0xe7: {  	s14 =	rddreg [dreg:$0x14]  }
0xe8: {  	s31 =	rddreg [dreg:$0x12];
	s7 =	sadd.s32 $0x1, s14  }
0xe9: {  	p1 =	sne.s32 s7, s31  }
.Ltmp1:
0xea: {  	_ = 	snop;
	(pc) =	sbr.rel @p1 .LBB2_1-.Ltmp1, $4  }
0xeb: {  	_ = 	snop  }
0xec: {  	s10 =	simm.s32 $0x80;
	[sflag:s2] =	ssyncset.done $0x0  }
0xed: {  	s11 =	simm.s32 $0x100;
	s13 =	simm.s32 $0x180;
	[sflag:s2] =	ssyncadd.s32 $0xFFFFD880  }
0xee: {  	s5 =	simm.s32 $0xB;
	s14 =	simm.s32 $0x200;
	_ =	strace $0x90000050  }
0xef: {  	_ =	sfence.sel $0x180000  }
0xf0: {  	[bflag:$0x0] =	sbarrier.arrive $0xFFFF  }
0xf1: {  	_ =	strace $0x9000004D  }
0xf2: {  	s0 =	stileid.u32;
	[bflag:$0x2] =	sbarrier.arrive $0xFFFF  }
0xf3: {  	p0 =	sne.s32 s0, $0x0;
	s0 =	rddreg [dreg:$0x2]  }
0xf4: {  	s0 =	sadd.s32 @!p0 $0x100000, s0  }
0xf5: {  	[sflag:s0] =	ssyncadd.tile.s32 @!p0 $0x1;
	_ =	shalt  }
.Lfunc_end2:
_tile_overlayer_lowered:
.L_overlay_start_2:
0xf6: {  	(tag) =	ssettag $0x2  }
0xf7: {  	s0 =	rddreg [dreg:$0x0];
	s2 =	stileid.u32  }
0xf8: {  	s1 =	rddreg [dreg:$0x1];
	p0 =	sne.s32 s2, $0x0  }
0xf9: {  	s3 =	rddreg [dreg:$0x2];
	[bflag:$0x3] =	sbarrier.arrive $0xFFFF;
	s2 =	simm.s32 @!p0 $0x1C15  }
0xfa: {  	[timem:s3], [sflag:s2] =	dma.local @!p0 [hbm:s0], s1  }
0xfb: {  	s0 =	simm.s32 @!p0 $0x15  }
0xfc: {  	_ =	swait.ge @!p0 [sflag:s0], s1  }
0xfd: {  	s1 =	ssub.s32 @!p0 $0x0, s1;
	[sflag:s0] =	ssyncset.done @!p0 $0x0  }
0xfe: {  	[sflag:s0] =	ssyncadd.s32 @!p0 s1  }
0xff: {  	[bflag:$0x3] =	sbarrier.arrive $0xFFFF  }
0x100: {  	_ =	shalt  }

</sc_bundles>
